<compile_context>
chip_gen: v7x
topology: tpu7x:2x2x1
jax: 0.10.2.dev20260603
libtpu: 0.0.44.dev20260713+nightly
codegen_flags: <defaults>
</compile_context>

<pallas_src>
import functools

import jax
import jax.numpy as jnp
from jax import lax
from jax.experimental import pallas as pl
from jax.experimental.pallas import tpu as pltpu
from jax.experimental.pallas import tpu_sc as plsc

N = 10000
E = 160000
D = 256
DH = 128
EPSILON = 0.1
GAMMA = 0.1

NC = 2
NS = 16
NW = NC * NS
EW = E // NW
CH = 100
NCHUNK = EW // CH
NP = 10240
RPT = NP // NS
ZCH = 32
RB = 1000
NBLK = N // RB


def _fill_rows(ref, val):
    r, c = ref.shape
    assert c % 16 == 0

    def body(i, _):
        for j in range(c // 16):
            ref[i, pl.ds(j * 16, 16)] = jnp.full((16,), val, ref.dtype)
        return 0

    lax.fori_loop(0, r, body, 0)


def _sc_deg(eidx, deg_out, ones_v, idx_v, deg_sh):
    cid = lax.axis_index("c")
    sid = lax.axis_index("s")
    wid = sid * NC + cid

    _fill_rows(ones_v, 0.0)
    pltpu.sync_copy(eidx.at[1, wid], idx_v)

    zrow = sid * RPT
    for c in range(RPT // ZCH):
        pltpu.sync_copy(ones_v.at[pl.ds(0, ZCH)],
                        deg_sh.at[pl.ds(zrow + c * ZCH, ZCH)])
    _fill_rows(ones_v, 1.0)
    plsc.subcore_barrier()

    def add_chunk(j, _):
        pltpu.sync_copy(ones_v, deg_sh.at[idx_v.at[j]], add=True)
        return 0

    lax.fori_loop(0, NCHUNK, add_chunk, 0)
    plsc.subcore_barrier()

    pltpu.sync_copy(deg_sh.at[pl.ds(zrow, RPT)],
                    deg_out.at[cid, pl.ds(zrow, RPT)])


def _sc_edge_acc(h0, h1, eidx, acc_out, isrc_v, idst_v, rows0_v, rows1_v,
                 acc_sh, sem0, sem1):
    cid = lax.axis_index("c")
    sid = lax.axis_index("s")

    rows = (rows0_v, rows1_v)
    sems = (sem0, sem1)
    zrow = sid * RPT

    _fill_rows(rows0_v, 0.0)
    for c in range(RPT // ZCH):
        pltpu.sync_copy(rows0_v.at[pl.ds(0, ZCH)],
                        acc_sh.at[pl.ds(zrow + c * ZCH, ZCH)])
    plsc.subcore_barrier()

    for w2 in range(2):
        pltpu.sync_copy(eidx.at[0, 2 * sid + w2], isrc_v)
        pltpu.sync_copy(eidx.at[1, 2 * sid + w2], idst_v)

        for c in range(NC):
            table = h0 if c == 0 else h1

            @pl.when(cid == c)
            def _():
                pltpu.async_copy(table.at[isrc_v.at[0]], rows[0], sems[0])

                def pair(g, _):
                    for b in range(2):
                        j = 2 * g + b
                        nxt = j + 1
                        pltpu.make_async_copy(table.at[isrc_v.at[j]],
                                              rows[b], sems[b]).wait()

                        @pl.when(nxt < NCHUNK)
                        def _():
                            pltpu.async_copy(table.at[isrc_v.at[nxt]],
                                             rows[1 - b], sems[1 - b])

                        pltpu.sync_copy(rows[b],
                                        acc_sh.at[idst_v.at[j]], add=True)
                    return 0

                lax.fori_loop(0, NCHUNK // 2, pair, 0)

    plsc.subcore_barrier()
    pltpu.sync_copy(acc_sh.at[pl.ds(zrow, RPT)],
                    acc_out.at[cid, pl.ds(zrow, RPT)])


def _tc_gcn_mm_scale(x_ref, w_ref, degp_ref, h0_ref, h1_ref):
    h = lax.dot_general(
        x_ref[...], w_ref[...], (((1,), (1,)), ((), ())),
        preferred_element_type=jnp.float32)
    deg = 1.0 + degp_ref[0, :, 0] + degp_ref[1, :, 0]
    dinv = lax.rsqrt(deg)
    hs = h * dinv[:, None]
    h0_ref[...] = hs[:, :DH]
    h1_ref[...] = hs[:, DH:]


def _tc_tail(x_ref, h0_ref, h1_ref, acc_ref, degp_ref, a_ref, bias_ref,
             linw_ref, linb_ref, o_ref):
    deg = 1.0 + degp_ref[0, :, 0] + degp_ref[1, :, 0]
    dinv = lax.rsqrt(deg)
    acc = jnp.concatenate([acc_ref[0], acc_ref[1]], axis=-1)
    hs = jnp.concatenate([h0_ref[...], h1_ref[...]], axis=-1)
    agg = dinv[:, None] * (acc + hs)
    x = x_ref[...]
    pre = lax.dot_general(x, a_ref[...], (((1,), (1,)), ((), ())),
                          preferred_element_type=jnp.float32)
    pre = pre + agg + bias_ref[...]
    x2 = x + EPSILON * jnp.tanh(pre)
    x3 = jnp.where(x2 > 0, x2, jnp.exp(jnp.minimum(x2, 0.0)) - 1.0)
    o_ref[...] = lax.dot_general(x3, linw_ref[...], (((1,), (1,)), ((), ())),
                                 preferred_element_type=jnp.float32) + linb_ref[...]


def kernel(x, edge_index, W, bias, W_gcn, lin_W, lin_b):
    eidx = edge_index.astype(jnp.int32).reshape(2, NW, NCHUNK, CH)
    A = W - W.T - GAMMA * jnp.eye(D, dtype=W.dtype)
    bias2 = bias.reshape(1, D)
    linb2 = lin_b.reshape(1, D)

    mesh = plsc.VectorSubcoreMesh(core_axis_name="c", subcore_axis_name="s",
                                  num_cores=NC, num_subcores=NS)

    deg_kernel = pl.kernel(
        _sc_deg,
        out_type=jax.ShapeDtypeStruct((NC, NP, 16), jnp.float32),
        mesh=mesh,
        scratch_types=[
            pltpu.VMEM((CH, 16), jnp.float32),
            pltpu.VMEM((NCHUNK, CH), jnp.int32),
            pltpu.VMEM_SHARED((NP, 16), jnp.float32),
        ],
    )
    degp = deg_kernel(eidx)

    h0, h1 = pl.pallas_call(
        _tc_gcn_mm_scale,
        grid=(NBLK,),
        in_specs=[
            pl.BlockSpec((RB, D), lambda i: (i, 0)),
            pl.BlockSpec((D, D), lambda i: (0, 0)),
            pl.BlockSpec((NC, RB, 16), lambda i: (0, i, 0)),
        ],
        out_specs=[
            pl.BlockSpec((RB, DH), lambda i: (i, 0)),
            pl.BlockSpec((RB, DH), lambda i: (i, 0)),
        ],
        out_shape=[
            jax.ShapeDtypeStruct((N, DH), jnp.float32),
            jax.ShapeDtypeStruct((N, DH), jnp.float32),
        ],
    )(x, W_gcn, degp)

    acc_kernel = pl.kernel(
        _sc_edge_acc,
        out_type=jax.ShapeDtypeStruct((NC, NP, DH), jnp.float32),
        mesh=mesh,
        scratch_types=[
            pltpu.VMEM((NCHUNK, CH), jnp.int32),
            pltpu.VMEM((NCHUNK, CH), jnp.int32),
            pltpu.VMEM((CH, DH), jnp.float32),
            pltpu.VMEM((CH, DH), jnp.float32),
            pltpu.VMEM_SHARED((NP, DH), jnp.float32),
            pltpu.SemaphoreType.DMA,
            pltpu.SemaphoreType.DMA,
        ],
    )
    accp = acc_kernel(h0, h1, eidx)

    out = pl.pallas_call(
        _tc_tail,
        grid=(NBLK,),
        in_specs=[
            pl.BlockSpec((RB, D), lambda i: (i, 0)),
            pl.BlockSpec((RB, DH), lambda i: (i, 0)),
            pl.BlockSpec((RB, DH), lambda i: (i, 0)),
            pl.BlockSpec((NC, RB, DH), lambda i: (0, i, 0)),
            pl.BlockSpec((NC, RB, 16), lambda i: (0, i, 0)),
            pl.BlockSpec((D, D), lambda i: (0, 0)),
            pl.BlockSpec((1, D), lambda i: (0, 0)),
            pl.BlockSpec((D, D), lambda i: (0, 0)),
            pl.BlockSpec((1, D), lambda i: (0, 0)),
        ],
        out_specs=pl.BlockSpec((RB, D), lambda i: (i, 0)),
        out_shape=jax.ShapeDtypeStruct((N, D), jnp.float32),
    )(x, h0, h1, accp, degp, A, bias2, lin_W, linb2)

    return out

# --- scband reference (transcript-rebuilt; emitter-appended) ---
"""Pipeline reference for scband-anti-symmetric-conv-gnn-86938728005831 (READ-ONLY COPY).

The authoritative reference and input builder live on the scoring server;
editing this copy changes nothing except your own understanding.
"""

import jax, jax.numpy as jnp
import numpy as np

N = 10000
E = 160000
D_IN = 256
D_OUT = 256
EPSILON = 0.1
GAMMA = 0.1


def setup_inputs(seed: int = 0) -> dict:
    key = jax.random.key(seed)
    ks = jax.random.split(key, 7)
    x = jax.random.normal(ks[0], (N, D_IN), dtype=jnp.float32)
    edge_index = jax.random.randint(ks[1], (2, E), 0, N)
    scale = 1.0 / np.sqrt(D_IN)
    W = jax.random.normal(ks[2], (D_IN, D_IN), dtype=jnp.float32) * scale
    bias = jnp.zeros((D_IN,), dtype=jnp.float32)
    W_gcn = jax.random.normal(ks[3], (D_IN, D_IN), dtype=jnp.float32) * scale
    lin_W = jax.random.normal(ks[4], (D_OUT, D_IN), dtype=jnp.float32) * scale
    lin_b = jnp.zeros((D_OUT,), dtype=jnp.float32)
    return {"x": x, "edge_index": edge_index, "W": W, "bias": bias,
            "W_gcn": W_gcn, "lin_W": lin_W, "lin_b": lin_b}


def _gcn_conv(x, edge_index, W_gcn):
    # GCNConv(in, in, bias=False): out = D^{-1/2}(A+I)D^{-1/2} (x @ W_gcn^T)
    src = edge_index[0]
    dst = edge_index[1]
    loop = jnp.arange(N, dtype=src.dtype)
    src = jnp.concatenate([src, loop])
    dst = jnp.concatenate([dst, loop])
    deg = jnp.zeros((N,), dtype=jnp.float32).at[dst].add(1.0)
    dinv = jnp.where(deg > 0, 1.0 / jnp.sqrt(deg), 0.0)
    norm = dinv[src] * dinv[dst]
    h = x @ W_gcn.T
    msgs = h[src] * norm[:, None]
    out = jnp.zeros((N, h.shape[1]), dtype=h.dtype).at[dst].add(msgs)
    return out


def reference(x, edge_index, W, bias, W_gcn, lin_W, lin_b):
    # AntiSymmetricConv (PyG defaults: num_iters=1, epsilon=0.1, gamma=0.1, act=tanh, phi=GCNConv)
    antisym_W = W - W.T - GAMMA * jnp.eye(D_IN, dtype=W.dtype)
    h = _gcn_conv(x, edge_index, W_gcn)
    h = x @ antisym_W.T + h
    h = h + bias
    h = jnp.tanh(h)
    x = x + EPSILON * h
    # ELU + Linear
    x = jax.nn.elu(x)
    out = x @ lin_W.T + lin_b
    return out

if __name__ == "__main__":
    import jax
    _d = setup_inputs()
    print(jax.jit(kernel)(*tuple(_d.values())))

</pallas_src>

<mosaic_0001>
#map = affine_map<(d0, d1) -> (0, 0, 0, 0)>
#map1 = affine_map<(d0, d1) -> (0, 0, 0)>
module attributes {stable_mosaic.version = 14 : i64} {
  func.func @_sc_deg(%arg0: i32, %arg1: i32, %arg2: memref<2x32x50x100xi32, #tpu.memory_space<hbm>>, %arg3: memref<2x10240x16xf32, #tpu.memory_space<hbm>>, %arg4: memref<100x16xf32, #tpu.memory_space<vmem>>, %arg5: memref<50x100xi32, #tpu.memory_space<vmem>>, %arg6: memref<10240x16xf32, #tpu.memory_space<vmem_shared>>) attributes {dimension_semantics = [#tpu.dimension_semantics<core_parallel>, #tpu.dimension_semantics<subcore_parallel>], iteration_bounds = array<i64: 2, 16>, scalar_prefetch = 0 : i64, scratch_operands = 3 : i64, tpu.core_type = #tpu.core_type<sc_vector_subcore>, window_params = [{transform_indices = #map}, {transform_indices = #map1}]} {
    %mul3A = arith.constant 2 : i32
    %mul3A_0 = arith.muli %arg1, %mul3A : i32
    %add3A = arith.addi %mul3A_0, %arg0 : i32
    %scan3A = arith.constant 0 : i32
    %scan3A_1 = arith.constant 0 : i32
    %scan3A_2 = arith.constant 100 : i32
    %scan3A_3 = arith.addi %scan3A_1, %scan3A_2 : i32
    %scan3A_4 = arith.constant 1 : i32
    %scan3A_5 = scf.for %scan3A_64 = %scan3A_1 to %scan3A_3 step %scan3A_4 iter_args(%scan3A_65 = %scan3A) -> (i32)  : i32 {
      %broadcast_in_dim3A = arith.constant 0.000000e+00 : f32
      %broadcast_in_dim3A_66 = vector.broadcast %broadcast_in_dim3A : f32 to vector<16xf32>
      %swap3A = arith.index_cast %scan3A_64 : i32 to index
      %swap3A_67 = arith.constant 0 : index
      %swap3A_68 = tpu.vector_load %arg4[%swap3A, %swap3A_67] {strides = array<i32>} : memref<100x16xf32, #tpu.memory_space<vmem>>, vector<1x16xf32>,
      %swap3A_69 = vector.shape_cast %swap3A_68 : vector<1x16xf32> to vector<16xf32>
      %swap3A_70 = vector.shape_cast %broadcast_in_dim3A_66 : vector<16xf32> to vector<1x16xf32>
      tpu.vector_store %arg4[%swap3A, %swap3A_67], %swap3A_70 {strides = array<i32>} : memref<100x16xf32, #tpu.memory_space<vmem>>, vector<1x16xf32>,
      %scan3A_71 = arith.constant 0 : i32
      scf.yield %scan3A_71 : i32
    }
    %scan3A_6 = arith.constant 100 : i32
    %run_scoped3A = arith.constant 1 : i32
    "tpu.region"() ({
      %run_scoped3A_64 = tpu.sem_alloc : memref<!tpu.dma_semaphore, #tpu.memory_space<semaphore_mem>>
      %dma_start3A = arith.constant 0 : i32
      %dma_start3A_65 = arith.constant 0 : i32
      %dma_start3A_66 = tpu.memref_slice %arg2[%run_scoped3A, %add3A, %dma_start3A, %dma_start3A_65] : memref<2x32x50x100xi32, #tpu.memory_space<hbm>> -> memref<1x1x50x100xi32, #tpu.memory_space<hbm>>
      %dma_start3A_67 = tpu.memref_squeeze %dma_start3A_66 : memref<1x1x50x100xi32, #tpu.memory_space<hbm>> -> memref<50x100xi32, #tpu.memory_space<hbm>>
      %dma_start3A_68 = arith.constant 0 : i32
      %dma_start3A_69 = arith.constant 0 : i32
      %dma_start3A_70 = tpu.memref_slice %arg2[%run_scoped3A, %add3A, %dma_start3A_68, %dma_start3A_69] : memref<2x32x50x100xi32, #tpu.memory_space<hbm>> -> memref<1x1x50x100xi32, #tpu.memory_space<hbm>>
      %dma_start3A_71 = tpu.memref_squeeze %dma_start3A_70 : memref<1x1x50x100xi32, #tpu.memory_space<hbm>> -> memref<50x100xi32, #tpu.memory_space<hbm>>
      tpu.enqueue_dma source(%dma_start3A_71 : memref<50x100xi32, #tpu.memory_space<hbm>>) target(%arg5 : memref<50x100xi32, #tpu.memory_space<vmem>>) target_semaphore(%run_scoped3A_64 : memref<!tpu.dma_semaphore, #tpu.memory_space<semaphore_mem>>)
      %dma_wait3A = arith.constant 0 : i32
      %dma_wait3A_72 = arith.constant 0 : i32
      %dma_wait3A_73 = tpu.memref_slice %arg2[%run_scoped3A, %add3A, %dma_wait3A, %dma_wait3A_72] : memref<2x32x50x100xi32, #tpu.memory_space<hbm>> -> memref<1x1x50x100xi32, #tpu.memory_space<hbm>>
      %dma_wait3A_74 = tpu.memref_squeeze %dma_wait3A_73 : memref<1x1x50x100xi32, #tpu.memory_space<hbm>> -> memref<50x100xi32, #tpu.memory_space<hbm>>
      %dma_wait3A_75 = arith.constant 0 : i32
      %dma_wait3A_76 = arith.constant 0 : i32
      %dma_wait3A_77 = tpu.memref_slice %arg2[%run_scoped3A, %add3A, %dma_wait3A_75, %dma_wait3A_76] : memref<2x32x50x100xi32, #tpu.memory_space<hbm>> -> memref<1x1x50x100xi32, #tpu.memory_space<hbm>>
      %dma_wait3A_78 = tpu.memref_squeeze %dma_wait3A_77 : memref<1x1x50x100xi32, #tpu.memory_space<hbm>> -> memref<50x100xi32, #tpu.memory_space<hbm>>
      tpu.wait_dma2 semaphore(%run_scoped3A_64 : memref<!tpu.dma_semaphore, #tpu.memory_space<semaphore_mem>>) src(%dma_wait3A_78 : memref<50x100xi32, #tpu.memory_space<hbm>>) dst(%arg5 : memref<50x100xi32, #tpu.memory_space<vmem>>)
      tpu.yield
    }) : () -> ()
    %mul3A_7 = arith.constant 640 : i32
    %mul3A_8 = arith.muli %arg1, %mul3A_7 : i32
    %add3A_9 = arith.constant 0 : i32
    %add3A_10 = arith.addi %mul3A_8, %add3A_9 : i32
    "tpu.region"() ({
      %run_scoped3A_64 = tpu.sem_alloc : memref<!tpu.dma_semaphore, #tpu.memory_space<semaphore_mem>>
      %dma_start3A = arith.constant 0 : i32
      %dma_start3A_65 = arith.constant 0 : i32
      %dma_start3A_66 = tpu.memref_slice %arg4[%dma_start3A, %dma_start3A_65] : memref<100x16xf32, #tpu.memory_space<vmem>> -> memref<32x16xf32, #tpu.memory_space<vmem>>
      %dma_start3A_67 = arith.constant 0 : i32
      %dma_start3A_68 = tpu.memref_slice %arg6[%add3A_10, %dma_start3A_67] : memref<10240x16xf32, #tpu.memory_space<vmem_shared>> -> memref<32x16xf32, #tpu.memory_space<vmem_shared>>
      %dma_start3A_69 = arith.constant 0 : i32
      %dma_start3A_70 = tpu.memref_slice %arg6[%add3A_10, %dma_start3A_69] : memref<10240x16xf32, #tpu.memory_space<vmem_shared>> -> memref<32x16xf32, #tpu.memory_space<vmem_shared>>
      %dma_start3A_71 = arith.constant 0 : i32
      %dma_start3A_72 = arith.constant 0 : i32
      %dma_start3A_73 = tpu.memref_slice %arg4[%dma_start3A_71, %dma_start3A_72] : memref<100x16xf32, #tpu.memory_space<vmem>> -> memref<32x16xf32, #tpu.memory_space<vmem>>
      tpu.enqueue_dma source(%dma_start3A_73 : memref<32x16xf32, #tpu.memory_space<vmem>>) target(%dma_start3A_70 : memref<32x16xf32, #tpu.memory_space<vmem_shared>>) target_semaphore(%run_scoped3A_64 : memref<!tpu.dma_semaphore, #tpu.memory_space<semaphore_mem>>)
      %dma_wait3A = arith.constant 0 : i32
      %dma_wait3A_74 = arith.constant 0 : i32
      %dma_wait3A_75 = tpu.memref_slice %arg4[%dma_wait3A, %dma_wait3A_74] : memref<100x16xf32, #tpu.memory_space<vmem>> -> memref<32x16xf32, #tpu.memory_space<vmem>>
      %dma_wait3A_76 = arith.constant 0 : i32
      %dma_wait3A_77 = tpu.memref_slice %arg6[%add3A_10, %dma_wait3A_76] : memref<10240x16xf32, #tpu.memory_space<vmem_shared>> -> memref<32x16xf32, #tpu.memory_space<vmem_shared>>
      %dma_wait3A_78 = arith.constant 0 : i32
      %dma_wait3A_79 = tpu.memref_slice %arg6[%add3A_10, %dma_wait3A_78] : memref<10240x16xf32, #tpu.memory_space<vmem_shared>> -> memref<32x16xf32, #tpu.memory_space<vmem_shared>>
      %dma_wait3A_80 = arith.constant 0 : i32
      %dma_wait3A_81 = arith.constant 0 : i32
      %dma_wait3A_82 = tpu.memref_slice %arg4[%dma_wait3A_80, %dma_wait3A_81] : memref<100x16xf32, #tpu.memory_space<vmem>> -> memref<32x16xf32, #tpu.memory_space<vmem>>
      tpu.wait_dma2 semaphore(%run_scoped3A_64 : memref<!tpu.dma_semaphore, #tpu.memory_space<semaphore_mem>>) src(%dma_wait3A_82 : memref<32x16xf32, #tpu.memory_space<vmem>>) dst(%dma_wait3A_79 : memref<32x16xf32, #tpu.memory_space<vmem_shared>>)
      tpu.yield
    }) : () -> ()
    %add3A_11 = arith.constant 32 : i32
    %add3A_12 = arith.addi %mul3A_8, %add3A_11 : i32
    "tpu.region"() ({
      %run_scoped3A_64 = tpu.sem_alloc : memref<!tpu.dma_semaphore, #tpu.memory_space<semaphore_mem>>
      %dma_start3A = arith.constant 0 : i32
      %dma_start3A_65 = arith.constant 0 : i32
      %dma_start3A_66 = tpu.memref_slice %arg4[%dma_start3A, %dma_start3A_65] : memref<100x16xf32, #tpu.memory_space<vmem>> -> memref<32x16xf32, #tpu.memory_space<vmem>>
      %dma_start3A_67 = arith.constant 0 : i32
      %dma_start3A_68 = tpu.memref_slice %arg6[%add3A_12, %dma_start3A_67] : memref<10240x16xf32, #tpu.memory_space<vmem_shared>> -> memref<32x16xf32, #tpu.memory_space<vmem_shared>>
      %dma_start3A_69 = arith.constant 0 : i32
      %dma_start3A_70 = tpu.memref_slice %arg6[%add3A_12, %dma_start3A_69] : memref<10240x16xf32, #tpu.memory_space<vmem_shared>> -> memref<32x16xf32, #tpu.memory_space<vmem_shared>>
      %dma_start3A_71 = arith.constant 0 : i32
      %dma_start3A_72 = arith.constant 0 : i32
      %dma_start3A_73 = tpu.memref_slice %arg4[%dma_start3A_71, %dma_start3A_72] : memref<100x16xf32, #tpu.memory_space<vmem>> -> memref<32x16xf32, #tpu.memory_space<vmem>>
      tpu.enqueue_dma source(%dma_start3A_73 : memref<32x16xf32, #tpu.memory_space<vmem>>) target(%dma_start3A_70 : memref<32x16xf32, #tpu.memory_space<vmem_shared>>) target_semaphore(%run_scoped3A_64 : memref<!tpu.dma_semaphore, #tpu.memory_space<semaphore_mem>>)
      %dma_wait3A = arith.constant 0 : i32
      %dma_wait3A_74 = arith.constant 0 : i32
      %dma_wait3A_75 = tpu.memref_slice %arg4[%dma_wait3A, %dma_wait3A_74] : memref<100x16xf32, #tpu.memory_space<vmem>> -> memref<32x16xf32, #tpu.memory_space<vmem>>
      %dma_wait3A_76 = arith.constant 0 : i32
      %dma_wait3A_77 = tpu.memref_slice %arg6[%add3A_12, %dma_wait3A_76] : memref<10240x16xf32, #tpu.memory_space<vmem_shared>> -> memref<32x16xf32, #tpu.memory_space<vmem_shared>>
      %dma_wait3A_78 = arith.constant 0 : i32
      %dma_wait3A_79 = tpu.memref_slice %arg6[%add3A_12, %dma_wait3A_78] : memref<10240x16xf32, #tpu.memory_space<vmem_shared>> -> memref<32x16xf32, #tpu.memory_space<vmem_shared>>
      %dma_wait3A_80 = arith.constant 0 : i32
      %dma_wait3A_81 = arith.constant 0 : i32
      %dma_wait3A_82 = tpu.memref_slice %arg4[%dma_wait3A_80, %dma_wait3A_81] : memref<100x16xf32, #tpu.memory_space<vmem>> -> memref<32x16xf32, #tpu.memory_space<vmem>>
      tpu.wait_dma2 semaphore(%run_scoped3A_64 : memref<!tpu.dma_semaphore, #tpu.memory_space<semaphore_mem>>) src(%dma_wait3A_82 : memref<32x16xf32, #tpu.memory_space<vmem>>) dst(%dma_wait3A_79 : memref<32x16xf32, #tpu.memory_space<vmem_shared>>)
      tpu.yield
    }) : () -> ()
    %add3A_13 = arith.constant 64 : i32
    %add3A_14 = arith.addi %mul3A_8, %add3A_13 : i32
    "tpu.region"() ({
      %run_scoped3A_64 = tpu.sem_alloc : memref<!tpu.dma_semaphore, #tpu.memory_space<semaphore_mem>>
      %dma_start3A = arith.constant 0 : i32
      %dma_start3A_65 = arith.constant 0 : i32
      %dma_start3A_66 = tpu.memref_slice %arg4[%dma_start3A, %dma_start3A_65] : memref<100x16xf32, #tpu.memory_space<vmem>> -> memref<32x16xf32, #tpu.memory_space<vmem>>
      %dma_start3A_67 = arith.constant 0 : i32
      %dma_start3A_68 = tpu.memref_slice %arg6[%add3A_14, %dma_start3A_67] : memref<10240x16xf32, #tpu.memory_space<vmem_shared>> -> memref<32x16xf32, #tpu.memory_space<vmem_shared>>
      %dma_start3A_69 = arith.constant 0 : i32
      %dma_start3A_70 = tpu.memref_slice %arg6[%add3A_14, %dma_start3A_69] : memref<10240x16xf32, #tpu.memory_space<vmem_shared>> -> memref<32x16xf32, #tpu.memory_space<vmem_shared>>
      %dma_start3A_71 = arith.constant 0 : i32
      %dma_start3A_72 = arith.constant 0 : i32
      %dma_start3A_73 = tpu.memref_slice %arg4[%dma_start3A_71, %dma_start3A_72] : memref<100x16xf32, #tpu.memory_space<vmem>> -> memref<32x16xf32, #tpu.memory_space<vmem>>
      tpu.enqueue_dma source(%dma_start3A_73 : memref<32x16xf32, #tpu.memory_space<vmem>>) target(%dma_start3A_70 : memref<32x16xf32, #tpu.memory_space<vmem_shared>>) target_semaphore(%run_scoped3A_64 : memref<!tpu.dma_semaphore, #tpu.memory_space<semaphore_mem>>)
      %dma_wait3A = arith.constant 0 : i32
      %dma_wait3A_74 = arith.constant 0 : i32
      %dma_wait3A_75 = tpu.memref_slice %arg4[%dma_wait3A, %dma_wait3A_74] : memref<100x16xf32, #tpu.memory_space<vmem>> -> memref<32x16xf32, #tpu.memory_space<vmem>>
      %dma_wait3A_76 = arith.constant 0 : i32
      %dma_wait3A_77 = tpu.memref_slice %arg6[%add3A_14, %dma_wait3A_76] : memref<10240x16xf32, #tpu.memory_space<vmem_shared>> -> memref<32x16xf32, #tpu.memory_space<vmem_shared>>
      %dma_wait3A_78 = arith.constant 0 : i32
      %dma_wait3A_79 = tpu.memref_slice %arg6[%add3A_14, %dma_wait3A_78] : memref<10240x16xf32, #tpu.memory_space<vmem_shared>> -> memref<32x16xf32, #tpu.memory_space<vmem_shared>>
      %dma_wait3A_80 = arith.constant 0 : i32
      %dma_wait3A_81 = arith.constant 0 : i32
      %dma_wait3A_82 = tpu.memref_slice %arg4[%dma_wait3A_80, %dma_wait3A_81] : memref<100x16xf32, #tpu.memory_space<vmem>> -> memref<32x16xf32, #tpu.memory_space<vmem>>
      tpu.wait_dma2 semaphore(%run_scoped3A_64 : memref<!tpu.dma_semaphore, #tpu.memory_space<semaphore_mem>>) src(%dma_wait3A_82 : memref<32x16xf32, #tpu.memory_space<vmem>>) dst(%dma_wait3A_79 : memref<32x16xf32, #tpu.memory_space<vmem_shared>>)
      tpu.yield
    }) : () -> ()
    %add3A_15 = arith.constant 96 : i32
    %add3A_16 = arith.addi %mul3A_8, %add3A_15 : i32
    "tpu.region"() ({
      %run_scoped3A_64 = tpu.sem_alloc : memref<!tpu.dma_semaphore, #tpu.memory_space<semaphore_mem>>
      %dma_start3A = arith.constant 0 : i32
      %dma_start3A_65 = arith.constant 0 : i32
      %dma_start3A_66 = tpu.memref_slice %arg4[%dma_start3A, %dma_start3A_65] : memref<100x16xf32, #tpu.memory_space<vmem>> -> memref<32x16xf32, #tpu.memory_space<vmem>>
      %dma_start3A_67 = arith.constant 0 : i32
      %dma_start3A_68 = tpu.memref_slice %arg6[%add3A_16, %dma_start3A_67] : memref<10240x16xf32, #tpu.memory_space<vmem_shared>> -> memref<32x16xf32, #tpu.memory_space<vmem_shared>>
      %dma_start3A_69 = arith.constant 0 : i32
      %dma_start3A_70 = tpu.memref_slice %arg6[%add3A_16, %dma_start3A_69] : memref<10240x16xf32, #tpu.memory_space<vmem_shared>> -> memref<32x16xf32, #tpu.memory_space<vmem_shared>>
      %dma_start3A_71 = arith.constant 0 : i32
      %dma_start3A_72 = arith.constant 0 : i32
      %dma_start3A_73 = tpu.memref_slice %arg4[%dma_start3A_71, %dma_start3A_72] : memref<100x16xf32, #tpu.memory_space<vmem>> -> memref<32x16xf32, #tpu.memory_space<vmem>>
      tpu.enqueue_dma source(%dma_start3A_73 : memref<32x16xf32, #tpu.memory_space<vmem>>) target(%dma_start3A_70 : memref<32x16xf32, #tpu.memory_space<vmem_shared>>) target_semaphore(%run_scoped3A_64 : memref<!tpu.dma_semaphore, #tpu.memory_space<semaphore_mem>>)
      %dma_wait3A = arith.constant 0 : i32
      %dma_wait3A_74 = arith.constant 0 : i32
      %dma_wait3A_75 = tpu.memref_slice %arg4[%dma_wait3A, %dma_wait3A_74] : memref<100x16xf32, #tpu.memory_space<vmem>> -> memref<32x16xf32, #tpu.memory_space<vmem>>
      %dma_wait3A_76 = arith.constant 0 : i32
      %dma_wait3A_77 = tpu.memref_slice %arg6[%add3A_16, %dma_wait3A_76] : memref<10240x16xf32, #tpu.memory_space<vmem_shared>> -> memref<32x16xf32, #tpu.memory_space<vmem_shared>>
      %dma_wait3A_78 = arith.constant 0 : i32
      %dma_wait3A_79 = tpu.memref_slice %arg6[%add3A_16, %dma_wait3A_78] : memref<10240x16xf32, #tpu.memory_space<vmem_shared>> -> memref<32x16xf32, #tpu.memory_space<vmem_shared>>
      %dma_wait3A_80 = arith.constant 0 : i32
      %dma_wait3A_81 = arith.constant 0 : i32
      %dma_wait3A_82 = tpu.memref_slice %arg4[%dma_wait3A_80, %dma_wait3A_81] : memref<100x16xf32, #tpu.memory_space<vmem>> -> memref<32x16xf32, #tpu.memory_space<vmem>>
      tpu.wait_dma2 semaphore(%run_scoped3A_64 : memref<!tpu.dma_semaphore, #tpu.memory_space<semaphore_mem>>) src(%dma_wait3A_82 : memref<32x16xf32, #tpu.memory_space<vmem>>) dst(%dma_wait3A_79 : memref<32x16xf32, #tpu.memory_space<vmem_shared>>)
      tpu.yield
    }) : () -> ()
    %add3A_17 = arith.constant 128 : i32
    %add3A_18 = arith.addi %mul3A_8, %add3A_17 : i32
    "tpu.region"() ({
      %run_scoped3A_64 = tpu.sem_alloc : memref<!tpu.dma_semaphore, #tpu.memory_space<semaphore_mem>>
      %dma_start3A = arith.constant 0 : i32
      %dma_start3A_65 = arith.constant 0 : i32
      %dma_start3A_66 = tpu.memref_slice %arg4[%dma_start3A, %dma_start3A_65] : memref<100x16xf32, #tpu.memory_space<vmem>> -> memref<32x16xf32, #tpu.memory_space<vmem>>
      %dma_start3A_67 = arith.constant 0 : i32
      %dma_start3A_68 = tpu.memref_slice %arg6[%add3A_18, %dma_start3A_67] : memref<10240x16xf32, #tpu.memory_space<vmem_shared>> -> memref<32x16xf32, #tpu.memory_space<vmem_shared>>
      %dma_start3A_69 = arith.constant 0 : i32
      %dma_start3A_70 = tpu.memref_slice %arg6[%add3A_18, %dma_start3A_69] : memref<10240x16xf32, #tpu.memory_space<vmem_shared>> -> memref<32x16xf32, #tpu.memory_space<vmem_shared>>
      %dma_start3A_71 = arith.constant 0 : i32
      %dma_start3A_72 = arith.constant 0 : i32
      %dma_start3A_73 = tpu.memref_slice %arg4[%dma_start3A_71, %dma_start3A_72] : memref<100x16xf32, #tpu.memory_space<vmem>> -> memref<32x16xf32, #tpu.memory_space<vmem>>
      tpu.enqueue_dma source(%dma_start3A_73 : memref<32x16xf32, #tpu.memory_space<vmem>>) target(%dma_start3A_70 : memref<32x16xf32, #tpu.memory_space<vmem_shared>>) target_semaphore(%run_scoped3A_64 : memref<!tpu.dma_semaphore, #tpu.memory_space<semaphore_mem>>)
      %dma_wait3A = arith.constant 0 : i32
      %dma_wait3A_74 = arith.constant 0 : i32
      %dma_wait3A_75 = tpu.memref_slice %arg4[%dma_wait3A, %dma_wait3A_74] : memref<100x16xf32, #tpu.memory_space<vmem>> -> memref<32x16xf32, #tpu.memory_space<vmem>>
      %dma_wait3A_76 = arith.constant 0 : i32
      %dma_wait3A_77 = tpu.memref_slice %arg6[%add3A_18, %dma_wait3A_76] : memref<10240x16xf32, #tpu.memory_space<vmem_shared>> -> memref<32x16xf32, #tpu.memory_space<vmem_shared>>
      %dma_wait3A_78 = arith.constant 0 : i32
      %dma_wait3A_79 = tpu.memref_slice %arg6[%add3A_18, %dma_wait3A_78] : memref<10240x16xf32, #tpu.memory_space<vmem_shared>> -> memref<32x16xf32, #tpu.memory_space<vmem_shared>>
      %dma_wait3A_80 = arith.constant 0 : i32
      %dma_wait3A_81 = arith.constant 0 : i32
      %dma_wait3A_82 = tpu.memref_slice %arg4[%dma_wait3A_80, %dma_wait3A_81] : memref<100x16xf32, #tpu.memory_space<vmem>> -> memref<32x16xf32, #tpu.memory_space<vmem>>
      tpu.wait_dma2 semaphore(%run_scoped3A_64 : memref<!tpu.dma_semaphore, #tpu.memory_space<semaphore_mem>>) src(%dma_wait3A_82 : memref<32x16xf32, #tpu.memory_space<vmem>>) dst(%dma_wait3A_79 : memref<32x16xf32, #tpu.memory_space<vmem_shared>>)
      tpu.yield
    }) : () -> ()
    %add3A_19 = arith.constant 160 : i32
    %add3A_20 = arith.addi %mul3A_8, %add3A_19 : i32
    "tpu.region"() ({
      %run_scoped3A_64 = tpu.sem_alloc : memref<!tpu.dma_semaphore, #tpu.memory_space<semaphore_mem>>
      %dma_start3A = arith.constant 0 : i32
      %dma_start3A_65 = arith.constant 0 : i32
      %dma_start3A_66 = tpu.memref_slice %arg4[%dma_start3A, %dma_start3A_65] : memref<100x16xf32, #tpu.memory_space<vmem>> -> memref<32x16xf32, #tpu.memory_space<vmem>>
      %dma_start3A_67 = arith.constant 0 : i32
      %dma_start3A_68 = tpu.memref_slice %arg6[%add3A_20, %dma_start3A_67] : memref<10240x16xf32, #tpu.memory_space<vmem_shared>> -> memref<32x16xf32, #tpu.memory_space<vmem_shared>>
      %dma_start3A_69 = arith.constant 0 : i32
      %dma_start3A_70 = tpu.memref_slice %arg6[%add3A_20, %dma_start3A_69] : memref<10240x16xf32, #tpu.memory_space<vmem_shared>> -> memref<32x16xf32, #tpu.memory_space<vmem_shared>>
      %dma_start3A_71 = arith.constant 0 : i32
      %dma_start3A_72 = arith.constant 0 : i32
      %dma_start3A_73 = tpu.memref_slice %arg4[%dma_start3A_71, %dma_start3A_72] : memref<100x16xf32, #tpu.memory_space<vmem>> -> memref<32x16xf32, #tpu.memory_space<vmem>>
      tpu.enqueue_dma source(%dma_start3A_73 : memref<32x16xf32, #tpu.memory_space<vmem>>) target(%dma_start3A_70 : memref<32x16xf32, #tpu.memory_space<vmem_shared>>) target_semaphore(%run_scoped3A_64 : memref<!tpu.dma_semaphore, #tpu.memory_space<semaphore_mem>>)
      %dma_wait3A = arith.constant 0 : i32
      %dma_wait3A_74 = arith.constant 0 : i32
      %dma_wait3A_75 = tpu.memref_slice %arg4[%dma_wait3A, %dma_wait3A_74] : memref<100x16xf32, #tpu.memory_space<vmem>> -> memref<32x16xf32, #tpu.memory_space<vmem>>
      %dma_wait3A_76 = arith.constant 0 : i32
      %dma_wait3A_77 = tpu.memref_slice %arg6[%add3A_20, %dma_wait3A_76] : memref<10240x16xf32, #tpu.memory_space<vmem_shared>> -> memref<32x16xf32, #tpu.memory_space<vmem_shared>>
      %dma_wait3A_78 = arith.constant 0 : i32
      %dma_wait3A_79 = tpu.memref_slice %arg6[%add3A_20, %dma_wait3A_78] : memref<10240x16xf32, #tpu.memory_space<vmem_shared>> -> memref<32x16xf32, #tpu.memory_space<vmem_shared>>
      %dma_wait3A_80 = arith.constant 0 : i32
      %dma_wait3A_81 = arith.constant 0 : i32
      %dma_wait3A_82 = tpu.memref_slice %arg4[%dma_wait3A_80, %dma_wait3A_81] : memref<100x16xf32, #tpu.memory_space<vmem>> -> memref<32x16xf32, #tpu.memory_space<vmem>>
      tpu.wait_dma2 semaphore(%run_scoped3A_64 : memref<!tpu.dma_semaphore, #tpu.memory_space<semaphore_mem>>) src(%dma_wait3A_82 : memref<32x16xf32, #tpu.memory_space<vmem>>) dst(%dma_wait3A_79 : memref<32x16xf32, #tpu.memory_space<vmem_shared>>)
      tpu.yield
    }) : () -> ()
    %add3A_21 = arith.constant 192 : i32
    %add3A_22 = arith.addi %mul3A_8, %add3A_21 : i32
    "tpu.region"() ({
      %run_scoped3A_64 = tpu.sem_alloc : memref<!tpu.dma_semaphore, #tpu.memory_space<semaphore_mem>>
      %dma_start3A = arith.constant 0 : i32
      %dma_start3A_65 = arith.constant 0 : i32
      %dma_start3A_66 = tpu.memref_slice %arg4[%dma_start3A, %dma_start3A_65] : memref<100x16xf32, #tpu.memory_space<vmem>> -> memref<32x16xf32, #tpu.memory_space<vmem>>
      %dma_start3A_67 = arith.constant 0 : i32
      %dma_start3A_68 = tpu.memref_slice %arg6[%add3A_22, %dma_start3A_67] : memref<10240x16xf32, #tpu.memory_space<vmem_shared>> -> memref<32x16xf32, #tpu.memory_space<vmem_shared>>
      %dma_start3A_69 = arith.constant 0 : i32
      %dma_start3A_70 = tpu.memref_slice %arg6[%add3A_22, %dma_start3A_69] : memref<10240x16xf32, #tpu.memory_space<vmem_shared>> -> memref<32x16xf32, #tpu.memory_space<vmem_shared>>
      %dma_start3A_71 = arith.constant 0 : i32
      %dma_start3A_72 = arith.constant 0 : i32
      %dma_start3A_73 = tpu.memref_slice %arg4[%dma_start3A_71, %dma_start3A_72] : memref<100x16xf32, #tpu.memory_space<vmem>> -> memref<32x16xf32, #tpu.memory_space<vmem>>
      tpu.enqueue_dma source(%dma_start3A_73 : memref<32x16xf32, #tpu.memory_space<vmem>>) target(%dma_start3A_70 : memref<32x16xf32, #tpu.memory_space<vmem_shared>>) target_semaphore(%run_scoped3A_64 : memref<!tpu.dma_semaphore, #tpu.memory_space<semaphore_mem>>)
      %dma_wait3A = arith.constant 0 : i32
      %dma_wait3A_74 = arith.constant 0 : i32
      %dma_wait3A_75 = tpu.memref_slice %arg4[%dma_wait3A, %dma_wait3A_74] : memref<100x16xf32, #tpu.memory_space<vmem>> -> memref<32x16xf32, #tpu.memory_space<vmem>>
      %dma_wait3A_76 = arith.constant 0 : i32
      %dma_wait3A_77 = tpu.memref_slice %arg6[%add3A_22, %dma_wait3A_76] : memref<10240x16xf32, #tpu.memory_space<vmem_shared>> -> memref<32x16xf32, #tpu.memory_space<vmem_shared>>
      %dma_wait3A_78 = arith.constant 0 : i32
      %dma_wait3A_79 = tpu.memref_slice %arg6[%add3A_22, %dma_wait3A_78] : memref<10240x16xf32, #tpu.memory_space<vmem_shared>> -> memref<32x16xf32, #tpu.memory_space<vmem_shared>>
      %dma_wait3A_80 = arith.constant 0 : i32
      %dma_wait3A_81 = arith.constant 0 : i32
      %dma_wait3A_82 = tpu.memref_slice %arg4[%dma_wait3A_80, %dma_wait3A_81] : memref<100x16xf32, #tpu.memory_space<vmem>> -> memref<32x16xf32, #tpu.memory_space<vmem>>
      tpu.wait_dma2 semaphore(%run_scoped3A_64 : memref<!tpu.dma_semaphore, #tpu.memory_space<semaphore_mem>>) src(%dma_wait3A_82 : memref<32x16xf32, #tpu.memory_space<vmem>>) dst(%dma_wait3A_79 : memref<32x16xf32, #tpu.memory_space<vmem_shared>>)
      tpu.yield
    }) : () -> ()
    %add3A_23 = arith.constant 224 : i32
    %add3A_24 = arith.addi %mul3A_8, %add3A_23 : i32
    "tpu.region"() ({
      %run_scoped3A_64 = tpu.sem_alloc : memref<!tpu.dma_semaphore, #tpu.memory_space<semaphore_mem>>
      %dma_start3A = arith.constant 0 : i32
      %dma_start3A_65 = arith.constant 0 : i32
      %dma_start3A_66 = tpu.memref_slice %arg4[%dma_start3A, %dma_start3A_65] : memref<100x16xf32, #tpu.memory_space<vmem>> -> memref<32x16xf32, #tpu.memory_space<vmem>>
      %dma_start3A_67 = arith.constant 0 : i32
      %dma_start3A_68 = tpu.memref_slice %arg6[%add3A_24, %dma_start3A_67] : memref<10240x16xf32, #tpu.memory_space<vmem_shared>> -> memref<32x16xf32, #tpu.memory_space<vmem_shared>>
      %dma_start3A_69 = arith.constant 0 : i32
      %dma_start3A_70 = tpu.memref_slice %arg6[%add3A_24, %dma_start3A_69] : memref<10240x16xf32, #tpu.memory_space<vmem_shared>> -> memref<32x16xf32, #tpu.memory_space<vmem_shared>>
      %dma_start3A_71 = arith.constant 0 : i32
      %dma_start3A_72 = arith.constant 0 : i32
      %dma_start3A_73 = tpu.memref_slice %arg4[%dma_start3A_71, %dma_start3A_72] : memref<100x16xf32, #tpu.memory_space<vmem>> -> memref<32x16xf32, #tpu.memory_space<vmem>>
      tpu.enqueue_dma source(%dma_start3A_73 : memref<32x16xf32, #tpu.memory_space<vmem>>) target(%dma_start3A_70 : memref<32x16xf32, #tpu.memory_space<vmem_shared>>) target_semaphore(%run_scoped3A_64 : memref<!tpu.dma_semaphore, #tpu.memory_space<semaphore_mem>>)
      %dma_wait3A = arith.constant 0 : i32
      %dma_wait3A_74 = arith.constant 0 : i32
      %dma_wait3A_75 = tpu.memref_slice %arg4[%dma_wait3A, %dma_wait3A_74] : memref<100x16xf32, #tpu.memory_space<vmem>> -> memref<32x16xf32, #tpu.memory_space<vmem>>
      %dma_wait3A_76 = arith.constant 0 : i32
      %dma_wait3A_77 = tpu.memref_slice %arg6[%add3A_24, %dma_wait3A_76] : memref<10240x16xf32, #tpu.memory_space<vmem_shared>> -> memref<32x16xf32, #tpu.memory_space<vmem_shared>>
      %dma_wait3A_78 = arith.constant 0 : i32
      %dma_wait3A_79 = tpu.memref_slice %arg6[%add3A_24, %dma_wait3A_78] : memref<10240x16xf32, #tpu.memory_space<vmem_shared>> -> memref<32x16xf32, #tpu.memory_space<vmem_shared>>
      %dma_wait3A_80 = arith.constant 0 : i32
      %dma_wait3A_81 = arith.constant 0 : i32
      %dma_wait3A_82 = tpu.memref_slice %arg4[%dma_wait3A_80, %dma_wait3A_81] : memref<100x16xf32, #tpu.memory_space<vmem>> -> memref<32x16xf32, #tpu.memory_space<vmem>>
      tpu.wait_dma2 semaphore(%run_scoped3A_64 : memref<!tpu.dma_semaphore, #tpu.memory_space<semaphore_mem>>) src(%dma_wait3A_82 : memref<32x16xf32, #tpu.memory_space<vmem>>) dst(%dma_wait3A_79 : memref<32x16xf32, #tpu.memory_space<vmem_shared>>)
      tpu.yield
    }) : () -> ()
    %add3A_25 = arith.constant 256 : i32
    %add3A_26 = arith.addi %mul3A_8, %add3A_25 : i32
    "tpu.region"() ({
      %run_scoped3A_64 = tpu.sem_alloc : memref<!tpu.dma_semaphore, #tpu.memory_space<semaphore_mem>>
      %dma_start3A = arith.constant 0 : i32
      %dma_start3A_65 = arith.constant 0 : i32
      %dma_start3A_66 = tpu.memref_slice %arg4[%dma_start3A, %dma_start3A_65] : memref<100x16xf32, #tpu.memory_space<vmem>> -> memref<32x16xf32, #tpu.memory_space<vmem>>
      %dma_start3A_67 = arith.constant 0 : i32
      %dma_start3A_68 = tpu.memref_slice %arg6[%add3A_26, %dma_start3A_67] : memref<10240x16xf32, #tpu.memory_space<vmem_shared>> -> memref<32x16xf32, #tpu.memory_space<vmem_shared>>
      %dma_start3A_69 = arith.constant 0 : i32
      %dma_start3A_70 = tpu.memref_slice %arg6[%add3A_26, %dma_start3A_69] : memref<10240x16xf32, #tpu.memory_space<vmem_shared>> -> memref<32x16xf32, #tpu.memory_space<vmem_shared>>
      %dma_start3A_71 = arith.constant 0 : i32
      %dma_start3A_72 = arith.constant 0 : i32
      %dma_start3A_73 = tpu.memref_slice %arg4[%dma_start3A_71, %dma_start3A_72] : memref<100x16xf32, #tpu.memory_space<vmem>> -> memref<32x16xf32, #tpu.memory_space<vmem>>
      tpu.enqueue_dma source(%dma_start3A_73 : memref<32x16xf32, #tpu.memory_space<vmem>>) target(%dma_start3A_70 : memref<32x16xf32, #tpu.memory_space<vmem_shared>>) target_semaphore(%run_scoped3A_64 : memref<!tpu.dma_semaphore, #tpu.memory_space<semaphore_mem>>)
      %dma_wait3A = arith.constant 0 : i32
      %dma_wait3A_74 = arith.constant 0 : i32
      %dma_wait3A_75 = tpu.memref_slice %arg4[%dma_wait3A, %dma_wait3A_74] : memref<100x16xf32, #tpu.memory_space<vmem>> -> memref<32x16xf32, #tpu.memory_space<vmem>>
      %dma_wait3A_76 = arith.constant 0 : i32
      %dma_wait3A_77 = tpu.memref_slice %arg6[%add3A_26, %dma_wait3A_76] : memref<10240x16xf32, #tpu.memory_space<vmem_shared>> -> memref<32x16xf32, #tpu.memory_space<vmem_shared>>
      %dma_wait3A_78 = arith.constant 0 : i32
      %dma_wait3A_79 = tpu.memref_slice %arg6[%add3A_26, %dma_wait3A_78] : memref<10240x16xf32, #tpu.memory_space<vmem_shared>> -> memref<32x16xf32, #tpu.memory_space<vmem_shared>>
      %dma_wait3A_80 = arith.constant 0 : i32
      %dma_wait3A_81 = arith.constant 0 : i32
      %dma_wait3A_82 = tpu.memref_slice %arg4[%dma_wait3A_80, %dma_wait3A_81] : memref<100x16xf32, #tpu.memory_space<vmem>> -> memref<32x16xf32, #tpu.memory_space<vmem>>
      tpu.wait_dma2 semaphore(%run_scoped3A_64 : memref<!tpu.dma_semaphore, #tpu.memory_space<semaphore_mem>>) src(%dma_wait3A_82 : memref<32x16xf32, #tpu.memory_space<vmem>>) dst(%dma_wait3A_79 : memref<32x16xf32, #tpu.memory_space<vmem_shared>>)
      tpu.yield
    }) : () -> ()
    %add3A_27 = arith.constant 288 : i32
    %add3A_28 = arith.addi %mul3A_8, %add3A_27 : i32
    "tpu.region"() ({
      %run_scoped3A_64 = tpu.sem_alloc : memref<!tpu.dma_semaphore, #tpu.memory_space<semaphore_mem>>
      %dma_start3A = arith.constant 0 : i32
      %dma_start3A_65 = arith.constant 0 : i32
      %dma_start3A_66 = tpu.memref_slice %arg4[%dma_start3A, %dma_start3A_65] : memref<100x16xf32, #tpu.memory_space<vmem>> -> memref<32x16xf32, #tpu.memory_space<vmem>>
      %dma_start3A_67 = arith.constant 0 : i32
      %dma_start3A_68 = tpu.memref_slice %arg6[%add3A_28, %dma_start3A_67] : memref<10240x16xf32, #tpu.memory_space<vmem_shared>> -> memref<32x16xf32, #tpu.memory_space<vmem_shared>>
      %dma_start3A_69 = arith.constant 0 : i32
      %dma_start3A_70 = tpu.memref_slice %arg6[%add3A_28, %dma_start3A_69] : memref<10240x16xf32, #tpu.memory_space<vmem_shared>> -> memref<32x16xf32, #tpu.memory_space<vmem_shared>>
      %dma_start3A_71 = arith.constant 0 : i32
      %dma_start3A_72 = arith.constant 0 : i32
      %dma_start3A_73 = tpu.memref_slice %arg4[%dma_start3A_71, %dma_start3A_72] : memref<100x16xf32, #tpu.memory_space<vmem>> -> memref<32x16xf32, #tpu.memory_space<vmem>>
      tpu.enqueue_dma source(%dma_start3A_73 : memref<32x16xf32, #tpu.memory_space<vmem>>) target(%dma_start3A_70 : memref<32x16xf32, #tpu.memory_space<vmem_shared>>) target_semaphore(%run_scoped3A_64 : memref<!tpu.dma_semaphore, #tpu.memory_space<semaphore_mem>>)
      %dma_wait3A = arith.constant 0 : i32
      %dma_wait3A_74 = arith.constant 0 : i32
      %dma_wait3A_75 = tpu.memref_slice %arg4[%dma_wait3A, %dma_wait3A_74] : memref<100x16xf32, #tpu.memory_space<vmem>> -> memref<32x16xf32, #tpu.memory_space<vmem>>
      %dma_wait3A_76 = arith.constant 0 : i32
      %dma_wait3A_77 = tpu.memref_slice %arg6[%add3A_28, %dma_wait3A_76] : memref<10240x16xf32, #tpu.memory_space<vmem_shared>> -> memref<32x16xf32, #tpu.memory_space<vmem_shared>>
      %dma_wait3A_78 = arith.constant 0 : i32
      %dma_wait3A_79 = tpu.memref_slice %arg6[%add3A_28, %dma_wait3A_78] : memref<10240x16xf32, #tpu.memory_space<vmem_shared>> -> memref<32x16xf32, #tpu.memory_space<vmem_shared>>
      %dma_wait3A_80 = arith.constant 0 : i32
      %dma_wait3A_81 = arith.constant 0 : i32
      %dma_wait3A_82 = tpu.memref_slice %arg4[%dma_wait3A_80, %dma_wait3A_81] : memref<100x16xf32, #tpu.memory_space<vmem>> -> memref<32x16xf32, #tpu.memory_space<vmem>>
      tpu.wait_dma2 semaphore(%run_scoped3A_64 : memref<!tpu.dma_semaphore, #tpu.memory_space<semaphore_mem>>) src(%dma_wait3A_82 : memref<32x16xf32, #tpu.memory_space<vmem>>) dst(%dma_wait3A_79 : memref<32x16xf32, #tpu.memory_space<vmem_shared>>)
      tpu.yield
    }) : () -> ()
    %add3A_29 = arith.constant 320 : i32
    %add3A_30 = arith.addi %mul3A_8, %add3A_29 : i32
    "tpu.region"() ({
      %run_scoped3A_64 = tpu.sem_alloc : memref<!tpu.dma_semaphore, #tpu.memory_space<semaphore_mem>>
      %dma_start3A = arith.constant 0 : i32
      %dma_start3A_65 = arith.constant 0 : i32
      %dma_start3A_66 = tpu.memref_slice %arg4[%dma_start3A, %dma_start3A_65] : memref<100x16xf32, #tpu.memory_space<vmem>> -> memref<32x16xf32, #tpu.memory_space<vmem>>
      %dma_start3A_67 = arith.constant 0 : i32
      %dma_start3A_68 = tpu.memref_slice %arg6[%add3A_30, %dma_start3A_67] : memref<10240x16xf32, #tpu.memory_space<vmem_shared>> -> memref<32x16xf32, #tpu.memory_space<vmem_shared>>
      %dma_start3A_69 = arith.constant 0 : i32
      %dma_start3A_70 = tpu.memref_slice %arg6[%add3A_30, %dma_start3A_69] : memref<10240x16xf32, #tpu.memory_space<vmem_shared>> -> memref<32x16xf32, #tpu.memory_space<vmem_shared>>
      %dma_start3A_71 = arith.constant 0 : i32
      %dma_start3A_72 = arith.constant 0 : i32
      %dma_start3A_73 = tpu.memref_slice %arg4[%dma_start3A_71, %dma_start3A_72] : memref<100x16xf32, #tpu.memory_space<vmem>> -> memref<32x16xf32, #tpu.memory_space<vmem>>
      tpu.enqueue_dma source(%dma_start3A_73 : memref<32x16xf32, #tpu.memory_space<vmem>>) target(%dma_start3A_70 : memref<32x16xf32, #tpu.memory_space<vmem_shared>>) target_semaphore(%run_scoped3A_64 : memref<!tpu.dma_semaphore, #tpu.memory_space<semaphore_mem>>)
      %dma_wait3A = arith.constant 0 : i32
      %dma_wait3A_74 = arith.constant 0 : i32
      %dma_wait3A_75 = tpu.memref_slice %arg4[%dma_wait3A, %dma_wait3A_74] : memref<100x16xf32, #tpu.memory_space<vmem>> -> memref<32x16xf32, #tpu.memory_space<vmem>>
      %dma_wait3A_76 = arith.constant 0 : i32
      %dma_wait3A_77 = tpu.memref_slice %arg6[%add3A_30, %dma_wait3A_76] : memref<10240x16xf32, #tpu.memory_space<vmem_shared>> -> memref<32x16xf32, #tpu.memory_space<vmem_shared>>
      %dma_wait3A_78 = arith.constant 0 : i32
      %dma_wait3A_79 = tpu.memref_slice %arg6[%add3A_30, %dma_wait3A_78] : memref<10240x16xf32, #tpu.memory_space<vmem_shared>> -> memref<32x16xf32, #tpu.memory_space<vmem_shared>>
      %dma_wait3A_80 = arith.constant 0 : i32
      %dma_wait3A_81 = arith.constant 0 : i32
      %dma_wait3A_82 = tpu.memref_slice %arg4[%dma_wait3A_80, %dma_wait3A_81] : memref<100x16xf32, #tpu.memory_space<vmem>> -> memref<32x16xf32, #tpu.memory_space<vmem>>
      tpu.wait_dma2 semaphore(%run_scoped3A_64 : memref<!tpu.dma_semaphore, #tpu.memory_space<semaphore_mem>>) src(%dma_wait3A_82 : memref<32x16xf32, #tpu.memory_space<vmem>>) dst(%dma_wait3A_79 : memref<32x16xf32, #tpu.memory_space<vmem_shared>>)
      tpu.yield
    }) : () -> ()
    %add3A_31 = arith.constant 352 : i32
    %add3A_32 = arith.addi %mul3A_8, %add3A_31 : i32
    "tpu.region"() ({
      %run_scoped3A_64 = tpu.sem_alloc : memref<!tpu.dma_semaphore, #tpu.memory_space<semaphore_mem>>
      %dma_start3A = arith.constant 0 : i32
      %dma_start3A_65 = arith.constant 0 : i32
      %dma_start3A_66 = tpu.memref_slice %arg4[%dma_start3A, %dma_start3A_65] : memref<100x16xf32, #tpu.memory_space<vmem>> -> memref<32x16xf32, #tpu.memory_space<vmem>>
      %dma_start3A_67 = arith.constant 0 : i32
      %dma_start3A_68 = tpu.memref_slice %arg6[%add3A_32, %dma_start3A_67] : memref<10240x16xf32, #tpu.memory_space<vmem_shared>> -> memref<32x16xf32, #tpu.memory_space<vmem_shared>>
      %dma_start3A_69 = arith.constant 0 : i32
      %dma_start3A_70 = tpu.memref_slice %arg6[%add3A_32, %dma_start3A_69] : memref<10240x16xf32, #tpu.memory_space<vmem_shared>> -> memref<32x16xf32, #tpu.memory_space<vmem_shared>>
      %dma_start3A_71 = arith.constant 0 : i32
      %dma_start3A_72 = arith.constant 0 : i32
      %dma_start3A_73 = tpu.memref_slice %arg4[%dma_start3A_71, %dma_start3A_72] : memref<100x16xf32, #tpu.memory_space<vmem>> -> memref<32x16xf32, #tpu.memory_space<vmem>>
      tpu.enqueue_dma source(%dma_start3A_73 : memref<32x16xf32, #tpu.memory_space<vmem>>) target(%dma_start3A_70 : memref<32x16xf32, #tpu.memory_space<vmem_shared>>) target_semaphore(%run_scoped3A_64 : memref<!tpu.dma_semaphore, #tpu.memory_space<semaphore_mem>>)
      %dma_wait3A = arith.constant 0 : i32
      %dma_wait3A_74 = arith.constant 0 : i32
      %dma_wait3A_75 = tpu.memref_slice %arg4[%dma_wait3A, %dma_wait3A_74] : memref<100x16xf32, #tpu.memory_space<vmem>> -> memref<32x16xf32, #tpu.memory_space<vmem>>
      %dma_wait3A_76 = arith.constant 0 : i32
      %dma_wait3A_77 = tpu.memref_slice %arg6[%add3A_32, %dma_wait3A_76] : memref<10240x16xf32, #tpu.memory_space<vmem_shared>> -> memref<32x16xf32, #tpu.memory_space<vmem_shared>>
      %dma_wait3A_78 = arith.constant 0 : i32
      %dma_wait3A_79 = tpu.memref_slice %arg6[%add3A_32, %dma_wait3A_78] : memref<10240x16xf32, #tpu.memory_space<vmem_shared>> -> memref<32x16xf32, #tpu.memory_space<vmem_shared>>
      %dma_wait3A_80 = arith.constant 0 : i32
      %dma_wait3A_81 = arith.constant 0 : i32
      %dma_wait3A_82 = tpu.memref_slice %arg4[%dma_wait3A_80, %dma_wait3A_81] : memref<100x16xf32, #tpu.memory_space<vmem>> -> memref<32x16xf32, #tpu.memory_space<vmem>>
      tpu.wait_dma2 semaphore(%run_scoped3A_64 : memref<!tpu.dma_semaphore, #tpu.memory_space<semaphore_mem>>) src(%dma_wait3A_82 : memref<32x16xf32, #tpu.memory_space<vmem>>) dst(%dma_wait3A_79 : memref<32x16xf32, #tpu.memory_space<vmem_shared>>)
      tpu.yield
    }) : () -> ()
    %add3A_33 = arith.constant 384 : i32
    %add3A_34 = arith.addi %mul3A_8, %add3A_33 : i32
    "tpu.region"() ({
      %run_scoped3A_64 = tpu.sem_alloc : memref<!tpu.dma_semaphore, #tpu.memory_space<semaphore_mem>>
      %dma_start3A = arith.constant 0 : i32
      %dma_start3A_65 = arith.constant 0 : i32
      %dma_start3A_66 = tpu.memref_slice %arg4[%dma_start3A, %dma_start3A_65] : memref<100x16xf32, #tpu.memory_space<vmem>> -> memref<32x16xf32, #tpu.memory_space<vmem>>
      %dma_start3A_67 = arith.constant 0 : i32
      %dma_start3A_68 = tpu.memref_slice %arg6[%add3A_34, %dma_start3A_67] : memref<10240x16xf32, #tpu.memory_space<vmem_shared>> -> memref<32x16xf32, #tpu.memory_space<vmem_shared>>
      %dma_start3A_69 = arith.constant 0 : i32
      %dma_start3A_70 = tpu.memref_slice %arg6[%add3A_34, %dma_start3A_69] : memref<10240x16xf32, #tpu.memory_space<vmem_shared>> -> memref<32x16xf32, #tpu.memory_space<vmem_shared>>
      %dma_start3A_71 = arith.constant 0 : i32
      %dma_start3A_72 = arith.constant 0 : i32
      %dma_start3A_73 = tpu.memref_slice %arg4[%dma_start3A_71, %dma_start3A_72] : memref<100x16xf32, #tpu.memory_space<vmem>> -> memref<32x16xf32, #tpu.memory_space<vmem>>
      tpu.enqueue_dma source(%dma_start3A_73 : memref<32x16xf32, #tpu.memory_space<vmem>>) target(%dma_start3A_70 : memref<32x16xf32, #tpu.memory_space<vmem_shared>>) target_semaphore(%run_scoped3A_64 : memref<!tpu.dma_semaphore, #tpu.memory_space<semaphore_mem>>)
      %dma_wait3A = arith.constant 0 : i32
      %dma_wait3A_74 = arith.constant 0 : i32
      %dma_wait3A_75 = tpu.memref_slice %arg4[%dma_wait3A, %dma_wait3A_74] : memref<100x16xf32, #tpu.memory_space<vmem>> -> memref<32x16xf32, #tpu.memory_space<vmem>>
      %dma_wait3A_76 = arith.constant 0 : i32
      %dma_wait3A_77 = tpu.memref_slice %arg6[%add3A_34, %dma_wait3A_76] : memref<10240x16xf32, #tpu.memory_space<vmem_shared>> -> memref<32x16xf32, #tpu.memory_space<vmem_shared>>
      %dma_wait3A_78 = arith.constant 0 : i32
      %dma_wait3A_79 = tpu.memref_slice %arg6[%add3A_34, %dma_wait3A_78] : memref<10240x16xf32, #tpu.memory_space<vmem_shared>> -> memref<32x16xf32, #tpu.memory_space<vmem_shared>>
      %dma_wait3A_80 = arith.constant 0 : i32
      %dma_wait3A_81 = arith.constant 0 : i32
      %dma_wait3A_82 = tpu.memref_slice %arg4[%dma_wait3A_80, %dma_wait3A_81] : memref<100x16xf32, #tpu.memory_space<vmem>> -> memref<32x16xf32, #tpu.memory_space<vmem>>
      tpu.wait_dma2 semaphore(%run_scoped3A_64 : memref<!tpu.dma_semaphore, #tpu.memory_space<semaphore_mem>>) src(%dma_wait3A_82 : memref<32x16xf32, #tpu.memory_space<vmem>>) dst(%dma_wait3A_79 : memref<32x16xf32, #tpu.memory_space<vmem_shared>>)
      tpu.yield
    }) : () -> ()
    %add3A_35 = arith.constant 416 : i32
    %add3A_36 = arith.addi %mul3A_8, %add3A_35 : i32
    "tpu.region"() ({
      %run_scoped3A_64 = tpu.sem_alloc : memref<!tpu.dma_semaphore, #tpu.memory_space<semaphore_mem>>
      %dma_start3A = arith.constant 0 : i32
      %dma_start3A_65 = arith.constant 0 : i32
      %dma_start3A_66 = tpu.memref_slice %arg4[%dma_start3A, %dma_start3A_65] : memref<100x16xf32, #tpu.memory_space<vmem>> -> memref<32x16xf32, #tpu.memory_space<vmem>>
      %dma_start3A_67 = arith.constant 0 : i32
      %dma_start3A_68 = tpu.memref_slice %arg6[%add3A_36, %dma_start3A_67] : memref<10240x16xf32, #tpu.memory_space<vmem_shared>> -> memref<32x16xf32, #tpu.memory_space<vmem_shared>>
      %dma_start3A_69 = arith.constant 0 : i32
      %dma_start3A_70 = tpu.memref_slice %arg6[%add3A_36, %dma_start3A_69] : memref<10240x16xf32, #tpu.memory_space<vmem_shared>> -> memref<32x16xf32, #tpu.memory_space<vmem_shared>>
      %dma_start3A_71 = arith.constant 0 : i32
      %dma_start3A_72 = arith.constant 0 : i32
      %dma_start3A_73 = tpu.memref_slice %arg4[%dma_start3A_71, %dma_start3A_72] : memref<100x16xf32, #tpu.memory_space<vmem>> -> memref<32x16xf32, #tpu.memory_space<vmem>>
      tpu.enqueue_dma source(%dma_start3A_73 : memref<32x16xf32, #tpu.memory_space<vmem>>) target(%dma_start3A_70 : memref<32x16xf32, #tpu.memory_space<vmem_shared>>) target_semaphore(%run_scoped3A_64 : memref<!tpu.dma_semaphore, #tpu.memory_space<semaphore_mem>>)
      %dma_wait3A = arith.constant 0 : i32
      %dma_wait3A_74 = arith.constant 0 : i32
      %dma_wait3A_75 = tpu.memref_slice %arg4[%dma_wait3A, %dma_wait3A_74] : memref<100x16xf32, #tpu.memory_space<vmem>> -> memref<32x16xf32, #tpu.memory_space<vmem>>
      %dma_wait3A_76 = arith.constant 0 : i32
      %dma_wait3A_77 = tpu.memref_slice %arg6[%add3A_36, %dma_wait3A_76] : memref<10240x16xf32, #tpu.memory_space<vmem_shared>> -> memref<32x16xf32, #tpu.memory_space<vmem_shared>>
      %dma_wait3A_78 = arith.constant 0 : i32
      %dma_wait3A_79 = tpu.memref_slice %arg6[%add3A_36, %dma_wait3A_78] : memref<10240x16xf32, #tpu.memory_space<vmem_shared>> -> memref<32x16xf32, #tpu.memory_space<vmem_shared>>
      %dma_wait3A_80 = arith.constant 0 : i32
      %dma_wait3A_81 = arith.constant 0 : i32
      %dma_wait3A_82 = tpu.memref_slice %arg4[%dma_wait3A_80, %dma_wait3A_81] : memref<100x16xf32, #tpu.memory_space<vmem>> -> memref<32x16xf32, #tpu.memory_space<vmem>>
      tpu.wait_dma2 semaphore(%run_scoped3A_64 : memref<!tpu.dma_semaphore, #tpu.memory_space<semaphore_mem>>) src(%dma_wait3A_82 : memref<32x16xf32, #tpu.memory_space<vmem>>) dst(%dma_wait3A_79 : memref<32x16xf32, #tpu.memory_space<vmem_shared>>)
      tpu.yield
    }) : () -> ()
    %add3A_37 = arith.constant 448 : i32
    %add3A_38 = arith.addi %mul3A_8, %add3A_37 : i32
    "tpu.region"() ({
      %run_scoped3A_64 = tpu.sem_alloc : memref<!tpu.dma_semaphore, #tpu.memory_space<semaphore_mem>>
      %dma_start3A = arith.constant 0 : i32
      %dma_start3A_65 = arith.constant 0 : i32
      %dma_start3A_66 = tpu.memref_slice %arg4[%dma_start3A, %dma_start3A_65] : memref<100x16xf32, #tpu.memory_space<vmem>> -> memref<32x16xf32, #tpu.memory_space<vmem>>
      %dma_start3A_67 = arith.constant 0 : i32
      %dma_start3A_68 = tpu.memref_slice %arg6[%add3A_38, %dma_start3A_67] : memref<10240x16xf32, #tpu.memory_space<vmem_shared>> -> memref<32x16xf32, #tpu.memory_space<vmem_shared>>
      %dma_start3A_69 = arith.constant 0 : i32
      %dma_start3A_70 = tpu.memref_slice %arg6[%add3A_38, %dma_start3A_69] : memref<10240x16xf32, #tpu.memory_space<vmem_shared>> -> memref<32x16xf32, #tpu.memory_space<vmem_shared>>
      %dma_start3A_71 = arith.constant 0 : i32
      %dma_start3A_72 = arith.constant 0 : i32
      %dma_start3A_73 = tpu.memref_slice %arg4[%dma_start3A_71, %dma_start3A_72] : memref<100x16xf32, #tpu.memory_space<vmem>> -> memref<32x16xf32, #tpu.memory_space<vmem>>
      tpu.enqueue_dma source(%dma_start3A_73 : memref<32x16xf32, #tpu.memory_space<vmem>>) target(%dma_start3A_70 : memref<32x16xf32, #tpu.memory_space<vmem_shared>>) target_semaphore(%run_scoped3A_64 : memref<!tpu.dma_semaphore, #tpu.memory_space<semaphore_mem>>)
      %dma_wait3A = arith.constant 0 : i32
      %dma_wait3A_74 = arith.constant 0 : i32
      %dma_wait3A_75 = tpu.memref_slice %arg4[%dma_wait3A, %dma_wait3A_74] : memref<100x16xf32, #tpu.memory_space<vmem>> -> memref<32x16xf32, #tpu.memory_space<vmem>>
      %dma_wait3A_76 = arith.constant 0 : i32
      %dma_wait3A_77 = tpu.memref_slice %arg6[%add3A_38, %dma_wait3A_76] : memref<10240x16xf32, #tpu.memory_space<vmem_shared>> -> memref<32x16xf32, #tpu.memory_space<vmem_shared>>
      %dma_wait3A_78 = arith.constant 0 : i32
      %dma_wait3A_79 = tpu.memref_slice %arg6[%add3A_38, %dma_wait3A_78] : memref<10240x16xf32, #tpu.memory_space<vmem_shared>> -> memref<32x16xf32, #tpu.memory_space<vmem_shared>>
      %dma_wait3A_80 = arith.constant 0 : i32
      %dma_wait3A_81 = arith.constant 0 : i32
      %dma_wait3A_82 = tpu.memref_slice %arg4[%dma_wait3A_80, %dma_wait3A_81] : memref<100x16xf32, #tpu.memory_space<vmem>> -> memref<32x16xf32, #tpu.memory_space<vmem>>
      tpu.wait_dma2 semaphore(%run_scoped3A_64 : memref<!tpu.dma_semaphore, #tpu.memory_space<semaphore_mem>>) src(%dma_wait3A_82 : memref<32x16xf32, #tpu.memory_space<vmem>>) dst(%dma_wait3A_79 : memref<32x16xf32, #tpu.memory_space<vmem_shared>>)
      tpu.yield
    }) : () -> ()
    %add3A_39 = arith.constant 480 : i32
    %add3A_40 = arith.addi %mul3A_8, %add3A_39 : i32
    "tpu.region"() ({
      %run_scoped3A_64 = tpu.sem_alloc : memref<!tpu.dma_semaphore, #tpu.memory_space<semaphore_mem>>
      %dma_start3A = arith.constant 0 : i32
      %dma_start3A_65 = arith.constant 0 : i32
      %dma_start3A_66 = tpu.memref_slice %arg4[%dma_start3A, %dma_start3A_65] : memref<100x16xf32, #tpu.memory_space<vmem>> -> memref<32x16xf32, #tpu.memory_space<vmem>>
      %dma_start3A_67 = arith.constant 0 : i32
      %dma_start3A_68 = tpu.memref_slice %arg6[%add3A_40, %dma_start3A_67] : memref<10240x16xf32, #tpu.memory_space<vmem_shared>> -> memref<32x16xf32, #tpu.memory_space<vmem_shared>>
      %dma_start3A_69 = arith.constant 0 : i32
      %dma_start3A_70 = tpu.memref_slice %arg6[%add3A_40, %dma_start3A_69] : memref<10240x16xf32, #tpu.memory_space<vmem_shared>> -> memref<32x16xf32, #tpu.memory_space<vmem_shared>>
      %dma_start3A_71 = arith.constant 0 : i32
      %dma_start3A_72 = arith.constant 0 : i32
      %dma_start3A_73 = tpu.memref_slice %arg4[%dma_start3A_71, %dma_start3A_72] : memref<100x16xf32, #tpu.memory_space<vmem>> -> memref<32x16xf32, #tpu.memory_space<vmem>>
      tpu.enqueue_dma source(%dma_start3A_73 : memref<32x16xf32, #tpu.memory_space<vmem>>) target(%dma_start3A_70 : memref<32x16xf32, #tpu.memory_space<vmem_shared>>) target_semaphore(%run_scoped3A_64 : memref<!tpu.dma_semaphore, #tpu.memory_space<semaphore_mem>>)
      %dma_wait3A = arith.constant 0 : i32
      %dma_wait3A_74 = arith.constant 0 : i32
      %dma_wait3A_75 = tpu.memref_slice %arg4[%dma_wait3A, %dma_wait3A_74] : memref<100x16xf32, #tpu.memory_space<vmem>> -> memref<32x16xf32, #tpu.memory_space<vmem>>
      %dma_wait3A_76 = arith.constant 0 : i32
      %dma_wait3A_77 = tpu.memref_slice %arg6[%add3A_40, %dma_wait3A_76] : memref<10240x16xf32, #tpu.memory_space<vmem_shared>> -> memref<32x16xf32, #tpu.memory_space<vmem_shared>>
      %dma_wait3A_78 = arith.constant 0 : i32
      %dma_wait3A_79 = tpu.memref_slice %arg6[%add3A_40, %dma_wait3A_78] : memref<10240x16xf32, #tpu.memory_space<vmem_shared>> -> memref<32x16xf32, #tpu.memory_space<vmem_shared>>
      %dma_wait3A_80 = arith.constant 0 : i32
      %dma_wait3A_81 = arith.constant 0 : i32
      %dma_wait3A_82 = tpu.memref_slice %arg4[%dma_wait3A_80, %dma_wait3A_81] : memref<100x16xf32, #tpu.memory_space<vmem>> -> memref<32x16xf32, #tpu.memory_space<vmem>>
      tpu.wait_dma2 semaphore(%run_scoped3A_64 : memref<!tpu.dma_semaphore, #tpu.memory_space<semaphore_mem>>) src(%dma_wait3A_82 : memref<32x16xf32, #tpu.memory_space<vmem>>) dst(%dma_wait3A_79 : memref<32x16xf32, #tpu.memory_space<vmem_shared>>)
      tpu.yield
    }) : () -> ()
    %add3A_41 = arith.constant 512 : i32
    %add3A_42 = arith.addi %mul3A_8, %add3A_41 : i32
    "tpu.region"() ({
      %run_scoped3A_64 = tpu.sem_alloc : memref<!tpu.dma_semaphore, #tpu.memory_space<semaphore_mem>>
      %dma_start3A = arith.constant 0 : i32
      %dma_start3A_65 = arith.constant 0 : i32
      %dma_start3A_66 = tpu.memref_slice %arg4[%dma_start3A, %dma_start3A_65] : memref<100x16xf32, #tpu.memory_space<vmem>> -> memref<32x16xf32, #tpu.memory_space<vmem>>
      %dma_start3A_67 = arith.constant 0 : i32
      %dma_start3A_68 = tpu.memref_slice %arg6[%add3A_42, %dma_start3A_67] : memref<10240x16xf32, #tpu.memory_space<vmem_shared>> -> memref<32x16xf32, #tpu.memory_space<vmem_shared>>
      %dma_start3A_69 = arith.constant 0 : i32
      %dma_start3A_70 = tpu.memref_slice %arg6[%add3A_42, %dma_start3A_69] : memref<10240x16xf32, #tpu.memory_space<vmem_shared>> -> memref<32x16xf32, #tpu.memory_space<vmem_shared>>
      %dma_start3A_71 = arith.constant 0 : i32
      %dma_start3A_72 = arith.constant 0 : i32
      %dma_start3A_73 = tpu.memref_slice %arg4[%dma_start3A_71, %dma_start3A_72] : memref<100x16xf32, #tpu.memory_space<vmem>> -> memref<32x16xf32, #tpu.memory_space<vmem>>
      tpu.enqueue_dma source(%dma_start3A_73 : memref<32x16xf32, #tpu.memory_space<vmem>>) target(%dma_start3A_70 : memref<32x16xf32, #tpu.memory_space<vmem_shared>>) target_semaphore(%run_scoped3A_64 : memref<!tpu.dma_semaphore, #tpu.memory_space<semaphore_mem>>)
      %dma_wait3A = arith.constant 0 : i32
      %dma_wait3A_74 = arith.constant 0 : i32
      %dma_wait3A_75 = tpu.memref_slice %arg4[%dma_wait3A, %dma_wait3A_74] : memref<100x16xf32, #tpu.memory_space<vmem>> -> memref<32x16xf32, #tpu.memory_space<vmem>>
      %dma_wait3A_76 = arith.constant 0 : i32
      %dma_wait3A_77 = tpu.memref_slice %arg6[%add3A_42, %dma_wait3A_76] : memref<10240x16xf32, #tpu.memory_space<vmem_shared>> -> memref<32x16xf32, #tpu.memory_space<vmem_shared>>
      %dma_wait3A_78 = arith.constant 0 : i32
      %dma_wait3A_79 = tpu.memref_slice %arg6[%add3A_42, %dma_wait3A_78] : memref<10240x16xf32, #tpu.memory_space<vmem_shared>> -> memref<32x16xf32, #tpu.memory_space<vmem_shared>>
      %dma_wait3A_80 = arith.constant 0 : i32
      %dma_wait3A_81 = arith.constant 0 : i32
      %dma_wait3A_82 = tpu.memref_slice %arg4[%dma_wait3A_80, %dma_wait3A_81] : memref<100x16xf32, #tpu.memory_space<vmem>> -> memref<32x16xf32, #tpu.memory_space<vmem>>
      tpu.wait_dma2 semaphore(%run_scoped3A_64 : memref<!tpu.dma_semaphore, #tpu.memory_space<semaphore_mem>>) src(%dma_wait3A_82 : memref<32x16xf32, #tpu.memory_space<vmem>>) dst(%dma_wait3A_79 : memref<32x16xf32, #tpu.memory_space<vmem_shared>>)
      tpu.yield
    }) : () -> ()
    %add3A_43 = arith.constant 544 : i32
    %add3A_44 = arith.addi %mul3A_8, %add3A_43 : i32
    "tpu.region"() ({
      %run_scoped3A_64 = tpu.sem_alloc : memref<!tpu.dma_semaphore, #tpu.memory_space<semaphore_mem>>
      %dma_start3A = arith.constant 0 : i32
      %dma_start3A_65 = arith.constant 0 : i32
      %dma_start3A_66 = tpu.memref_slice %arg4[%dma_start3A, %dma_start3A_65] : memref<100x16xf32, #tpu.memory_space<vmem>> -> memref<32x16xf32, #tpu.memory_space<vmem>>
      %dma_start3A_67 = arith.constant 0 : i32
      %dma_start3A_68 = tpu.memref_slice %arg6[%add3A_44, %dma_start3A_67] : memref<10240x16xf32, #tpu.memory_space<vmem_shared>> -> memref<32x16xf32, #tpu.memory_space<vmem_shared>>
      %dma_start3A_69 = arith.constant 0 : i32
      %dma_start3A_70 = tpu.memref_slice %arg6[%add3A_44, %dma_start3A_69] : memref<10240x16xf32, #tpu.memory_space<vmem_shared>> -> memref<32x16xf32, #tpu.memory_space<vmem_shared>>
      %dma_start3A_71 = arith.constant 0 : i32
      %dma_start3A_72 = arith.constant 0 : i32
      %dma_start3A_73 = tpu.memref_slice %arg4[%dma_start3A_71, %dma_start3A_72] : memref<100x16xf32, #tpu.memory_space<vmem>> -> memref<32x16xf32, #tpu.memory_space<vmem>>
      tpu.enqueue_dma source(%dma_start3A_73 : memref<32x16xf32, #tpu.memory_space<vmem>>) target(%dma_start3A_70 : memref<32x16xf32, #tpu.memory_space<vmem_shared>>) target_semaphore(%run_scoped3A_64 : memref<!tpu.dma_semaphore, #tpu.memory_space<semaphore_mem>>)
      %dma_wait3A = arith.constant 0 : i32
      %dma_wait3A_74 = arith.constant 0 : i32
      %dma_wait3A_75 = tpu.memref_slice %arg4[%dma_wait3A, %dma_wait3A_74] : memref<100x16xf32, #tpu.memory_space<vmem>> -> memref<32x16xf32, #tpu.memory_space<vmem>>
      %dma_wait3A_76 = arith.constant 0 : i32
      %dma_wait3A_77 = tpu.memref_slice %arg6[%add3A_44, %dma_wait3A_76] : memref<10240x16xf32, #tpu.memory_space<vmem_shared>> -> memref<32x16xf32, #tpu.memory_space<vmem_shared>>
      %dma_wait3A_78 = arith.constant 0 : i32
      %dma_wait3A_79 = tpu.memref_slice %arg6[%add3A_44, %dma_wait3A_78] : memref<10240x16xf32, #tpu.memory_space<vmem_shared>> -> memref<32x16xf32, #tpu.memory_space<vmem_shared>>
      %dma_wait3A_80 = arith.constant 0 : i32
      %dma_wait3A_81 = arith.constant 0 : i32
      %dma_wait3A_82 = tpu.memref_slice %arg4[%dma_wait3A_80, %dma_wait3A_81] : memref<100x16xf32, #tpu.memory_space<vmem>> -> memref<32x16xf32, #tpu.memory_space<vmem>>
      tpu.wait_dma2 semaphore(%run_scoped3A_64 : memref<!tpu.dma_semaphore, #tpu.memory_space<semaphore_mem>>) src(%dma_wait3A_82 : memref<32x16xf32, #tpu.memory_space<vmem>>) dst(%dma_wait3A_79 : memref<32x16xf32, #tpu.memory_space<vmem_shared>>)
      tpu.yield
    }) : () -> ()
    %add3A_45 = arith.constant 576 : i32
    %add3A_46 = arith.addi %mul3A_8, %add3A_45 : i32
    "tpu.region"() ({
      %run_scoped3A_64 = tpu.sem_alloc : memref<!tpu.dma_semaphore, #tpu.memory_space<semaphore_mem>>
      %dma_start3A = arith.constant 0 : i32
      %dma_start3A_65 = arith.constant 0 : i32
      %dma_start3A_66 = tpu.memref_slice %arg4[%dma_start3A, %dma_start3A_65] : memref<100x16xf32, #tpu.memory_space<vmem>> -> memref<32x16xf32, #tpu.memory_space<vmem>>
      %dma_start3A_67 = arith.constant 0 : i32
      %dma_start3A_68 = tpu.memref_slice %arg6[%add3A_46, %dma_start3A_67] : memref<10240x16xf32, #tpu.memory_space<vmem_shared>> -> memref<32x16xf32, #tpu.memory_space<vmem_shared>>
      %dma_start3A_69 = arith.constant 0 : i32
      %dma_start3A_70 = tpu.memref_slice %arg6[%add3A_46, %dma_start3A_69] : memref<10240x16xf32, #tpu.memory_space<vmem_shared>> -> memref<32x16xf32, #tpu.memory_space<vmem_shared>>
      %dma_start3A_71 = arith.constant 0 : i32
      %dma_start3A_72 = arith.constant 0 : i32
      %dma_start3A_73 = tpu.memref_slice %arg4[%dma_start3A_71, %dma_start3A_72] : memref<100x16xf32, #tpu.memory_space<vmem>> -> memref<32x16xf32, #tpu.memory_space<vmem>>
      tpu.enqueue_dma source(%dma_start3A_73 : memref<32x16xf32, #tpu.memory_space<vmem>>) target(%dma_start3A_70 : memref<32x16xf32, #tpu.memory_space<vmem_shared>>) target_semaphore(%run_scoped3A_64 : memref<!tpu.dma_semaphore, #tpu.memory_space<semaphore_mem>>)
      %dma_wait3A = arith.constant 0 : i32
      %dma_wait3A_74 = arith.constant 0 : i32
      %dma_wait3A_75 = tpu.memref_slice %arg4[%dma_wait3A, %dma_wait3A_74] : memref<100x16xf32, #tpu.memory_space<vmem>> -> memref<32x16xf32, #tpu.memory_space<vmem>>
      %dma_wait3A_76 = arith.constant 0 : i32
      %dma_wait3A_77 = tpu.memref_slice %arg6[%add3A_46, %dma_wait3A_76] : memref<10240x16xf32, #tpu.memory_space<vmem_shared>> -> memref<32x16xf32, #tpu.memory_space<vmem_shared>>
      %dma_wait3A_78 = arith.constant 0 : i32
      %dma_wait3A_79 = tpu.memref_slice %arg6[%add3A_46, %dma_wait3A_78] : memref<10240x16xf32, #tpu.memory_space<vmem_shared>> -> memref<32x16xf32, #tpu.memory_space<vmem_shared>>
      %dma_wait3A_80 = arith.constant 0 : i32
      %dma_wait3A_81 = arith.constant 0 : i32
      %dma_wait3A_82 = tpu.memref_slice %arg4[%dma_wait3A_80, %dma_wait3A_81] : memref<100x16xf32, #tpu.memory_space<vmem>> -> memref<32x16xf32, #tpu.memory_space<vmem>>
      tpu.wait_dma2 semaphore(%run_scoped3A_64 : memref<!tpu.dma_semaphore, #tpu.memory_space<semaphore_mem>>) src(%dma_wait3A_82 : memref<32x16xf32, #tpu.memory_space<vmem>>) dst(%dma_wait3A_79 : memref<32x16xf32, #tpu.memory_space<vmem_shared>>)
      tpu.yield
    }) : () -> ()
    %add3A_47 = arith.constant 608 : i32
    %add3A_48 = arith.addi %mul3A_8, %add3A_47 : i32
    "tpu.region"() ({
      %run_scoped3A_64 = tpu.sem_alloc : memref<!tpu.dma_semaphore, #tpu.memory_space<semaphore_mem>>
      %dma_start3A = arith.constant 0 : i32
      %dma_start3A_65 = arith.constant 0 : i32
      %dma_start3A_66 = tpu.memref_slice %arg4[%dma_start3A, %dma_start3A_65] : memref<100x16xf32, #tpu.memory_space<vmem>> -> memref<32x16xf32, #tpu.memory_space<vmem>>
      %dma_start3A_67 = arith.constant 0 : i32
      %dma_start3A_68 = tpu.memref_slice %arg6[%add3A_48, %dma_start3A_67] : memref<10240x16xf32, #tpu.memory_space<vmem_shared>> -> memref<32x16xf32, #tpu.memory_space<vmem_shared>>
      %dma_start3A_69 = arith.constant 0 : i32
      %dma_start3A_70 = tpu.memref_slice %arg6[%add3A_48, %dma_start3A_69] : memref<10240x16xf32, #tpu.memory_space<vmem_shared>> -> memref<32x16xf32, #tpu.memory_space<vmem_shared>>
      %dma_start3A_71 = arith.constant 0 : i32
      %dma_start3A_72 = arith.constant 0 : i32
      %dma_start3A_73 = tpu.memref_slice %arg4[%dma_start3A_71, %dma_start3A_72] : memref<100x16xf32, #tpu.memory_space<vmem>> -> memref<32x16xf32, #tpu.memory_space<vmem>>
      tpu.enqueue_dma source(%dma_start3A_73 : memref<32x16xf32, #tpu.memory_space<vmem>>) target(%dma_start3A_70 : memref<32x16xf32, #tpu.memory_space<vmem_shared>>) target_semaphore(%run_scoped3A_64 : memref<!tpu.dma_semaphore, #tpu.memory_space<semaphore_mem>>)
      %dma_wait3A = arith.constant 0 : i32
      %dma_wait3A_74 = arith.constant 0 : i32
      %dma_wait3A_75 = tpu.memref_slice %arg4[%dma_wait3A, %dma_wait3A_74] : memref<100x16xf32, #tpu.memory_space<vmem>> -> memref<32x16xf32, #tpu.memory_space<vmem>>
      %dma_wait3A_76 = arith.constant 0 : i32
      %dma_wait3A_77 = tpu.memref_slice %arg6[%add3A_48, %dma_wait3A_76] : memref<10240x16xf32, #tpu.memory_space<vmem_shared>> -> memref<32x16xf32, #tpu.memory_space<vmem_shared>>
      %dma_wait3A_78 = arith.constant 0 : i32
      %dma_wait3A_79 = tpu.memref_slice %arg6[%add3A_48, %dma_wait3A_78] : memref<10240x16xf32, #tpu.memory_space<vmem_shared>> -> memref<32x16xf32, #tpu.memory_space<vmem_shared>>
      %dma_wait3A_80 = arith.constant 0 : i32
      %dma_wait3A_81 = arith.constant 0 : i32
      %dma_wait3A_82 = tpu.memref_slice %arg4[%dma_wait3A_80, %dma_wait3A_81] : memref<100x16xf32, #tpu.memory_space<vmem>> -> memref<32x16xf32, #tpu.memory_space<vmem>>
      tpu.wait_dma2 semaphore(%run_scoped3A_64 : memref<!tpu.dma_semaphore, #tpu.memory_space<semaphore_mem>>) src(%dma_wait3A_82 : memref<32x16xf32, #tpu.memory_space<vmem>>) dst(%dma_wait3A_79 : memref<32x16xf32, #tpu.memory_space<vmem_shared>>)
      tpu.yield
    }) : () -> ()
    %scan3A_49 = arith.constant 0 : i32
    %scan3A_50 = arith.constant 0 : i32
    %scan3A_51 = arith.constant 100 : i32
    %scan3A_52 = arith.addi %scan3A_50, %scan3A_51 : i32
    %scan3A_53 = arith.constant 1 : i32
    %scan3A_54 = scf.for %scan3A_64 = %scan3A_50 to %scan3A_52 step %scan3A_53 iter_args(%scan3A_65 = %scan3A_49) -> (i32)  : i32 {
      %broadcast_in_dim3A = arith.constant 1.000000e+00 : f32
      %broadcast_in_dim3A_66 = vector.broadcast %broadcast_in_dim3A : f32 to vector<16xf32>
      %swap3A = arith.index_cast %scan3A_64 : i32 to index
      %swap3A_67 = arith.constant 0 : index
      %swap3A_68 = tpu.vector_load %arg4[%swap3A, %swap3A_67] {strides = array<i32>} : memref<100x16xf32, #tpu.memory_space<vmem>>, vector<1x16xf32>,
      %swap3A_69 = vector.shape_cast %swap3A_68 : vector<1x16xf32> to vector<16xf32>
      %swap3A_70 = vector.shape_cast %broadcast_in_dim3A_66 : vector<16xf32> to vector<1x16xf32>
      tpu.vector_store %arg4[%swap3A, %swap3A_67], %swap3A_70 {strides = array<i32>} : memref<100x16xf32, #tpu.memory_space<vmem>>, vector<1x16xf32>,
      %scan3A_71 = arith.constant 0 : i32
      scf.yield %scan3A_71 : i32
    }
    %scan3A_55 = arith.constant 100 : i32
    %barrier3A = arith.constant 0 : index
    tpu.barrier barrier_id(%barrier3A)
    %scan3A_56 = arith.constant 0 : i32
    %scan3A_57 = arith.constant 0 : i32
    %scan3A_58 = arith.constant 50 : i32
    %scan3A_59 = arith.addi %scan3A_57, %scan3A_58 : i32
    %scan3A_60 = arith.constant 1 : i32
    %scan3A_61 = scf.for %scan3A_64 = %scan3A_57 to %scan3A_59 step %scan3A_60 iter_args(%scan3A_65 = %scan3A_56) -> (i32)  : i32 {
      "tpu.region"() ({
        %run_scoped3A_67 = tpu.sem_alloc : memref<!tpu.dma_semaphore, #tpu.memory_space<semaphore_mem>>
        %dma_start3A = arith.constant 0 : i32
        %dma_start3A_68 = tpu.memref_slice %arg5[%scan3A_64, %dma_start3A] : memref<50x100xi32, #tpu.memory_space<vmem>> -> memref<1x100xi32, #tpu.memory_space<vmem>>
        %dma_start3A_69 = tpu.memref_squeeze %dma_start3A_68 : memref<1x100xi32, #tpu.memory_space<vmem>> -> memref<100xi32, #tpu.memory_space<vmem>>
        %dma_start3A_70 = arith.constant 0 : i32
        %dma_start3A_71 = arith.constant 0 : i32
        %dma_start3A_72 = tpu.memref_slice %arg6[%dma_start3A_70, %dma_start3A_71] : memref<10240x16xf32, #tpu.memory_space<vmem_shared>> -> memref<10240x16xf32, #tpu.memory_space<vmem_shared>>
        tpu.enqueue_indirect_dma source(%arg4 : memref<100x16xf32, #tpu.memory_space<vmem>>) target(%dma_start3A_72 : memref<10240x16xf32, #tpu.memory_space<vmem_shared>>) offsets(%dma_start3A_69 : memref<100xi32, #tpu.memory_space<vmem>>) semaphore(%run_scoped3A_67 : memref<!tpu.dma_semaphore, #tpu.memory_space<semaphore_mem>>) {add = true}
        %dma_wait3A = arith.constant 0 : i32
        %dma_wait3A_73 = tpu.memref_slice %arg5[%scan3A_64, %dma_wait3A] : memref<50x100xi32, #tpu.memory_space<vmem>> -> memref<1x100xi32, #tpu.memory_space<vmem>>
        %dma_wait3A_74 = tpu.memref_squeeze %dma_wait3A_73 : memref<1x100xi32, #tpu.memory_space<vmem>> -> memref<100xi32, #tpu.memory_space<vmem>>
        %dma_wait3A_75 = arith.constant 0 : i32
        %dma_wait3A_76 = arith.constant 0 : i32
        %dma_wait3A_77 = tpu.memref_slice %arg6[%dma_wait3A_75, %dma_wait3A_76] : memref<10240x16xf32, #tpu.memory_space<vmem_shared>> -> memref<10240x16xf32, #tpu.memory_space<vmem_shared>>
        tpu.wait_indirect_dma semaphore(%run_scoped3A_67 : memref<!tpu.dma_semaphore, #tpu.memory_space<semaphore_mem>>) src(%arg4 : memref<100x16xf32, #tpu.memory_space<vmem>>) dst(%dma_wait3A_77 : memref<10240x16xf32, #tpu.memory_space<vmem_shared>>)
        tpu.yield
      }) : () -> ()
      %scan3A_66 = arith.constant 0 : i32
      scf.yield %scan3A_66 : i32
    }
    %scan3A_62 = arith.constant 50 : i32
    %barrier3A_63 = arith.constant 0 : index
    tpu.barrier barrier_id(%barrier3A_63)
    "tpu.region"() ({
      %run_scoped3A_64 = tpu.sem_alloc : memref<!tpu.dma_semaphore, #tpu.memory_space<semaphore_mem>>
      %dma_start3A = arith.constant 0 : i32
      %dma_start3A_65 = tpu.memref_slice %arg3[%arg0, %mul3A_8, %dma_start3A] : memref<2x10240x16xf32, #tpu.memory_space<hbm>> -> memref<1x640x16xf32, #tpu.memory_space<hbm>>
      %dma_start3A_66 = tpu.memref_squeeze %dma_start3A_65 : memref<1x640x16xf32, #tpu.memory_space<hbm>> -> memref<640x16xf32, #tpu.memory_space<hbm>>
      %dma_start3A_67 = arith.constant 0 : i32
      %dma_start3A_68 = tpu.memref_slice %arg6[%mul3A_8, %dma_start3A_67] : memref<10240x16xf32, #tpu.memory_space<vmem_shared>> -> memref<640x16xf32, #tpu.memory_space<vmem_shared>>
      tpu.enqueue_dma source(%dma_start3A_68 : memref<640x16xf32, #tpu.memory_space<vmem_shared>>) target(%dma_start3A_66 : memref<640x16xf32, #tpu.memory_space<hbm>>) target_semaphore(%run_scoped3A_64 : memref<!tpu.dma_semaphore, #tpu.memory_space<semaphore_mem>>)
      %dma_wait3A = arith.constant 0 : i32
      %dma_wait3A_69 = tpu.memref_slice %arg3[%arg0, %mul3A_8, %dma_wait3A] : memref<2x10240x16xf32, #tpu.memory_space<hbm>> -> memref<1x640x16xf32, #tpu.memory_space<hbm>>
      %dma_wait3A_70 = tpu.memref_squeeze %dma_wait3A_69 : memref<1x640x16xf32, #tpu.memory_space<hbm>> -> memref<640x16xf32, #tpu.memory_space<hbm>>
      %dma_wait3A_71 = arith.constant 0 : i32
      %dma_wait3A_72 = tpu.memref_slice %arg6[%mul3A_8, %dma_wait3A_71] : memref<10240x16xf32, #tpu.memory_space<vmem_shared>> -> memref<640x16xf32, #tpu.memory_space<vmem_shared>>
      tpu.wait_dma2 semaphore(%run_scoped3A_64 : memref<!tpu.dma_semaphore, #tpu.memory_space<semaphore_mem>>) src(%dma_wait3A_72 : memref<640x16xf32, #tpu.memory_space<vmem_shared>>) dst(%dma_wait3A_70 : memref<640x16xf32, #tpu.memory_space<hbm>>)
      tpu.yield
    }) : () -> ()
    return
  }
}

#map = affine_map<(d0, d1) -> (0, 0)>
#map1 = affine_map<(d0, d1) -> (0, 0, 0, 0)>
#map2 = affine_map<(d0, d1) -> (0, 0, 0)>
module attributes {stable_mosaic.version = 14 : i64} {
  func.func @_sc_edge_acc(%arg0: i32, %arg1: i32, %arg2: memref<10000x128xf32, #tpu.memory_space<hbm>>, %arg3: memref<10000x128xf32, #tpu.memory_space<hbm>>, %arg4: memref<2x32x50x100xi32, #tpu.memory_space<hbm>>, %arg5: memref<2x10240x128xf32, #tpu.memory_space<hbm>>, %arg6: memref<50x100xi32, #tpu.memory_space<vmem>>, %arg7: memref<50x100xi32, #tpu.memory_space<vmem>>, %arg8: memref<100x128xf32, #tpu.memory_space<vmem>>, %arg9: memref<100x128xf32, #tpu.memory_space<vmem>>, %arg10: memref<10240x128xf32, #tpu.memory_space<vmem_shared>>, %arg11: memref<!tpu.dma_semaphore, #tpu.memory_space<semaphore_mem>>, %arg12: memref<!tpu.dma_semaphore, #tpu.memory_space<semaphore_mem>>) attributes {dimension_semantics = [#tpu.dimension_semantics<core_parallel>, #tpu.dimension_semantics<subcore_parallel>], iteration_bounds = array<i64: 2, 16>, scalar_prefetch = 0 : i64, scratch_operands = 7 : i64, tpu.core_type = #tpu.core_type<sc_vector_subcore>, window_params = [{transform_indices = #map}, {transform_indices = #map}, {transform_indices = #map1}, {transform_indices = #map2}]} {
    %mul3A = arith.constant 640 : i32
    %mul3A_0 = arith.muli %arg1, %mul3A : i32
    %scan3A = arith.constant 0 : i32
    %scan3A_1 = arith.constant 0 : i32
    %scan3A_2 = arith.constant 100 : i32
    %scan3A_3 = arith.addi %scan3A_1, %scan3A_2 : i32
    %scan3A_4 = arith.constant 1 : i32
    %scan3A_5 = scf.for %scan3A_83 = %scan3A_1 to %scan3A_3 step %scan3A_4 iter_args(%scan3A_84 = %scan3A) -> (i32)  : i32 {
      %broadcast_in_dim3A = arith.constant 0.000000e+00 : f32
      %broadcast_in_dim3A_85 = vector.broadcast %broadcast_in_dim3A : f32 to vector<16xf32>
      %swap3A = arith.index_cast %scan3A_83 : i32 to index
      %swap3A_86 = arith.constant 0 : index
      %swap3A_87 = tpu.vector_load %arg8[%swap3A, %swap3A_86] {strides = array<i32>} : memref<100x128xf32, #tpu.memory_space<vmem>>, vector<1x16xf32>,
      %swap3A_88 = vector.shape_cast %swap3A_87 : vector<1x16xf32> to vector<16xf32>
      %swap3A_89 = vector.shape_cast %broadcast_in_dim3A_85 : vector<16xf32> to vector<1x16xf32>
      tpu.vector_store %arg8[%swap3A, %swap3A_86], %swap3A_89 {strides = array<i32>} : memref<100x128xf32, #tpu.memory_space<vmem>>, vector<1x16xf32>,
      %broadcast_in_dim3A_90 = arith.constant 0.000000e+00 : f32
      %broadcast_in_dim3A_91 = vector.broadcast %broadcast_in_dim3A_90 : f32 to vector<16xf32>
      %swap3A_92 = arith.index_cast %scan3A_83 : i32 to index
      %swap3A_93 = arith.constant 16 : index
      %swap3A_94 = tpu.vector_load %arg8[%swap3A_92, %swap3A_93] {strides = array<i32>} : memref<100x128xf32, #tpu.memory_space<vmem>>, vector<1x16xf32>,
      %swap3A_95 = vector.shape_cast %swap3A_94 : vector<1x16xf32> to vector<16xf32>
      %swap3A_96 = vector.shape_cast %broadcast_in_dim3A_91 : vector<16xf32> to vector<1x16xf32>
      tpu.vector_store %arg8[%swap3A_92, %swap3A_93], %swap3A_96 {strides = array<i32>} : memref<100x128xf32, #tpu.memory_space<vmem>>, vector<1x16xf32>,
      %broadcast_in_dim3A_97 = arith.constant 0.000000e+00 : f32
      %broadcast_in_dim3A_98 = vector.broadcast %broadcast_in_dim3A_97 : f32 to vector<16xf32>
      %swap3A_99 = arith.index_cast %scan3A_83 : i32 to index
      %swap3A_100 = arith.constant 32 : index
      %swap3A_101 = tpu.vector_load %arg8[%swap3A_99, %swap3A_100] {strides = array<i32>} : memref<100x128xf32, #tpu.memory_space<vmem>>, vector<1x16xf32>,
      %swap3A_102 = vector.shape_cast %swap3A_101 : vector<1x16xf32> to vector<16xf32>
      %swap3A_103 = vector.shape_cast %broadcast_in_dim3A_98 : vector<16xf32> to vector<1x16xf32>
      tpu.vector_store %arg8[%swap3A_99, %swap3A_100], %swap3A_103 {strides = array<i32>} : memref<100x128xf32, #tpu.memory_space<vmem>>, vector<1x16xf32>,
      %broadcast_in_dim3A_104 = arith.constant 0.000000e+00 : f32
      %broadcast_in_dim3A_105 = vector.broadcast %broadcast_in_dim3A_104 : f32 to vector<16xf32>
      %swap3A_106 = arith.index_cast %scan3A_83 : i32 to index
      %swap3A_107 = arith.constant 48 : index
      %swap3A_108 = tpu.vector_load %arg8[%swap3A_106, %swap3A_107] {strides = array<i32>} : memref<100x128xf32, #tpu.memory_space<vmem>>, vector<1x16xf32>,
      %swap3A_109 = vector.shape_cast %swap3A_108 : vector<1x16xf32> to vector<16xf32>
      %swap3A_110 = vector.shape_cast %broadcast_in_dim3A_105 : vector<16xf32> to vector<1x16xf32>
      tpu.vector_store %arg8[%swap3A_106, %swap3A_107], %swap3A_110 {strides = array<i32>} : memref<100x128xf32, #tpu.memory_space<vmem>>, vector<1x16xf32>,
      %broadcast_in_dim3A_111 = arith.constant 0.000000e+00 : f32
      %broadcast_in_dim3A_112 = vector.broadcast %broadcast_in_dim3A_111 : f32 to vector<16xf32>
      %swap3A_113 = arith.index_cast %scan3A_83 : i32 to index
      %swap3A_114 = arith.constant 64 : index
      %swap3A_115 = tpu.vector_load %arg8[%swap3A_113, %swap3A_114] {strides = array<i32>} : memref<100x128xf32, #tpu.memory_space<vmem>>, vector<1x16xf32>,
      %swap3A_116 = vector.shape_cast %swap3A_115 : vector<1x16xf32> to vector<16xf32>
      %swap3A_117 = vector.shape_cast %broadcast_in_dim3A_112 : vector<16xf32> to vector<1x16xf32>
      tpu.vector_store %arg8[%swap3A_113, %swap3A_114], %swap3A_117 {strides = array<i32>} : memref<100x128xf32, #tpu.memory_space<vmem>>, vector<1x16xf32>,
      %broadcast_in_dim3A_118 = arith.constant 0.000000e+00 : f32
      %broadcast_in_dim3A_119 = vector.broadcast %broadcast_in_dim3A_118 : f32 to vector<16xf32>
      %swap3A_120 = arith.index_cast %scan3A_83 : i32 to index
      %swap3A_121 = arith.constant 80 : index
      %swap3A_122 = tpu.vector_load %arg8[%swap3A_120, %swap3A_121] {strides = array<i32>} : memref<100x128xf32, #tpu.memory_space<vmem>>, vector<1x16xf32>,
      %swap3A_123 = vector.shape_cast %swap3A_122 : vector<1x16xf32> to vector<16xf32>
      %swap3A_124 = vector.shape_cast %broadcast_in_dim3A_119 : vector<16xf32> to vector<1x16xf32>
      tpu.vector_store %arg8[%swap3A_120, %swap3A_121], %swap3A_124 {strides = array<i32>} : memref<100x128xf32, #tpu.memory_space<vmem>>, vector<1x16xf32>,
      %broadcast_in_dim3A_125 = arith.constant 0.000000e+00 : f32
      %broadcast_in_dim3A_126 = vector.broadcast %broadcast_in_dim3A_125 : f32 to vector<16xf32>
      %swap3A_127 = arith.index_cast %scan3A_83 : i32 to index
      %swap3A_128 = arith.constant 96 : index
      %swap3A_129 = tpu.vector_load %arg8[%swap3A_127, %swap3A_128] {strides = array<i32>} : memref<100x128xf32, #tpu.memory_space<vmem>>, vector<1x16xf32>,
      %swap3A_130 = vector.shape_cast %swap3A_129 : vector<1x16xf32> to vector<16xf32>
      %swap3A_131 = vector.shape_cast %broadcast_in_dim3A_126 : vector<16xf32> to vector<1x16xf32>
      tpu.vector_store %arg8[%swap3A_127, %swap3A_128], %swap3A_131 {strides = array<i32>} : memref<100x128xf32, #tpu.memory_space<vmem>>, vector<1x16xf32>,
      %broadcast_in_dim3A_132 = arith.constant 0.000000e+00 : f32
      %broadcast_in_dim3A_133 = vector.broadcast %broadcast_in_dim3A_132 : f32 to vector<16xf32>
      %swap3A_134 = arith.index_cast %scan3A_83 : i32 to index
      %swap3A_135 = arith.constant 112 : index
      %swap3A_136 = tpu.vector_load %arg8[%swap3A_134, %swap3A_135] {strides = array<i32>} : memref<100x128xf32, #tpu.memory_space<vmem>>, vector<1x16xf32>,
      %swap3A_137 = vector.shape_cast %swap3A_136 : vector<1x16xf32> to vector<16xf32>
      %swap3A_138 = vector.shape_cast %broadcast_in_dim3A_133 : vector<16xf32> to vector<1x16xf32>
      tpu.vector_store %arg8[%swap3A_134, %swap3A_135], %swap3A_138 {strides = array<i32>} : memref<100x128xf32, #tpu.memory_space<vmem>>, vector<1x16xf32>,
      %scan3A_139 = arith.constant 0 : i32
      scf.yield %scan3A_139 : i32
    }
    %scan3A_6 = arith.constant 100 : i32
    %add3A = arith.constant 0 : i32
    %add3A_7 = arith.addi %mul3A_0, %add3A : i32
    "tpu.region"() ({
      %run_scoped3A_83 = tpu.sem_alloc : memref<!tpu.dma_semaphore, #tpu.memory_space<semaphore_mem>>
      %dma_start3A = arith.constant 0 : i32
      %dma_start3A_84 = arith.constant 0 : i32
      %dma_start3A_85 = tpu.memref_slice %arg8[%dma_start3A, %dma_start3A_84] : memref<100x128xf32, #tpu.memory_space<vmem>> -> memref<32x128xf32, #tpu.memory_space<vmem>>
      %dma_start3A_86 = arith.constant 0 : i32
      %dma_start3A_87 = tpu.memref_slice %arg10[%add3A_7, %dma_start3A_86] : memref<10240x128xf32, #tpu.memory_space<vmem_shared>> -> memref<32x128xf32, #tpu.memory_space<vmem_shared>>
      %dma_start3A_88 = arith.constant 0 : i32
      %dma_start3A_89 = tpu.memref_slice %arg10[%add3A_7, %dma_start3A_88] : memref<10240x128xf32, #tpu.memory_space<vmem_shared>> -> memref<32x128xf32, #tpu.memory_space<vmem_shared>>
      %dma_start3A_90 = arith.constant 0 : i32
      %dma_start3A_91 = arith.constant 0 : i32
      %dma_start3A_92 = tpu.memref_slice %arg8[%dma_start3A_90, %dma_start3A_91] : memref<100x128xf32, #tpu.memory_space<vmem>> -> memref<32x128xf32, #tpu.memory_space<vmem>>
      tpu.enqueue_dma source(%dma_start3A_92 : memref<32x128xf32, #tpu.memory_space<vmem>>) target(%dma_start3A_89 : memref<32x128xf32, #tpu.memory_space<vmem_shared>>) target_semaphore(%run_scoped3A_83 : memref<!tpu.dma_semaphore, #tpu.memory_space<semaphore_mem>>)
      %dma_wait3A = arith.constant 0 : i32
      %dma_wait3A_93 = arith.constant 0 : i32
      %dma_wait3A_94 = tpu.memref_slice %arg8[%dma_wait3A, %dma_wait3A_93] : memref<100x128xf32, #tpu.memory_space<vmem>> -> memref<32x128xf32, #tpu.memory_space<vmem>>
      %dma_wait3A_95 = arith.constant 0 : i32
      %dma_wait3A_96 = tpu.memref_slice %arg10[%add3A_7, %dma_wait3A_95] : memref<10240x128xf32, #tpu.memory_space<vmem_shared>> -> memref<32x128xf32, #tpu.memory_space<vmem_shared>>
      %dma_wait3A_97 = arith.constant 0 : i32
      %dma_wait3A_98 = tpu.memref_slice %arg10[%add3A_7, %dma_wait3A_97] : memref<10240x128xf32, #tpu.memory_space<vmem_shared>> -> memref<32x128xf32, #tpu.memory_space<vmem_shared>>
      %dma_wait3A_99 = arith.constant 0 : i32
      %dma_wait3A_100 = arith.constant 0 : i32
      %dma_wait3A_101 = tpu.memref_slice %arg8[%dma_wait3A_99, %dma_wait3A_100] : memref<100x128xf32, #tpu.memory_space<vmem>> -> memref<32x128xf32, #tpu.memory_space<vmem>>
      tpu.wait_dma2 semaphore(%run_scoped3A_83 : memref<!tpu.dma_semaphore, #tpu.memory_space<semaphore_mem>>) src(%dma_wait3A_101 : memref<32x128xf32, #tpu.memory_space<vmem>>) dst(%dma_wait3A_98 : memref<32x128xf32, #tpu.memory_space<vmem_shared>>)
      tpu.yield
    }) : () -> ()
    %add3A_8 = arith.constant 32 : i32
    %add3A_9 = arith.addi %mul3A_0, %add3A_8 : i32
    "tpu.region"() ({
      %run_scoped3A_83 = tpu.sem_alloc : memref<!tpu.dma_semaphore, #tpu.memory_space<semaphore_mem>>
      %dma_start3A = arith.constant 0 : i32
      %dma_start3A_84 = arith.constant 0 : i32
      %dma_start3A_85 = tpu.memref_slice %arg8[%dma_start3A, %dma_start3A_84] : memref<100x128xf32, #tpu.memory_space<vmem>> -> memref<32x128xf32, #tpu.memory_space<vmem>>
      %dma_start3A_86 = arith.constant 0 : i32
      %dma_start3A_87 = tpu.memref_slice %arg10[%add3A_9, %dma_start3A_86] : memref<10240x128xf32, #tpu.memory_space<vmem_shared>> -> memref<32x128xf32, #tpu.memory_space<vmem_shared>>
      %dma_start3A_88 = arith.constant 0 : i32
      %dma_start3A_89 = tpu.memref_slice %arg10[%add3A_9, %dma_start3A_88] : memref<10240x128xf32, #tpu.memory_space<vmem_shared>> -> memref<32x128xf32, #tpu.memory_space<vmem_shared>>
      %dma_start3A_90 = arith.constant 0 : i32
      %dma_start3A_91 = arith.constant 0 : i32
      %dma_start3A_92 = tpu.memref_slice %arg8[%dma_start3A_90, %dma_start3A_91] : memref<100x128xf32, #tpu.memory_space<vmem>> -> memref<32x128xf32, #tpu.memory_space<vmem>>
      tpu.enqueue_dma source(%dma_start3A_92 : memref<32x128xf32, #tpu.memory_space<vmem>>) target(%dma_start3A_89 : memref<32x128xf32, #tpu.memory_space<vmem_shared>>) target_semaphore(%run_scoped3A_83 : memref<!tpu.dma_semaphore, #tpu.memory_space<semaphore_mem>>)
      %dma_wait3A = arith.constant 0 : i32
      %dma_wait3A_93 = arith.constant 0 : i32
      %dma_wait3A_94 = tpu.memref_slice %arg8[%dma_wait3A, %dma_wait3A_93] : memref<100x128xf32, #tpu.memory_space<vmem>> -> memref<32x128xf32, #tpu.memory_space<vmem>>
      %dma_wait3A_95 = arith.constant 0 : i32
      %dma_wait3A_96 = tpu.memref_slice %arg10[%add3A_9, %dma_wait3A_95] : memref<10240x128xf32, #tpu.memory_space<vmem_shared>> -> memref<32x128xf32, #tpu.memory_space<vmem_shared>>
      %dma_wait3A_97 = arith.constant 0 : i32
      %dma_wait3A_98 = tpu.memref_slice %arg10[%add3A_9, %dma_wait3A_97] : memref<10240x128xf32, #tpu.memory_space<vmem_shared>> -> memref<32x128xf32, #tpu.memory_space<vmem_shared>>
      %dma_wait3A_99 = arith.constant 0 : i32
      %dma_wait3A_100 = arith.constant 0 : i32
      %dma_wait3A_101 = tpu.memref_slice %arg8[%dma_wait3A_99, %dma_wait3A_100] : memref<100x128xf32, #tpu.memory_space<vmem>> -> memref<32x128xf32, #tpu.memory_space<vmem>>
      tpu.wait_dma2 semaphore(%run_scoped3A_83 : memref<!tpu.dma_semaphore, #tpu.memory_space<semaphore_mem>>) src(%dma_wait3A_101 : memref<32x128xf32, #tpu.memory_space<vmem>>) dst(%dma_wait3A_98 : memref<32x128xf32, #tpu.memory_space<vmem_shared>>)
      tpu.yield
    }) : () -> ()
    %add3A_10 = arith.constant 64 : i32
    %add3A_11 = arith.addi %mul3A_0, %add3A_10 : i32
    "tpu.region"() ({
      %run_scoped3A_83 = tpu.sem_alloc : memref<!tpu.dma_semaphore, #tpu.memory_space<semaphore_mem>>
      %dma_start3A = arith.constant 0 : i32
      %dma_start3A_84 = arith.constant 0 : i32
      %dma_start3A_85 = tpu.memref_slice %arg8[%dma_start3A, %dma_start3A_84] : memref<100x128xf32, #tpu.memory_space<vmem>> -> memref<32x128xf32, #tpu.memory_space<vmem>>
      %dma_start3A_86 = arith.constant 0 : i32
      %dma_start3A_87 = tpu.memref_slice %arg10[%add3A_11, %dma_start3A_86] : memref<10240x128xf32, #tpu.memory_space<vmem_shared>> -> memref<32x128xf32, #tpu.memory_space<vmem_shared>>
      %dma_start3A_88 = arith.constant 0 : i32
      %dma_start3A_89 = tpu.memref_slice %arg10[%add3A_11, %dma_start3A_88] : memref<10240x128xf32, #tpu.memory_space<vmem_shared>> -> memref<32x128xf32, #tpu.memory_space<vmem_shared>>
      %dma_start3A_90 = arith.constant 0 : i32
      %dma_start3A_91 = arith.constant 0 : i32
      %dma_start3A_92 = tpu.memref_slice %arg8[%dma_start3A_90, %dma_start3A_91] : memref<100x128xf32, #tpu.memory_space<vmem>> -> memref<32x128xf32, #tpu.memory_space<vmem>>
      tpu.enqueue_dma source(%dma_start3A_92 : memref<32x128xf32, #tpu.memory_space<vmem>>) target(%dma_start3A_89 : memref<32x128xf32, #tpu.memory_space<vmem_shared>>) target_semaphore(%run_scoped3A_83 : memref<!tpu.dma_semaphore, #tpu.memory_space<semaphore_mem>>)
      %dma_wait3A = arith.constant 0 : i32
      %dma_wait3A_93 = arith.constant 0 : i32
      %dma_wait3A_94 = tpu.memref_slice %arg8[%dma_wait3A, %dma_wait3A_93] : memref<100x128xf32, #tpu.memory_space<vmem>> -> memref<32x128xf32, #tpu.memory_space<vmem>>
      %dma_wait3A_95 = arith.constant 0 : i32
      %dma_wait3A_96 = tpu.memref_slice %arg10[%add3A_11, %dma_wait3A_95] : memref<10240x128xf32, #tpu.memory_space<vmem_shared>> -> memref<32x128xf32, #tpu.memory_space<vmem_shared>>
      %dma_wait3A_97 = arith.constant 0 : i32
      %dma_wait3A_98 = tpu.memref_slice %arg10[%add3A_11, %dma_wait3A_97] : memref<10240x128xf32, #tpu.memory_space<vmem_shared>> -> memref<32x128xf32, #tpu.memory_space<vmem_shared>>
      %dma_wait3A_99 = arith.constant 0 : i32
      %dma_wait3A_100 = arith.constant 0 : i32
      %dma_wait3A_101 = tpu.memref_slice %arg8[%dma_wait3A_99, %dma_wait3A_100] : memref<100x128xf32, #tpu.memory_space<vmem>> -> memref<32x128xf32, #tpu.memory_space<vmem>>
      tpu.wait_dma2 semaphore(%run_scoped3A_83 : memref<!tpu.dma_semaphore, #tpu.memory_space<semaphore_mem>>) src(%dma_wait3A_101 : memref<32x128xf32, #tpu.memory_space<vmem>>) dst(%dma_wait3A_98 : memref<32x128xf32, #tpu.memory_space<vmem_shared>>)
      tpu.yield
    }) : () -> ()
    %add3A_12 = arith.constant 96 : i32
    %add3A_13 = arith.addi %mul3A_0, %add3A_12 : i32
    "tpu.region"() ({
      %run_scoped3A_83 = tpu.sem_alloc : memref<!tpu.dma_semaphore, #tpu.memory_space<semaphore_mem>>
      %dma_start3A = arith.constant 0 : i32
      %dma_start3A_84 = arith.constant 0 : i32
      %dma_start3A_85 = tpu.memref_slice %arg8[%dma_start3A, %dma_start3A_84] : memref<100x128xf32, #tpu.memory_space<vmem>> -> memref<32x128xf32, #tpu.memory_space<vmem>>
      %dma_start3A_86 = arith.constant 0 : i32
      %dma_start3A_87 = tpu.memref_slice %arg10[%add3A_13, %dma_start3A_86] : memref<10240x128xf32, #tpu.memory_space<vmem_shared>> -> memref<32x128xf32, #tpu.memory_space<vmem_shared>>
      %dma_start3A_88 = arith.constant 0 : i32
      %dma_start3A_89 = tpu.memref_slice %arg10[%add3A_13, %dma_start3A_88] : memref<10240x128xf32, #tpu.memory_space<vmem_shared>> -> memref<32x128xf32, #tpu.memory_space<vmem_shared>>
      %dma_start3A_90 = arith.constant 0 : i32
      %dma_start3A_91 = arith.constant 0 : i32
      %dma_start3A_92 = tpu.memref_slice %arg8[%dma_start3A_90, %dma_start3A_91] : memref<100x128xf32, #tpu.memory_space<vmem>> -> memref<32x128xf32, #tpu.memory_space<vmem>>
      tpu.enqueue_dma source(%dma_start3A_92 : memref<32x128xf32, #tpu.memory_space<vmem>>) target(%dma_start3A_89 : memref<32x128xf32, #tpu.memory_space<vmem_shared>>) target_semaphore(%run_scoped3A_83 : memref<!tpu.dma_semaphore, #tpu.memory_space<semaphore_mem>>)
      %dma_wait3A = arith.constant 0 : i32
      %dma_wait3A_93 = arith.constant 0 : i32
      %dma_wait3A_94 = tpu.memref_slice %arg8[%dma_wait3A, %dma_wait3A_93] : memref<100x128xf32, #tpu.memory_space<vmem>> -> memref<32x128xf32, #tpu.memory_space<vmem>>
      %dma_wait3A_95 = arith.constant 0 : i32
      %dma_wait3A_96 = tpu.memref_slice %arg10[%add3A_13, %dma_wait3A_95] : memref<10240x128xf32, #tpu.memory_space<vmem_shared>> -> memref<32x128xf32, #tpu.memory_space<vmem_shared>>
      %dma_wait3A_97 = arith.constant 0 : i32
      %dma_wait3A_98 = tpu.memref_slice %arg10[%add3A_13, %dma_wait3A_97] : memref<10240x128xf32, #tpu.memory_space<vmem_shared>> -> memref<32x128xf32, #tpu.memory_space<vmem_shared>>
      %dma_wait3A_99 = arith.constant 0 : i32
      %dma_wait3A_100 = arith.constant 0 : i32
      %dma_wait3A_101 = tpu.memref_slice %arg8[%dma_wait3A_99, %dma_wait3A_100] : memref<100x128xf32, #tpu.memory_space<vmem>> -> memref<32x128xf32, #tpu.memory_space<vmem>>
      tpu.wait_dma2 semaphore(%run_scoped3A_83 : memref<!tpu.dma_semaphore, #tpu.memory_space<semaphore_mem>>) src(%dma_wait3A_101 : memref<32x128xf32, #tpu.memory_space<vmem>>) dst(%dma_wait3A_98 : memref<32x128xf32, #tpu.memory_space<vmem_shared>>)
      tpu.yield
    }) : () -> ()
    %add3A_14 = arith.constant 128 : i32
    %add3A_15 = arith.addi %mul3A_0, %add3A_14 : i32
    "tpu.region"() ({
      %run_scoped3A_83 = tpu.sem_alloc : memref<!tpu.dma_semaphore, #tpu.memory_space<semaphore_mem>>
      %dma_start3A = arith.constant 0 : i32
      %dma_start3A_84 = arith.constant 0 : i32
      %dma_start3A_85 = tpu.memref_slice %arg8[%dma_start3A, %dma_start3A_84] : memref<100x128xf32, #tpu.memory_space<vmem>> -> memref<32x128xf32, #tpu.memory_space<vmem>>
      %dma_start3A_86 = arith.constant 0 : i32
      %dma_start3A_87 = tpu.memref_slice %arg10[%add3A_15, %dma_start3A_86] : memref<10240x128xf32, #tpu.memory_space<vmem_shared>> -> memref<32x128xf32, #tpu.memory_space<vmem_shared>>
      %dma_start3A_88 = arith.constant 0 : i32
      %dma_start3A_89 = tpu.memref_slice %arg10[%add3A_15, %dma_start3A_88] : memref<10240x128xf32, #tpu.memory_space<vmem_shared>> -> memref<32x128xf32, #tpu.memory_space<vmem_shared>>
      %dma_start3A_90 = arith.constant 0 : i32
      %dma_start3A_91 = arith.constant 0 : i32
      %dma_start3A_92 = tpu.memref_slice %arg8[%dma_start3A_90, %dma_start3A_91] : memref<100x128xf32, #tpu.memory_space<vmem>> -> memref<32x128xf32, #tpu.memory_space<vmem>>
      tpu.enqueue_dma source(%dma_start3A_92 : memref<32x128xf32, #tpu.memory_space<vmem>>) target(%dma_start3A_89 : memref<32x128xf32, #tpu.memory_space<vmem_shared>>) target_semaphore(%run_scoped3A_83 : memref<!tpu.dma_semaphore, #tpu.memory_space<semaphore_mem>>)
      %dma_wait3A = arith.constant 0 : i32
      %dma_wait3A_93 = arith.constant 0 : i32
      %dma_wait3A_94 = tpu.memref_slice %arg8[%dma_wait3A, %dma_wait3A_93] : memref<100x128xf32, #tpu.memory_space<vmem>> -> memref<32x128xf32, #tpu.memory_space<vmem>>
      %dma_wait3A_95 = arith.constant 0 : i32
      %dma_wait3A_96 = tpu.memref_slice %arg10[%add3A_15, %dma_wait3A_95] : memref<10240x128xf32, #tpu.memory_space<vmem_shared>> -> memref<32x128xf32, #tpu.memory_space<vmem_shared>>
      %dma_wait3A_97 = arith.constant 0 : i32
      %dma_wait3A_98 = tpu.memref_slice %arg10[%add3A_15, %dma_wait3A_97] : memref<10240x128xf32, #tpu.memory_space<vmem_shared>> -> memref<32x128xf32, #tpu.memory_space<vmem_shared>>
      %dma_wait3A_99 = arith.constant 0 : i32
      %dma_wait3A_100 = arith.constant 0 : i32
      %dma_wait3A_101 = tpu.memref_slice %arg8[%dma_wait3A_99, %dma_wait3A_100] : memref<100x128xf32, #tpu.memory_space<vmem>> -> memref<32x128xf32, #tpu.memory_space<vmem>>
      tpu.wait_dma2 semaphore(%run_scoped3A_83 : memref<!tpu.dma_semaphore, #tpu.memory_space<semaphore_mem>>) src(%dma_wait3A_101 : memref<32x128xf32, #tpu.memory_space<vmem>>) dst(%dma_wait3A_98 : memref<32x128xf32, #tpu.memory_space<vmem_shared>>)
      tpu.yield
    }) : () -> ()
    %add3A_16 = arith.constant 160 : i32
    %add3A_17 = arith.addi %mul3A_0, %add3A_16 : i32
    "tpu.region"() ({
      %run_scoped3A_83 = tpu.sem_alloc : memref<!tpu.dma_semaphore, #tpu.memory_space<semaphore_mem>>
      %dma_start3A = arith.constant 0 : i32
      %dma_start3A_84 = arith.constant 0 : i32
      %dma_start3A_85 = tpu.memref_slice %arg8[%dma_start3A, %dma_start3A_84] : memref<100x128xf32, #tpu.memory_space<vmem>> -> memref<32x128xf32, #tpu.memory_space<vmem>>
      %dma_start3A_86 = arith.constant 0 : i32
      %dma_start3A_87 = tpu.memref_slice %arg10[%add3A_17, %dma_start3A_86] : memref<10240x128xf32, #tpu.memory_space<vmem_shared>> -> memref<32x128xf32, #tpu.memory_space<vmem_shared>>
      %dma_start3A_88 = arith.constant 0 : i32
      %dma_start3A_89 = tpu.memref_slice %arg10[%add3A_17, %dma_start3A_88] : memref<10240x128xf32, #tpu.memory_space<vmem_shared>> -> memref<32x128xf32, #tpu.memory_space<vmem_shared>>
      %dma_start3A_90 = arith.constant 0 : i32
      %dma_start3A_91 = arith.constant 0 : i32
      %dma_start3A_92 = tpu.memref_slice %arg8[%dma_start3A_90, %dma_start3A_91] : memref<100x128xf32, #tpu.memory_space<vmem>> -> memref<32x128xf32, #tpu.memory_space<vmem>>
      tpu.enqueue_dma source(%dma_start3A_92 : memref<32x128xf32, #tpu.memory_space<vmem>>) target(%dma_start3A_89 : memref<32x128xf32, #tpu.memory_space<vmem_shared>>) target_semaphore(%run_scoped3A_83 : memref<!tpu.dma_semaphore, #tpu.memory_space<semaphore_mem>>)
      %dma_wait3A = arith.constant 0 : i32
      %dma_wait3A_93 = arith.constant 0 : i32
      %dma_wait3A_94 = tpu.memref_slice %arg8[%dma_wait3A, %dma_wait3A_93] : memref<100x128xf32, #tpu.memory_space<vmem>> -> memref<32x128xf32, #tpu.memory_space<vmem>>
      %dma_wait3A_95 = arith.constant 0 : i32
      %dma_wait3A_96 = tpu.memref_slice %arg10[%add3A_17, %dma_wait3A_95] : memref<10240x128xf32, #tpu.memory_space<vmem_shared>> -> memref<32x128xf32, #tpu.memory_space<vmem_shared>>
      %dma_wait3A_97 = arith.constant 0 : i32
      %dma_wait3A_98 = tpu.memref_slice %arg10[%add3A_17, %dma_wait3A_97] : memref<10240x128xf32, #tpu.memory_space<vmem_shared>> -> memref<32x128xf32, #tpu.memory_space<vmem_shared>>
      %dma_wait3A_99 = arith.constant 0 : i32
      %dma_wait3A_100 = arith.constant 0 : i32
      %dma_wait3A_101 = tpu.memref_slice %arg8[%dma_wait3A_99, %dma_wait3A_100] : memref<100x128xf32, #tpu.memory_space<vmem>> -> memref<32x128xf32, #tpu.memory_space<vmem>>
      tpu.wait_dma2 semaphore(%run_scoped3A_83 : memref<!tpu.dma_semaphore, #tpu.memory_space<semaphore_mem>>) src(%dma_wait3A_101 : memref<32x128xf32, #tpu.memory_space<vmem>>) dst(%dma_wait3A_98 : memref<32x128xf32, #tpu.memory_space<vmem_shared>>)
      tpu.yield
    }) : () -> ()
    %add3A_18 = arith.constant 192 : i32
    %add3A_19 = arith.addi %mul3A_0, %add3A_18 : i32
    "tpu.region"() ({
      %run_scoped3A_83 = tpu.sem_alloc : memref<!tpu.dma_semaphore, #tpu.memory_space<semaphore_mem>>
      %dma_start3A = arith.constant 0 : i32
      %dma_start3A_84 = arith.constant 0 : i32
      %dma_start3A_85 = tpu.memref_slice %arg8[%dma_start3A, %dma_start3A_84] : memref<100x128xf32, #tpu.memory_space<vmem>> -> memref<32x128xf32, #tpu.memory_space<vmem>>
      %dma_start3A_86 = arith.constant 0 : i32
      %dma_start3A_87 = tpu.memref_slice %arg10[%add3A_19, %dma_start3A_86] : memref<10240x128xf32, #tpu.memory_space<vmem_shared>> -> memref<32x128xf32, #tpu.memory_space<vmem_shared>>
      %dma_start3A_88 = arith.constant 0 : i32
      %dma_start3A_89 = tpu.memref_slice %arg10[%add3A_19, %dma_start3A_88] : memref<10240x128xf32, #tpu.memory_space<vmem_shared>> -> memref<32x128xf32, #tpu.memory_space<vmem_shared>>
      %dma_start3A_90 = arith.constant 0 : i32
      %dma_start3A_91 = arith.constant 0 : i32
      %dma_start3A_92 = tpu.memref_slice %arg8[%dma_start3A_90, %dma_start3A_91] : memref<100x128xf32, #tpu.memory_space<vmem>> -> memref<32x128xf32, #tpu.memory_space<vmem>>
      tpu.enqueue_dma source(%dma_start3A_92 : memref<32x128xf32, #tpu.memory_space<vmem>>) target(%dma_start3A_89 : memref<32x128xf32, #tpu.memory_space<vmem_shared>>) target_semaphore(%run_scoped3A_83 : memref<!tpu.dma_semaphore, #tpu.memory_space<semaphore_mem>>)
      %dma_wait3A = arith.constant 0 : i32
      %dma_wait3A_93 = arith.constant 0 : i32
      %dma_wait3A_94 = tpu.memref_slice %arg8[%dma_wait3A, %dma_wait3A_93] : memref<100x128xf32, #tpu.memory_space<vmem>> -> memref<32x128xf32, #tpu.memory_space<vmem>>
      %dma_wait3A_95 = arith.constant 0 : i32
      %dma_wait3A_96 = tpu.memref_slice %arg10[%add3A_19, %dma_wait3A_95] : memref<10240x128xf32, #tpu.memory_space<vmem_shared>> -> memref<32x128xf32, #tpu.memory_space<vmem_shared>>
      %dma_wait3A_97 = arith.constant 0 : i32
      %dma_wait3A_98 = tpu.memref_slice %arg10[%add3A_19, %dma_wait3A_97] : memref<10240x128xf32, #tpu.memory_space<vmem_shared>> -> memref<32x128xf32, #tpu.memory_space<vmem_shared>>
      %dma_wait3A_99 = arith.constant 0 : i32
      %dma_wait3A_100 = arith.constant 0 : i32
      %dma_wait3A_101 = tpu.memref_slice %arg8[%dma_wait3A_99, %dma_wait3A_100] : memref<100x128xf32, #tpu.memory_space<vmem>> -> memref<32x128xf32, #tpu.memory_space<vmem>>
      tpu.wait_dma2 semaphore(%run_scoped3A_83 : memref<!tpu.dma_semaphore, #tpu.memory_space<semaphore_mem>>) src(%dma_wait3A_101 : memref<32x128xf32, #tpu.memory_space<vmem>>) dst(%dma_wait3A_98 : memref<32x128xf32, #tpu.memory_space<vmem_shared>>)
      tpu.yield
    }) : () -> ()
    %add3A_20 = arith.constant 224 : i32
    %add3A_21 = arith.addi %mul3A_0, %add3A_20 : i32
    "tpu.region"() ({
      %run_scoped3A_83 = tpu.sem_alloc : memref<!tpu.dma_semaphore, #tpu.memory_space<semaphore_mem>>
      %dma_start3A = arith.constant 0 : i32
      %dma_start3A_84 = arith.constant 0 : i32
      %dma_start3A_85 = tpu.memref_slice %arg8[%dma_start3A, %dma_start3A_84] : memref<100x128xf32, #tpu.memory_space<vmem>> -> memref<32x128xf32, #tpu.memory_space<vmem>>
      %dma_start3A_86 = arith.constant 0 : i32
      %dma_start3A_87 = tpu.memref_slice %arg10[%add3A_21, %dma_start3A_86] : memref<10240x128xf32, #tpu.memory_space<vmem_shared>> -> memref<32x128xf32, #tpu.memory_space<vmem_shared>>
      %dma_start3A_88 = arith.constant 0 : i32
      %dma_start3A_89 = tpu.memref_slice %arg10[%add3A_21, %dma_start3A_88] : memref<10240x128xf32, #tpu.memory_space<vmem_shared>> -> memref<32x128xf32, #tpu.memory_space<vmem_shared>>
      %dma_start3A_90 = arith.constant 0 : i32
      %dma_start3A_91 = arith.constant 0 : i32
      %dma_start3A_92 = tpu.memref_slice %arg8[%dma_start3A_90, %dma_start3A_91] : memref<100x128xf32, #tpu.memory_space<vmem>> -> memref<32x128xf32, #tpu.memory_space<vmem>>
      tpu.enqueue_dma source(%dma_start3A_92 : memref<32x128xf32, #tpu.memory_space<vmem>>) target(%dma_start3A_89 : memref<32x128xf32, #tpu.memory_space<vmem_shared>>) target_semaphore(%run_scoped3A_83 : memref<!tpu.dma_semaphore, #tpu.memory_space<semaphore_mem>>)
      %dma_wait3A = arith.constant 0 : i32
      %dma_wait3A_93 = arith.constant 0 : i32
      %dma_wait3A_94 = tpu.memref_slice %arg8[%dma_wait3A, %dma_wait3A_93] : memref<100x128xf32, #tpu.memory_space<vmem>> -> memref<32x128xf32, #tpu.memory_space<vmem>>
      %dma_wait3A_95 = arith.constant 0 : i32
      %dma_wait3A_96 = tpu.memref_slice %arg10[%add3A_21, %dma_wait3A_95] : memref<10240x128xf32, #tpu.memory_space<vmem_shared>> -> memref<32x128xf32, #tpu.memory_space<vmem_shared>>
      %dma_wait3A_97 = arith.constant 0 : i32
      %dma_wait3A_98 = tpu.memref_slice %arg10[%add3A_21, %dma_wait3A_97] : memref<10240x128xf32, #tpu.memory_space<vmem_shared>> -> memref<32x128xf32, #tpu.memory_space<vmem_shared>>
      %dma_wait3A_99 = arith.constant 0 : i32
      %dma_wait3A_100 = arith.constant 0 : i32
      %dma_wait3A_101 = tpu.memref_slice %arg8[%dma_wait3A_99, %dma_wait3A_100] : memref<100x128xf32, #tpu.memory_space<vmem>> -> memref<32x128xf32, #tpu.memory_space<vmem>>
      tpu.wait_dma2 semaphore(%run_scoped3A_83 : memref<!tpu.dma_semaphore, #tpu.memory_space<semaphore_mem>>) src(%dma_wait3A_101 : memref<32x128xf32, #tpu.memory_space<vmem>>) dst(%dma_wait3A_98 : memref<32x128xf32, #tpu.memory_space<vmem_shared>>)
      tpu.yield
    }) : () -> ()
    %add3A_22 = arith.constant 256 : i32
    %add3A_23 = arith.addi %mul3A_0, %add3A_22 : i32
    "tpu.region"() ({
      %run_scoped3A_83 = tpu.sem_alloc : memref<!tpu.dma_semaphore, #tpu.memory_space<semaphore_mem>>
      %dma_start3A = arith.constant 0 : i32
      %dma_start3A_84 = arith.constant 0 : i32
      %dma_start3A_85 = tpu.memref_slice %arg8[%dma_start3A, %dma_start3A_84] : memref<100x128xf32, #tpu.memory_space<vmem>> -> memref<32x128xf32, #tpu.memory_space<vmem>>
      %dma_start3A_86 = arith.constant 0 : i32
      %dma_start3A_87 = tpu.memref_slice %arg10[%add3A_23, %dma_start3A_86] : memref<10240x128xf32, #tpu.memory_space<vmem_shared>> -> memref<32x128xf32, #tpu.memory_space<vmem_shared>>
      %dma_start3A_88 = arith.constant 0 : i32
      %dma_start3A_89 = tpu.memref_slice %arg10[%add3A_23, %dma_start3A_88] : memref<10240x128xf32, #tpu.memory_space<vmem_shared>> -> memref<32x128xf32, #tpu.memory_space<vmem_shared>>
      %dma_start3A_90 = arith.constant 0 : i32
      %dma_start3A_91 = arith.constant 0 : i32
      %dma_start3A_92 = tpu.memref_slice %arg8[%dma_start3A_90, %dma_start3A_91] : memref<100x128xf32, #tpu.memory_space<vmem>> -> memref<32x128xf32, #tpu.memory_space<vmem>>
      tpu.enqueue_dma source(%dma_start3A_92 : memref<32x128xf32, #tpu.memory_space<vmem>>) target(%dma_start3A_89 : memref<32x128xf32, #tpu.memory_space<vmem_shared>>) target_semaphore(%run_scoped3A_83 : memref<!tpu.dma_semaphore, #tpu.memory_space<semaphore_mem>>)
      %dma_wait3A = arith.constant 0 : i32
      %dma_wait3A_93 = arith.constant 0 : i32
      %dma_wait3A_94 = tpu.memref_slice %arg8[%dma_wait3A, %dma_wait3A_93] : memref<100x128xf32, #tpu.memory_space<vmem>> -> memref<32x128xf32, #tpu.memory_space<vmem>>
      %dma_wait3A_95 = arith.constant 0 : i32
      %dma_wait3A_96 = tpu.memref_slice %arg10[%add3A_23, %dma_wait3A_95] : memref<10240x128xf32, #tpu.memory_space<vmem_shared>> -> memref<32x128xf32, #tpu.memory_space<vmem_shared>>
      %dma_wait3A_97 = arith.constant 0 : i32
      %dma_wait3A_98 = tpu.memref_slice %arg10[%add3A_23, %dma_wait3A_97] : memref<10240x128xf32, #tpu.memory_space<vmem_shared>> -> memref<32x128xf32, #tpu.memory_space<vmem_shared>>
      %dma_wait3A_99 = arith.constant 0 : i32
      %dma_wait3A_100 = arith.constant 0 : i32
      %dma_wait3A_101 = tpu.memref_slice %arg8[%dma_wait3A_99, %dma_wait3A_100] : memref<100x128xf32, #tpu.memory_space<vmem>> -> memref<32x128xf32, #tpu.memory_space<vmem>>
      tpu.wait_dma2 semaphore(%run_scoped3A_83 : memref<!tpu.dma_semaphore, #tpu.memory_space<semaphore_mem>>) src(%dma_wait3A_101 : memref<32x128xf32, #tpu.memory_space<vmem>>) dst(%dma_wait3A_98 : memref<32x128xf32, #tpu.memory_space<vmem_shared>>)
      tpu.yield
    }) : () -> ()
    %add3A_24 = arith.constant 288 : i32
    %add3A_25 = arith.addi %mul3A_0, %add3A_24 : i32
    "tpu.region"() ({
      %run_scoped3A_83 = tpu.sem_alloc : memref<!tpu.dma_semaphore, #tpu.memory_space<semaphore_mem>>
      %dma_start3A = arith.constant 0 : i32
      %dma_start3A_84 = arith.constant 0 : i32
      %dma_start3A_85 = tpu.memref_slice %arg8[%dma_start3A, %dma_start3A_84] : memref<100x128xf32, #tpu.memory_space<vmem>> -> memref<32x128xf32, #tpu.memory_space<vmem>>
      %dma_start3A_86 = arith.constant 0 : i32
      %dma_start3A_87 = tpu.memref_slice %arg10[%add3A_25, %dma_start3A_86] : memref<10240x128xf32, #tpu.memory_space<vmem_shared>> -> memref<32x128xf32, #tpu.memory_space<vmem_shared>>
      %dma_start3A_88 = arith.constant 0 : i32
      %dma_start3A_89 = tpu.memref_slice %arg10[%add3A_25, %dma_start3A_88] : memref<10240x128xf32, #tpu.memory_space<vmem_shared>> -> memref<32x128xf32, #tpu.memory_space<vmem_shared>>
      %dma_start3A_90 = arith.constant 0 : i32
      %dma_start3A_91 = arith.constant 0 : i32
      %dma_start3A_92 = tpu.memref_slice %arg8[%dma_start3A_90, %dma_start3A_91] : memref<100x128xf32, #tpu.memory_space<vmem>> -> memref<32x128xf32, #tpu.memory_space<vmem>>
      tpu.enqueue_dma source(%dma_start3A_92 : memref<32x128xf32, #tpu.memory_space<vmem>>) target(%dma_start3A_89 : memref<32x128xf32, #tpu.memory_space<vmem_shared>>) target_semaphore(%run_scoped3A_83 : memref<!tpu.dma_semaphore, #tpu.memory_space<semaphore_mem>>)
      %dma_wait3A = arith.constant 0 : i32
      %dma_wait3A_93 = arith.constant 0 : i32
      %dma_wait3A_94 = tpu.memref_slice %arg8[%dma_wait3A, %dma_wait3A_93] : memref<100x128xf32, #tpu.memory_space<vmem>> -> memref<32x128xf32, #tpu.memory_space<vmem>>
      %dma_wait3A_95 = arith.constant 0 : i32
      %dma_wait3A_96 = tpu.memref_slice %arg10[%add3A_25, %dma_wait3A_95] : memref<10240x128xf32, #tpu.memory_space<vmem_shared>> -> memref<32x128xf32, #tpu.memory_space<vmem_shared>>
      %dma_wait3A_97 = arith.constant 0 : i32
      %dma_wait3A_98 = tpu.memref_slice %arg10[%add3A_25, %dma_wait3A_97] : memref<10240x128xf32, #tpu.memory_space<vmem_shared>> -> memref<32x128xf32, #tpu.memory_space<vmem_shared>>
      %dma_wait3A_99 = arith.constant 0 : i32
      %dma_wait3A_100 = arith.constant 0 : i32
      %dma_wait3A_101 = tpu.memref_slice %arg8[%dma_wait3A_99, %dma_wait3A_100] : memref<100x128xf32, #tpu.memory_space<vmem>> -> memref<32x128xf32, #tpu.memory_space<vmem>>
      tpu.wait_dma2 semaphore(%run_scoped3A_83 : memref<!tpu.dma_semaphore, #tpu.memory_space<semaphore_mem>>) src(%dma_wait3A_101 : memref<32x128xf32, #tpu.memory_space<vmem>>) dst(%dma_wait3A_98 : memref<32x128xf32, #tpu.memory_space<vmem_shared>>)
      tpu.yield
    }) : () -> ()
    %add3A_26 = arith.constant 320 : i32
    %add3A_27 = arith.addi %mul3A_0, %add3A_26 : i32
    "tpu.region"() ({
      %run_scoped3A_83 = tpu.sem_alloc : memref<!tpu.dma_semaphore, #tpu.memory_space<semaphore_mem>>
      %dma_start3A = arith.constant 0 : i32
      %dma_start3A_84 = arith.constant 0 : i32
      %dma_start3A_85 = tpu.memref_slice %arg8[%dma_start3A, %dma_start3A_84] : memref<100x128xf32, #tpu.memory_space<vmem>> -> memref<32x128xf32, #tpu.memory_space<vmem>>
      %dma_start3A_86 = arith.constant 0 : i32
      %dma_start3A_87 = tpu.memref_slice %arg10[%add3A_27, %dma_start3A_86] : memref<10240x128xf32, #tpu.memory_space<vmem_shared>> -> memref<32x128xf32, #tpu.memory_space<vmem_shared>>
      %dma_start3A_88 = arith.constant 0 : i32
      %dma_start3A_89 = tpu.memref_slice %arg10[%add3A_27, %dma_start3A_88] : memref<10240x128xf32, #tpu.memory_space<vmem_shared>> -> memref<32x128xf32, #tpu.memory_space<vmem_shared>>
      %dma_start3A_90 = arith.constant 0 : i32
      %dma_start3A_91 = arith.constant 0 : i32
      %dma_start3A_92 = tpu.memref_slice %arg8[%dma_start3A_90, %dma_start3A_91] : memref<100x128xf32, #tpu.memory_space<vmem>> -> memref<32x128xf32, #tpu.memory_space<vmem>>
      tpu.enqueue_dma source(%dma_start3A_92 : memref<32x128xf32, #tpu.memory_space<vmem>>) target(%dma_start3A_89 : memref<32x128xf32, #tpu.memory_space<vmem_shared>>) target_semaphore(%run_scoped3A_83 : memref<!tpu.dma_semaphore, #tpu.memory_space<semaphore_mem>>)
      %dma_wait3A = arith.constant 0 : i32
      %dma_wait3A_93 = arith.constant 0 : i32
      %dma_wait3A_94 = tpu.memref_slice %arg8[%dma_wait3A, %dma_wait3A_93] : memref<100x128xf32, #tpu.memory_space<vmem>> -> memref<32x128xf32, #tpu.memory_space<vmem>>
      %dma_wait3A_95 = arith.constant 0 : i32
      %dma_wait3A_96 = tpu.memref_slice %arg10[%add3A_27, %dma_wait3A_95] : memref<10240x128xf32, #tpu.memory_space<vmem_shared>> -> memref<32x128xf32, #tpu.memory_space<vmem_shared>>
      %dma_wait3A_97 = arith.constant 0 : i32
      %dma_wait3A_98 = tpu.memref_slice %arg10[%add3A_27, %dma_wait3A_97] : memref<10240x128xf32, #tpu.memory_space<vmem_shared>> -> memref<32x128xf32, #tpu.memory_space<vmem_shared>>
      %dma_wait3A_99 = arith.constant 0 : i32
      %dma_wait3A_100 = arith.constant 0 : i32
      %dma_wait3A_101 = tpu.memref_slice %arg8[%dma_wait3A_99, %dma_wait3A_100] : memref<100x128xf32, #tpu.memory_space<vmem>> -> memref<32x128xf32, #tpu.memory_space<vmem>>
      tpu.wait_dma2 semaphore(%run_scoped3A_83 : memref<!tpu.dma_semaphore, #tpu.memory_space<semaphore_mem>>) src(%dma_wait3A_101 : memref<32x128xf32, #tpu.memory_space<vmem>>) dst(%dma_wait3A_98 : memref<32x128xf32, #tpu.memory_space<vmem_shared>>)
      tpu.yield
    }) : () -> ()
    %add3A_28 = arith.constant 352 : i32
    %add3A_29 = arith.addi %mul3A_0, %add3A_28 : i32
    "tpu.region"() ({
      %run_scoped3A_83 = tpu.sem_alloc : memref<!tpu.dma_semaphore, #tpu.memory_space<semaphore_mem>>
      %dma_start3A = arith.constant 0 : i32
      %dma_start3A_84 = arith.constant 0 : i32
      %dma_start3A_85 = tpu.memref_slice %arg8[%dma_start3A, %dma_start3A_84] : memref<100x128xf32, #tpu.memory_space<vmem>> -> memref<32x128xf32, #tpu.memory_space<vmem>>
      %dma_start3A_86 = arith.constant 0 : i32
      %dma_start3A_87 = tpu.memref_slice %arg10[%add3A_29, %dma_start3A_86] : memref<10240x128xf32, #tpu.memory_space<vmem_shared>> -> memref<32x128xf32, #tpu.memory_space<vmem_shared>>
      %dma_start3A_88 = arith.constant 0 : i32
      %dma_start3A_89 = tpu.memref_slice %arg10[%add3A_29, %dma_start3A_88] : memref<10240x128xf32, #tpu.memory_space<vmem_shared>> -> memref<32x128xf32, #tpu.memory_space<vmem_shared>>
      %dma_start3A_90 = arith.constant 0 : i32
      %dma_start3A_91 = arith.constant 0 : i32
      %dma_start3A_92 = tpu.memref_slice %arg8[%dma_start3A_90, %dma_start3A_91] : memref<100x128xf32, #tpu.memory_space<vmem>> -> memref<32x128xf32, #tpu.memory_space<vmem>>
      tpu.enqueue_dma source(%dma_start3A_92 : memref<32x128xf32, #tpu.memory_space<vmem>>) target(%dma_start3A_89 : memref<32x128xf32, #tpu.memory_space<vmem_shared>>) target_semaphore(%run_scoped3A_83 : memref<!tpu.dma_semaphore, #tpu.memory_space<semaphore_mem>>)
      %dma_wait3A = arith.constant 0 : i32
      %dma_wait3A_93 = arith.constant 0 : i32
      %dma_wait3A_94 = tpu.memref_slice %arg8[%dma_wait3A, %dma_wait3A_93] : memref<100x128xf32, #tpu.memory_space<vmem>> -> memref<32x128xf32, #tpu.memory_space<vmem>>
      %dma_wait3A_95 = arith.constant 0 : i32
      %dma_wait3A_96 = tpu.memref_slice %arg10[%add3A_29, %dma_wait3A_95] : memref<10240x128xf32, #tpu.memory_space<vmem_shared>> -> memref<32x128xf32, #tpu.memory_space<vmem_shared>>
      %dma_wait3A_97 = arith.constant 0 : i32
      %dma_wait3A_98 = tpu.memref_slice %arg10[%add3A_29, %dma_wait3A_97] : memref<10240x128xf32, #tpu.memory_space<vmem_shared>> -> memref<32x128xf32, #tpu.memory_space<vmem_shared>>
      %dma_wait3A_99 = arith.constant 0 : i32
      %dma_wait3A_100 = arith.constant 0 : i32
      %dma_wait3A_101 = tpu.memref_slice %arg8[%dma_wait3A_99, %dma_wait3A_100] : memref<100x128xf32, #tpu.memory_space<vmem>> -> memref<32x128xf32, #tpu.memory_space<vmem>>
      tpu.wait_dma2 semaphore(%run_scoped3A_83 : memref<!tpu.dma_semaphore, #tpu.memory_space<semaphore_mem>>) src(%dma_wait3A_101 : memref<32x128xf32, #tpu.memory_space<vmem>>) dst(%dma_wait3A_98 : memref<32x128xf32, #tpu.memory_space<vmem_shared>>)
      tpu.yield
    }) : () -> ()
    %add3A_30 = arith.constant 384 : i32
    %add3A_31 = arith.addi %mul3A_0, %add3A_30 : i32
    "tpu.region"() ({
      %run_scoped3A_83 = tpu.sem_alloc : memref<!tpu.dma_semaphore, #tpu.memory_space<semaphore_mem>>
      %dma_start3A = arith.constant 0 : i32
      %dma_start3A_84 = arith.constant 0 : i32
      %dma_start3A_85 = tpu.memref_slice %arg8[%dma_start3A, %dma_start3A_84] : memref<100x128xf32, #tpu.memory_space<vmem>> -> memref<32x128xf32, #tpu.memory_space<vmem>>
      %dma_start3A_86 = arith.constant 0 : i32
      %dma_start3A_87 = tpu.memref_slice %arg10[%add3A_31, %dma_start3A_86] : memref<10240x128xf32, #tpu.memory_space<vmem_shared>> -> memref<32x128xf32, #tpu.memory_space<vmem_shared>>
      %dma_start3A_88 = arith.constant 0 : i32
      %dma_start3A_89 = tpu.memref_slice %arg10[%add3A_31, %dma_start3A_88] : memref<10240x128xf32, #tpu.memory_space<vmem_shared>> -> memref<32x128xf32, #tpu.memory_space<vmem_shared>>
      %dma_start3A_90 = arith.constant 0 : i32
      %dma_start3A_91 = arith.constant 0 : i32
      %dma_start3A_92 = tpu.memref_slice %arg8[%dma_start3A_90, %dma_start3A_91] : memref<100x128xf32, #tpu.memory_space<vmem>> -> memref<32x128xf32, #tpu.memory_space<vmem>>
      tpu.enqueue_dma source(%dma_start3A_92 : memref<32x128xf32, #tpu.memory_space<vmem>>) target(%dma_start3A_89 : memref<32x128xf32, #tpu.memory_space<vmem_shared>>) target_semaphore(%run_scoped3A_83 : memref<!tpu.dma_semaphore, #tpu.memory_space<semaphore_mem>>)
      %dma_wait3A = arith.constant 0 : i32
      %dma_wait3A_93 = arith.constant 0 : i32
      %dma_wait3A_94 = tpu.memref_slice %arg8[%dma_wait3A, %dma_wait3A_93] : memref<100x128xf32, #tpu.memory_space<vmem>> -> memref<32x128xf32, #tpu.memory_space<vmem>>
      %dma_wait3A_95 = arith.constant 0 : i32
      %dma_wait3A_96 = tpu.memref_slice %arg10[%add3A_31, %dma_wait3A_95] : memref<10240x128xf32, #tpu.memory_space<vmem_shared>> -> memref<32x128xf32, #tpu.memory_space<vmem_shared>>
      %dma_wait3A_97 = arith.constant 0 : i32
      %dma_wait3A_98 = tpu.memref_slice %arg10[%add3A_31, %dma_wait3A_97] : memref<10240x128xf32, #tpu.memory_space<vmem_shared>> -> memref<32x128xf32, #tpu.memory_space<vmem_shared>>
      %dma_wait3A_99 = arith.constant 0 : i32
      %dma_wait3A_100 = arith.constant 0 : i32
      %dma_wait3A_101 = tpu.memref_slice %arg8[%dma_wait3A_99, %dma_wait3A_100] : memref<100x128xf32, #tpu.memory_space<vmem>> -> memref<32x128xf32, #tpu.memory_space<vmem>>
      tpu.wait_dma2 semaphore(%run_scoped3A_83 : memref<!tpu.dma_semaphore, #tpu.memory_space<semaphore_mem>>) src(%dma_wait3A_101 : memref<32x128xf32, #tpu.memory_space<vmem>>) dst(%dma_wait3A_98 : memref<32x128xf32, #tpu.memory_space<vmem_shared>>)
      tpu.yield
    }) : () -> ()
    %add3A_32 = arith.constant 416 : i32
    %add3A_33 = arith.addi %mul3A_0, %add3A_32 : i32
    "tpu.region"() ({
      %run_scoped3A_83 = tpu.sem_alloc : memref<!tpu.dma_semaphore, #tpu.memory_space<semaphore_mem>>
      %dma_start3A = arith.constant 0 : i32
      %dma_start3A_84 = arith.constant 0 : i32
      %dma_start3A_85 = tpu.memref_slice %arg8[%dma_start3A, %dma_start3A_84] : memref<100x128xf32, #tpu.memory_space<vmem>> -> memref<32x128xf32, #tpu.memory_space<vmem>>
      %dma_start3A_86 = arith.constant 0 : i32
      %dma_start3A_87 = tpu.memref_slice %arg10[%add3A_33, %dma_start3A_86] : memref<10240x128xf32, #tpu.memory_space<vmem_shared>> -> memref<32x128xf32, #tpu.memory_space<vmem_shared>>
      %dma_start3A_88 = arith.constant 0 : i32
      %dma_start3A_89 = tpu.memref_slice %arg10[%add3A_33, %dma_start3A_88] : memref<10240x128xf32, #tpu.memory_space<vmem_shared>> -> memref<32x128xf32, #tpu.memory_space<vmem_shared>>
      %dma_start3A_90 = arith.constant 0 : i32
      %dma_start3A_91 = arith.constant 0 : i32
      %dma_start3A_92 = tpu.memref_slice %arg8[%dma_start3A_90, %dma_start3A_91] : memref<100x128xf32, #tpu.memory_space<vmem>> -> memref<32x128xf32, #tpu.memory_space<vmem>>
      tpu.enqueue_dma source(%dma_start3A_92 : memref<32x128xf32, #tpu.memory_space<vmem>>) target(%dma_start3A_89 : memref<32x128xf32, #tpu.memory_space<vmem_shared>>) target_semaphore(%run_scoped3A_83 : memref<!tpu.dma_semaphore, #tpu.memory_space<semaphore_mem>>)
      %dma_wait3A = arith.constant 0 : i32
      %dma_wait3A_93 = arith.constant 0 : i32
      %dma_wait3A_94 = tpu.memref_slice %arg8[%dma_wait3A, %dma_wait3A_93] : memref<100x128xf32, #tpu.memory_space<vmem>> -> memref<32x128xf32, #tpu.memory_space<vmem>>
      %dma_wait3A_95 = arith.constant 0 : i32
      %dma_wait3A_96 = tpu.memref_slice %arg10[%add3A_33, %dma_wait3A_95] : memref<10240x128xf32, #tpu.memory_space<vmem_shared>> -> memref<32x128xf32, #tpu.memory_space<vmem_shared>>
      %dma_wait3A_97 = arith.constant 0 : i32
      %dma_wait3A_98 = tpu.memref_slice %arg10[%add3A_33, %dma_wait3A_97] : memref<10240x128xf32, #tpu.memory_space<vmem_shared>> -> memref<32x128xf32, #tpu.memory_space<vmem_shared>>
      %dma_wait3A_99 = arith.constant 0 : i32
      %dma_wait3A_100 = arith.constant 0 : i32
      %dma_wait3A_101 = tpu.memref_slice %arg8[%dma_wait3A_99, %dma_wait3A_100] : memref<100x128xf32, #tpu.memory_space<vmem>> -> memref<32x128xf32, #tpu.memory_space<vmem>>
      tpu.wait_dma2 semaphore(%run_scoped3A_83 : memref<!tpu.dma_semaphore, #tpu.memory_space<semaphore_mem>>) src(%dma_wait3A_101 : memref<32x128xf32, #tpu.memory_space<vmem>>) dst(%dma_wait3A_98 : memref<32x128xf32, #tpu.memory_space<vmem_shared>>)
      tpu.yield
    }) : () -> ()
    %add3A_34 = arith.constant 448 : i32
    %add3A_35 = arith.addi %mul3A_0, %add3A_34 : i32
    "tpu.region"() ({
      %run_scoped3A_83 = tpu.sem_alloc : memref<!tpu.dma_semaphore, #tpu.memory_space<semaphore_mem>>
      %dma_start3A = arith.constant 0 : i32
      %dma_start3A_84 = arith.constant 0 : i32
      %dma_start3A_85 = tpu.memref_slice %arg8[%dma_start3A, %dma_start3A_84] : memref<100x128xf32, #tpu.memory_space<vmem>> -> memref<32x128xf32, #tpu.memory_space<vmem>>
      %dma_start3A_86 = arith.constant 0 : i32
      %dma_start3A_87 = tpu.memref_slice %arg10[%add3A_35, %dma_start3A_86] : memref<10240x128xf32, #tpu.memory_space<vmem_shared>> -> memref<32x128xf32, #tpu.memory_space<vmem_shared>>
      %dma_start3A_88 = arith.constant 0 : i32
      %dma_start3A_89 = tpu.memref_slice %arg10[%add3A_35, %dma_start3A_88] : memref<10240x128xf32, #tpu.memory_space<vmem_shared>> -> memref<32x128xf32, #tpu.memory_space<vmem_shared>>
      %dma_start3A_90 = arith.constant 0 : i32
      %dma_start3A_91 = arith.constant 0 : i32
      %dma_start3A_92 = tpu.memref_slice %arg8[%dma_start3A_90, %dma_start3A_91] : memref<100x128xf32, #tpu.memory_space<vmem>> -> memref<32x128xf32, #tpu.memory_space<vmem>>
      tpu.enqueue_dma source(%dma_start3A_92 : memref<32x128xf32, #tpu.memory_space<vmem>>) target(%dma_start3A_89 : memref<32x128xf32, #tpu.memory_space<vmem_shared>>) target_semaphore(%run_scoped3A_83 : memref<!tpu.dma_semaphore, #tpu.memory_space<semaphore_mem>>)
      %dma_wait3A = arith.constant 0 : i32
      %dma_wait3A_93 = arith.constant 0 : i32
      %dma_wait3A_94 = tpu.memref_slice %arg8[%dma_wait3A, %dma_wait3A_93] : memref<100x128xf32, #tpu.memory_space<vmem>> -> memref<32x128xf32, #tpu.memory_space<vmem>>
      %dma_wait3A_95 = arith.constant 0 : i32
      %dma_wait3A_96 = tpu.memref_slice %arg10[%add3A_35, %dma_wait3A_95] : memref<10240x128xf32, #tpu.memory_space<vmem_shared>> -> memref<32x128xf32, #tpu.memory_space<vmem_shared>>
      %dma_wait3A_97 = arith.constant 0 : i32
      %dma_wait3A_98 = tpu.memref_slice %arg10[%add3A_35, %dma_wait3A_97] : memref<10240x128xf32, #tpu.memory_space<vmem_shared>> -> memref<32x128xf32, #tpu.memory_space<vmem_shared>>
      %dma_wait3A_99 = arith.constant 0 : i32
      %dma_wait3A_100 = arith.constant 0 : i32
      %dma_wait3A_101 = tpu.memref_slice %arg8[%dma_wait3A_99, %dma_wait3A_100] : memref<100x128xf32, #tpu.memory_space<vmem>> -> memref<32x128xf32, #tpu.memory_space<vmem>>
      tpu.wait_dma2 semaphore(%run_scoped3A_83 : memref<!tpu.dma_semaphore, #tpu.memory_space<semaphore_mem>>) src(%dma_wait3A_101 : memref<32x128xf32, #tpu.memory_space<vmem>>) dst(%dma_wait3A_98 : memref<32x128xf32, #tpu.memory_space<vmem_shared>>)
      tpu.yield
    }) : () -> ()
    %add3A_36 = arith.constant 480 : i32
    %add3A_37 = arith.addi %mul3A_0, %add3A_36 : i32
    "tpu.region"() ({
      %run_scoped3A_83 = tpu.sem_alloc : memref<!tpu.dma_semaphore, #tpu.memory_space<semaphore_mem>>
      %dma_start3A = arith.constant 0 : i32
      %dma_start3A_84 = arith.constant 0 : i32
      %dma_start3A_85 = tpu.memref_slice %arg8[%dma_start3A, %dma_start3A_84] : memref<100x128xf32, #tpu.memory_space<vmem>> -> memref<32x128xf32, #tpu.memory_space<vmem>>
      %dma_start3A_86 = arith.constant 0 : i32
      %dma_start3A_87 = tpu.memref_slice %arg10[%add3A_37, %dma_start3A_86] : memref<10240x128xf32, #tpu.memory_space<vmem_shared>> -> memref<32x128xf32, #tpu.memory_space<vmem_shared>>
      %dma_start3A_88 = arith.constant 0 : i32
      %dma_start3A_89 = tpu.memref_slice %arg10[%add3A_37, %dma_start3A_88] : memref<10240x128xf32, #tpu.memory_space<vmem_shared>> -> memref<32x128xf32, #tpu.memory_space<vmem_shared>>
      %dma_start3A_90 = arith.constant 0 : i32
      %dma_start3A_91 = arith.constant 0 : i32
      %dma_start3A_92 = tpu.memref_slice %arg8[%dma_start3A_90, %dma_start3A_91] : memref<100x128xf32, #tpu.memory_space<vmem>> -> memref<32x128xf32, #tpu.memory_space<vmem>>
      tpu.enqueue_dma source(%dma_start3A_92 : memref<32x128xf32, #tpu.memory_space<vmem>>) target(%dma_start3A_89 : memref<32x128xf32, #tpu.memory_space<vmem_shared>>) target_semaphore(%run_scoped3A_83 : memref<!tpu.dma_semaphore, #tpu.memory_space<semaphore_mem>>)
      %dma_wait3A = arith.constant 0 : i32
      %dma_wait3A_93 = arith.constant 0 : i32
      %dma_wait3A_94 = tpu.memref_slice %arg8[%dma_wait3A, %dma_wait3A_93] : memref<100x128xf32, #tpu.memory_space<vmem>> -> memref<32x128xf32, #tpu.memory_space<vmem>>
      %dma_wait3A_95 = arith.constant 0 : i32
      %dma_wait3A_96 = tpu.memref_slice %arg10[%add3A_37, %dma_wait3A_95] : memref<10240x128xf32, #tpu.memory_space<vmem_shared>> -> memref<32x128xf32, #tpu.memory_space<vmem_shared>>
      %dma_wait3A_97 = arith.constant 0 : i32
      %dma_wait3A_98 = tpu.memref_slice %arg10[%add3A_37, %dma_wait3A_97] : memref<10240x128xf32, #tpu.memory_space<vmem_shared>> -> memref<32x128xf32, #tpu.memory_space<vmem_shared>>
      %dma_wait3A_99 = arith.constant 0 : i32
      %dma_wait3A_100 = arith.constant 0 : i32
      %dma_wait3A_101 = tpu.memref_slice %arg8[%dma_wait3A_99, %dma_wait3A_100] : memref<100x128xf32, #tpu.memory_space<vmem>> -> memref<32x128xf32, #tpu.memory_space<vmem>>
      tpu.wait_dma2 semaphore(%run_scoped3A_83 : memref<!tpu.dma_semaphore, #tpu.memory_space<semaphore_mem>>) src(%dma_wait3A_101 : memref<32x128xf32, #tpu.memory_space<vmem>>) dst(%dma_wait3A_98 : memref<32x128xf32, #tpu.memory_space<vmem_shared>>)
      tpu.yield
    }) : () -> ()
    %add3A_38 = arith.constant 512 : i32
    %add3A_39 = arith.addi %mul3A_0, %add3A_38 : i32
    "tpu.region"() ({
      %run_scoped3A_83 = tpu.sem_alloc : memref<!tpu.dma_semaphore, #tpu.memory_space<semaphore_mem>>
      %dma_start3A = arith.constant 0 : i32
      %dma_start3A_84 = arith.constant 0 : i32
      %dma_start3A_85 = tpu.memref_slice %arg8[%dma_start3A, %dma_start3A_84] : memref<100x128xf32, #tpu.memory_space<vmem>> -> memref<32x128xf32, #tpu.memory_space<vmem>>
      %dma_start3A_86 = arith.constant 0 : i32
      %dma_start3A_87 = tpu.memref_slice %arg10[%add3A_39, %dma_start3A_86] : memref<10240x128xf32, #tpu.memory_space<vmem_shared>> -> memref<32x128xf32, #tpu.memory_space<vmem_shared>>
      %dma_start3A_88 = arith.constant 0 : i32
      %dma_start3A_89 = tpu.memref_slice %arg10[%add3A_39, %dma_start3A_88] : memref<10240x128xf32, #tpu.memory_space<vmem_shared>> -> memref<32x128xf32, #tpu.memory_space<vmem_shared>>
      %dma_start3A_90 = arith.constant 0 : i32
      %dma_start3A_91 = arith.constant 0 : i32
      %dma_start3A_92 = tpu.memref_slice %arg8[%dma_start3A_90, %dma_start3A_91] : memref<100x128xf32, #tpu.memory_space<vmem>> -> memref<32x128xf32, #tpu.memory_space<vmem>>
      tpu.enqueue_dma source(%dma_start3A_92 : memref<32x128xf32, #tpu.memory_space<vmem>>) target(%dma_start3A_89 : memref<32x128xf32, #tpu.memory_space<vmem_shared>>) target_semaphore(%run_scoped3A_83 : memref<!tpu.dma_semaphore, #tpu.memory_space<semaphore_mem>>)
      %dma_wait3A = arith.constant 0 : i32
      %dma_wait3A_93 = arith.constant 0 : i32
      %dma_wait3A_94 = tpu.memref_slice %arg8[%dma_wait3A, %dma_wait3A_93] : memref<100x128xf32, #tpu.memory_space<vmem>> -> memref<32x128xf32, #tpu.memory_space<vmem>>
      %dma_wait3A_95 = arith.constant 0 : i32
      %dma_wait3A_96 = tpu.memref_slice %arg10[%add3A_39, %dma_wait3A_95] : memref<10240x128xf32, #tpu.memory_space<vmem_shared>> -> memref<32x128xf32, #tpu.memory_space<vmem_shared>>
      %dma_wait3A_97 = arith.constant 0 : i32
      %dma_wait3A_98 = tpu.memref_slice %arg10[%add3A_39, %dma_wait3A_97] : memref<10240x128xf32, #tpu.memory_space<vmem_shared>> -> memref<32x128xf32, #tpu.memory_space<vmem_shared>>
      %dma_wait3A_99 = arith.constant 0 : i32
      %dma_wait3A_100 = arith.constant 0 : i32
      %dma_wait3A_101 = tpu.memref_slice %arg8[%dma_wait3A_99, %dma_wait3A_100] : memref<100x128xf32, #tpu.memory_space<vmem>> -> memref<32x128xf32, #tpu.memory_space<vmem>>
      tpu.wait_dma2 semaphore(%run_scoped3A_83 : memref<!tpu.dma_semaphore, #tpu.memory_space<semaphore_mem>>) src(%dma_wait3A_101 : memref<32x128xf32, #tpu.memory_space<vmem>>) dst(%dma_wait3A_98 : memref<32x128xf32, #tpu.memory_space<vmem_shared>>)
      tpu.yield
    }) : () -> ()
    %add3A_40 = arith.constant 544 : i32
    %add3A_41 = arith.addi %mul3A_0, %add3A_40 : i32
    "tpu.region"() ({
      %run_scoped3A_83 = tpu.sem_alloc : memref<!tpu.dma_semaphore, #tpu.memory_space<semaphore_mem>>
      %dma_start3A = arith.constant 0 : i32
      %dma_start3A_84 = arith.constant 0 : i32
      %dma_start3A_85 = tpu.memref_slice %arg8[%dma_start3A, %dma_start3A_84] : memref<100x128xf32, #tpu.memory_space<vmem>> -> memref<32x128xf32, #tpu.memory_space<vmem>>
      %dma_start3A_86 = arith.constant 0 : i32
      %dma_start3A_87 = tpu.memref_slice %arg10[%add3A_41, %dma_start3A_86] : memref<10240x128xf32, #tpu.memory_space<vmem_shared>> -> memref<32x128xf32, #tpu.memory_space<vmem_shared>>
      %dma_start3A_88 = arith.constant 0 : i32
      %dma_start3A_89 = tpu.memref_slice %arg10[%add3A_41, %dma_start3A_88] : memref<10240x128xf32, #tpu.memory_space<vmem_shared>> -> memref<32x128xf32, #tpu.memory_space<vmem_shared>>
      %dma_start3A_90 = arith.constant 0 : i32
      %dma_start3A_91 = arith.constant 0 : i32
      %dma_start3A_92 = tpu.memref_slice %arg8[%dma_start3A_90, %dma_start3A_91] : memref<100x128xf32, #tpu.memory_space<vmem>> -> memref<32x128xf32, #tpu.memory_space<vmem>>
      tpu.enqueue_dma source(%dma_start3A_92 : memref<32x128xf32, #tpu.memory_space<vmem>>) target(%dma_start3A_89 : memref<32x128xf32, #tpu.memory_space<vmem_shared>>) target_semaphore(%run_scoped3A_83 : memref<!tpu.dma_semaphore, #tpu.memory_space<semaphore_mem>>)
      %dma_wait3A = arith.constant 0 : i32
      %dma_wait3A_93 = arith.constant 0 : i32
      %dma_wait3A_94 = tpu.memref_slice %arg8[%dma_wait3A, %dma_wait3A_93] : memref<100x128xf32, #tpu.memory_space<vmem>> -> memref<32x128xf32, #tpu.memory_space<vmem>>
      %dma_wait3A_95 = arith.constant 0 : i32
      %dma_wait3A_96 = tpu.memref_slice %arg10[%add3A_41, %dma_wait3A_95] : memref<10240x128xf32, #tpu.memory_space<vmem_shared>> -> memref<32x128xf32, #tpu.memory_space<vmem_shared>>
      %dma_wait3A_97 = arith.constant 0 : i32
      %dma_wait3A_98 = tpu.memref_slice %arg10[%add3A_41, %dma_wait3A_97] : memref<10240x128xf32, #tpu.memory_space<vmem_shared>> -> memref<32x128xf32, #tpu.memory_space<vmem_shared>>
      %dma_wait3A_99 = arith.constant 0 : i32
      %dma_wait3A_100 = arith.constant 0 : i32
      %dma_wait3A_101 = tpu.memref_slice %arg8[%dma_wait3A_99, %dma_wait3A_100] : memref<100x128xf32, #tpu.memory_space<vmem>> -> memref<32x128xf32, #tpu.memory_space<vmem>>
      tpu.wait_dma2 semaphore(%run_scoped3A_83 : memref<!tpu.dma_semaphore, #tpu.memory_space<semaphore_mem>>) src(%dma_wait3A_101 : memref<32x128xf32, #tpu.memory_space<vmem>>) dst(%dma_wait3A_98 : memref<32x128xf32, #tpu.memory_space<vmem_shared>>)
      tpu.yield
    }) : () -> ()
    %add3A_42 = arith.constant 576 : i32
    %add3A_43 = arith.addi %mul3A_0, %add3A_42 : i32
    "tpu.region"() ({
      %run_scoped3A_83 = tpu.sem_alloc : memref<!tpu.dma_semaphore, #tpu.memory_space<semaphore_mem>>
      %dma_start3A = arith.constant 0 : i32
      %dma_start3A_84 = arith.constant 0 : i32
      %dma_start3A_85 = tpu.memref_slice %arg8[%dma_start3A, %dma_start3A_84] : memref<100x128xf32, #tpu.memory_space<vmem>> -> memref<32x128xf32, #tpu.memory_space<vmem>>
      %dma_start3A_86 = arith.constant 0 : i32
      %dma_start3A_87 = tpu.memref_slice %arg10[%add3A_43, %dma_start3A_86] : memref<10240x128xf32, #tpu.memory_space<vmem_shared>> -> memref<32x128xf32, #tpu.memory_space<vmem_shared>>
      %dma_start3A_88 = arith.constant 0 : i32
      %dma_start3A_89 = tpu.memref_slice %arg10[%add3A_43, %dma_start3A_88] : memref<10240x128xf32, #tpu.memory_space<vmem_shared>> -> memref<32x128xf32, #tpu.memory_space<vmem_shared>>
      %dma_start3A_90 = arith.constant 0 : i32
      %dma_start3A_91 = arith.constant 0 : i32
      %dma_start3A_92 = tpu.memref_slice %arg8[%dma_start3A_90, %dma_start3A_91] : memref<100x128xf32, #tpu.memory_space<vmem>> -> memref<32x128xf32, #tpu.memory_space<vmem>>
      tpu.enqueue_dma source(%dma_start3A_92 : memref<32x128xf32, #tpu.memory_space<vmem>>) target(%dma_start3A_89 : memref<32x128xf32, #tpu.memory_space<vmem_shared>>) target_semaphore(%run_scoped3A_83 : memref<!tpu.dma_semaphore, #tpu.memory_space<semaphore_mem>>)
      %dma_wait3A = arith.constant 0 : i32
      %dma_wait3A_93 = arith.constant 0 : i32
      %dma_wait3A_94 = tpu.memref_slice %arg8[%dma_wait3A, %dma_wait3A_93] : memref<100x128xf32, #tpu.memory_space<vmem>> -> memref<32x128xf32, #tpu.memory_space<vmem>>
      %dma_wait3A_95 = arith.constant 0 : i32
      %dma_wait3A_96 = tpu.memref_slice %arg10[%add3A_43, %dma_wait3A_95] : memref<10240x128xf32, #tpu.memory_space<vmem_shared>> -> memref<32x128xf32, #tpu.memory_space<vmem_shared>>
      %dma_wait3A_97 = arith.constant 0 : i32
      %dma_wait3A_98 = tpu.memref_slice %arg10[%add3A_43, %dma_wait3A_97] : memref<10240x128xf32, #tpu.memory_space<vmem_shared>> -> memref<32x128xf32, #tpu.memory_space<vmem_shared>>
      %dma_wait3A_99 = arith.constant 0 : i32
      %dma_wait3A_100 = arith.constant 0 : i32
      %dma_wait3A_101 = tpu.memref_slice %arg8[%dma_wait3A_99, %dma_wait3A_100] : memref<100x128xf32, #tpu.memory_space<vmem>> -> memref<32x128xf32, #tpu.memory_space<vmem>>
      tpu.wait_dma2 semaphore(%run_scoped3A_83 : memref<!tpu.dma_semaphore, #tpu.memory_space<semaphore_mem>>) src(%dma_wait3A_101 : memref<32x128xf32, #tpu.memory_space<vmem>>) dst(%dma_wait3A_98 : memref<32x128xf32, #tpu.memory_space<vmem_shared>>)
      tpu.yield
    }) : () -> ()
    %add3A_44 = arith.constant 608 : i32
    %add3A_45 = arith.addi %mul3A_0, %add3A_44 : i32
    "tpu.region"() ({
      %run_scoped3A_83 = tpu.sem_alloc : memref<!tpu.dma_semaphore, #tpu.memory_space<semaphore_mem>>
      %dma_start3A = arith.constant 0 : i32
      %dma_start3A_84 = arith.constant 0 : i32
      %dma_start3A_85 = tpu.memref_slice %arg8[%dma_start3A, %dma_start3A_84] : memref<100x128xf32, #tpu.memory_space<vmem>> -> memref<32x128xf32, #tpu.memory_space<vmem>>
      %dma_start3A_86 = arith.constant 0 : i32
      %dma_start3A_87 = tpu.memref_slice %arg10[%add3A_45, %dma_start3A_86] : memref<10240x128xf32, #tpu.memory_space<vmem_shared>> -> memref<32x128xf32, #tpu.memory_space<vmem_shared>>
      %dma_start3A_88 = arith.constant 0 : i32
      %dma_start3A_89 = tpu.memref_slice %arg10[%add3A_45, %dma_start3A_88] : memref<10240x128xf32, #tpu.memory_space<vmem_shared>> -> memref<32x128xf32, #tpu.memory_space<vmem_shared>>
      %dma_start3A_90 = arith.constant 0 : i32
      %dma_start3A_91 = arith.constant 0 : i32
      %dma_start3A_92 = tpu.memref_slice %arg8[%dma_start3A_90, %dma_start3A_91] : memref<100x128xf32, #tpu.memory_space<vmem>> -> memref<32x128xf32, #tpu.memory_space<vmem>>
      tpu.enqueue_dma source(%dma_start3A_92 : memref<32x128xf32, #tpu.memory_space<vmem>>) target(%dma_start3A_89 : memref<32x128xf32, #tpu.memory_space<vmem_shared>>) target_semaphore(%run_scoped3A_83 : memref<!tpu.dma_semaphore, #tpu.memory_space<semaphore_mem>>)
      %dma_wait3A = arith.constant 0 : i32
      %dma_wait3A_93 = arith.constant 0 : i32
      %dma_wait3A_94 = tpu.memref_slice %arg8[%dma_wait3A, %dma_wait3A_93] : memref<100x128xf32, #tpu.memory_space<vmem>> -> memref<32x128xf32, #tpu.memory_space<vmem>>
      %dma_wait3A_95 = arith.constant 0 : i32
      %dma_wait3A_96 = tpu.memref_slice %arg10[%add3A_45, %dma_wait3A_95] : memref<10240x128xf32, #tpu.memory_space<vmem_shared>> -> memref<32x128xf32, #tpu.memory_space<vmem_shared>>
      %dma_wait3A_97 = arith.constant 0 : i32
      %dma_wait3A_98 = tpu.memref_slice %arg10[%add3A_45, %dma_wait3A_97] : memref<10240x128xf32, #tpu.memory_space<vmem_shared>> -> memref<32x128xf32, #tpu.memory_space<vmem_shared>>
      %dma_wait3A_99 = arith.constant 0 : i32
      %dma_wait3A_100 = arith.constant 0 : i32
      %dma_wait3A_101 = tpu.memref_slice %arg8[%dma_wait3A_99, %dma_wait3A_100] : memref<100x128xf32, #tpu.memory_space<vmem>> -> memref<32x128xf32, #tpu.memory_space<vmem>>
      tpu.wait_dma2 semaphore(%run_scoped3A_83 : memref<!tpu.dma_semaphore, #tpu.memory_space<semaphore_mem>>) src(%dma_wait3A_101 : memref<32x128xf32, #tpu.memory_space<vmem>>) dst(%dma_wait3A_98 : memref<32x128xf32, #tpu.memory_space<vmem_shared>>)
      tpu.yield
    }) : () -> ()
    %barrier3A = arith.constant 0 : index
    tpu.barrier barrier_id(%barrier3A)
    %mul3A_46 = arith.constant 2 : i32
    %mul3A_47 = arith.muli %mul3A_46, %arg1 : i32
    %add3A_48 = arith.constant 0 : i32
    %add3A_49 = arith.addi %mul3A_47, %add3A_48 : i32
    %run_scoped3A = arith.constant 0 : i32
    "tpu.region"() ({
      %run_scoped3A_83 = tpu.sem_alloc : memref<!tpu.dma_semaphore, #tpu.memory_space<semaphore_mem>>
      %dma_start3A = arith.constant 0 : i32
      %dma_start3A_84 = arith.constant 0 : i32
      %dma_start3A_85 = tpu.memref_slice %arg4[%run_scoped3A, %add3A_49, %dma_start3A, %dma_start3A_84] : memref<2x32x50x100xi32, #tpu.memory_space<hbm>> -> memref<1x1x50x100xi32, #tpu.memory_space<hbm>>
      %dma_start3A_86 = tpu.memref_squeeze %dma_start3A_85 : memref<1x1x50x100xi32, #tpu.memory_space<hbm>> -> memref<50x100xi32, #tpu.memory_space<hbm>>
      %dma_start3A_87 = arith.constant 0 : i32
      %dma_start3A_88 = arith.constant 0 : i32
      %dma_start3A_89 = tpu.memref_slice %arg4[%run_scoped3A, %add3A_49, %dma_start3A_87, %dma_start3A_88] : memref<2x32x50x100xi32, #tpu.memory_space<hbm>> -> memref<1x1x50x100xi32, #tpu.memory_space<hbm>>
      %dma_start3A_90 = tpu.memref_squeeze %dma_start3A_89 : memref<1x1x50x100xi32, #tpu.memory_space<hbm>> -> memref<50x100xi32, #tpu.memory_space<hbm>>
      tpu.enqueue_dma source(%dma_start3A_90 : memref<50x100xi32, #tpu.memory_space<hbm>>) target(%arg6 : memref<50x100xi32, #tpu.memory_space<vmem>>) target_semaphore(%run_scoped3A_83 : memref<!tpu.dma_semaphore, #tpu.memory_space<semaphore_mem>>)
      %dma_wait3A = arith.constant 0 : i32
      %dma_wait3A_91 = arith.constant 0 : i32
      %dma_wait3A_92 = tpu.memref_slice %arg4[%run_scoped3A, %add3A_49, %dma_wait3A, %dma_wait3A_91] : memref<2x32x50x100xi32, #tpu.memory_space<hbm>> -> memref<1x1x50x100xi32, #tpu.memory_space<hbm>>
      %dma_wait3A_93 = tpu.memref_squeeze %dma_wait3A_92 : memref<1x1x50x100xi32, #tpu.memory_space<hbm>> -> memref<50x100xi32, #tpu.memory_space<hbm>>
      %dma_wait3A_94 = arith.constant 0 : i32
      %dma_wait3A_95 = arith.constant 0 : i32
      %dma_wait3A_96 = tpu.memref_slice %arg4[%run_scoped3A, %add3A_49, %dma_wait3A_94, %dma_wait3A_95] : memref<2x32x50x100xi32, #tpu.memory_space<hbm>> -> memref<1x1x50x100xi32, #tpu.memory_space<hbm>>
      %dma_wait3A_97 = tpu.memref_squeeze %dma_wait3A_96 : memref<1x1x50x100xi32, #tpu.memory_space<hbm>> -> memref<50x100xi32, #tpu.memory_space<hbm>>
      tpu.wait_dma2 semaphore(%run_scoped3A_83 : memref<!tpu.dma_semaphore, #tpu.memory_space<semaphore_mem>>) src(%dma_wait3A_97 : memref<50x100xi32, #tpu.memory_space<hbm>>) dst(%arg6 : memref<50x100xi32, #tpu.memory_space<vmem>>)
      tpu.yield
    }) : () -> ()
    %mul3A_50 = arith.constant 2 : i32
    %mul3A_51 = arith.muli %mul3A_50, %arg1 : i32
    %add3A_52 = arith.constant 0 : i32
    %add3A_53 = arith.addi %mul3A_51, %add3A_52 : i32
    %run_scoped3A_54 = arith.constant 1 : i32
    "tpu.region"() ({
      %run_scoped3A_83 = tpu.sem_alloc : memref<!tpu.dma_semaphore, #tpu.memory_space<semaphore_mem>>
      %dma_start3A = arith.constant 0 : i32
      %dma_start3A_84 = arith.constant 0 : i32
      %dma_start3A_85 = tpu.memref_slice %arg4[%run_scoped3A_54, %add3A_53, %dma_start3A, %dma_start3A_84] : memref<2x32x50x100xi32, #tpu.memory_space<hbm>> -> memref<1x1x50x100xi32, #tpu.memory_space<hbm>>
      %dma_start3A_86 = tpu.memref_squeeze %dma_start3A_85 : memref<1x1x50x100xi32, #tpu.memory_space<hbm>> -> memref<50x100xi32, #tpu.memory_space<hbm>>
      %dma_start3A_87 = arith.constant 0 : i32
      %dma_start3A_88 = arith.constant 0 : i32
      %dma_start3A_89 = tpu.memref_slice %arg4[%run_scoped3A_54, %add3A_53, %dma_start3A_87, %dma_start3A_88] : memref<2x32x50x100xi32, #tpu.memory_space<hbm>> -> memref<1x1x50x100xi32, #tpu.memory_space<hbm>>
      %dma_start3A_90 = tpu.memref_squeeze %dma_start3A_89 : memref<1x1x50x100xi32, #tpu.memory_space<hbm>> -> memref<50x100xi32, #tpu.memory_space<hbm>>
      tpu.enqueue_dma source(%dma_start3A_90 : memref<50x100xi32, #tpu.memory_space<hbm>>) target(%arg7 : memref<50x100xi32, #tpu.memory_space<vmem>>) target_semaphore(%run_scoped3A_83 : memref<!tpu.dma_semaphore, #tpu.memory_space<semaphore_mem>>)
      %dma_wait3A = arith.constant 0 : i32
      %dma_wait3A_91 = arith.constant 0 : i32
      %dma_wait3A_92 = tpu.memref_slice %arg4[%run_scoped3A_54, %add3A_53, %dma_wait3A, %dma_wait3A_91] : memref<2x32x50x100xi32, #tpu.memory_space<hbm>> -> memref<1x1x50x100xi32, #tpu.memory_space<hbm>>
      %dma_wait3A_93 = tpu.memref_squeeze %dma_wait3A_92 : memref<1x1x50x100xi32, #tpu.memory_space<hbm>> -> memref<50x100xi32, #tpu.memory_space<hbm>>
      %dma_wait3A_94 = arith.constant 0 : i32
      %dma_wait3A_95 = arith.constant 0 : i32
      %dma_wait3A_96 = tpu.memref_slice %arg4[%run_scoped3A_54, %add3A_53, %dma_wait3A_94, %dma_wait3A_95] : memref<2x32x50x100xi32, #tpu.memory_space<hbm>> -> memref<1x1x50x100xi32, #tpu.memory_space<hbm>>
      %dma_wait3A_97 = tpu.memref_squeeze %dma_wait3A_96 : memref<1x1x50x100xi32, #tpu.memory_space<hbm>> -> memref<50x100xi32, #tpu.memory_space<hbm>>
      tpu.wait_dma2 semaphore(%run_scoped3A_83 : memref<!tpu.dma_semaphore, #tpu.memory_space<semaphore_mem>>) src(%dma_wait3A_97 : memref<50x100xi32, #tpu.memory_space<hbm>>) dst(%arg7 : memref<50x100xi32, #tpu.memory_space<vmem>>)
      tpu.yield
    }) : () -> ()
    %eq3A = arith.constant 0 : i32
    %eq3A_55 = arith.cmpi eq, %arg0, %eq3A : i32
    %convert_element_type3A = arith.extui %eq3A_55 : i1 to i32
    %cond3A = arith.constant 0 : i32
    %cond3A_56 = arith.cmpi ne, %convert_element_type3A, %cond3A : i32
    scf.if %cond3A_56 {
      %dma_start3A = arith.constant 0 : i32
      %dma_start3A_83 = arith.constant 0 : i32
      %dma_start3A_84 = tpu.memref_slice %arg6[%dma_start3A, %dma_start3A_83] : memref<50x100xi32, #tpu.memory_space<vmem>> -> memref<1x100xi32, #tpu.memory_space<vmem>>
      %dma_start3A_85 = tpu.memref_squeeze %dma_start3A_84 : memref<1x100xi32, #tpu.memory_space<vmem>> -> memref<100xi32, #tpu.memory_space<vmem>>
      %dma_start3A_86 = arith.constant 0 : i32
      %dma_start3A_87 = arith.constant 0 : i32
      %dma_start3A_88 = tpu.memref_slice %arg2[%dma_start3A_86, %dma_start3A_87] : memref<10000x128xf32, #tpu.memory_space<hbm>> -> memref<10000x128xf32, #tpu.memory_space<hbm>>
      tpu.enqueue_indirect_dma source(%dma_start3A_88 : memref<10000x128xf32, #tpu.memory_space<hbm>>) target(%arg8 : memref<100x128xf32, #tpu.memory_space<vmem>>) offsets(%dma_start3A_85 : memref<100xi32, #tpu.memory_space<vmem>>) semaphore(%arg11 : memref<!tpu.dma_semaphore, #tpu.memory_space<semaphore_mem>>)
      %scan3A_89 = arith.constant 0 : i32
      %scan3A_90 = arith.constant 0 : i32
      %scan3A_91 = arith.constant 25 : i32
      %scan3A_92 = arith.addi %scan3A_90, %scan3A_91 : i32
      %scan3A_93 = arith.constant 1 : i32
      %scan3A_94 = scf.for %scan3A_96 = %scan3A_90 to %scan3A_92 step %scan3A_93 iter_args(%scan3A_97 = %scan3A_89) -> (i32)  : i32 {
        %mul3A_98 = arith.constant 2 : i32
        %mul3A_99 = arith.muli %mul3A_98, %scan3A_96 : i32
        %add3A_100 = arith.constant 0 : i32
        %add3A_101 = arith.addi %mul3A_99, %add3A_100 : i32
        %add3A_102 = arith.constant 1 : i32
        %add3A_103 = arith.addi %add3A_101, %add3A_102 : i32
        %dma_wait3A = arith.constant 0 : i32
        %dma_wait3A_104 = tpu.memref_slice %arg6[%add3A_101, %dma_wait3A] : memref<50x100xi32, #tpu.memory_space<vmem>> -> memref<1x100xi32, #tpu.memory_space<vmem>>
        %dma_wait3A_105 = tpu.memref_squeeze %dma_wait3A_104 : memref<1x100xi32, #tpu.memory_space<vmem>> -> memref<100xi32, #tpu.memory_space<vmem>>
        %dma_wait3A_106 = arith.constant 0 : i32
        %dma_wait3A_107 = arith.constant 0 : i32
        %dma_wait3A_108 = tpu.memref_slice %arg2[%dma_wait3A_106, %dma_wait3A_107] : memref<10000x128xf32, #tpu.memory_space<hbm>> -> memref<10000x128xf32, #tpu.memory_space<hbm>>
        tpu.wait_indirect_dma semaphore(%arg11 : memref<!tpu.dma_semaphore, #tpu.memory_space<semaphore_mem>>) src(%dma_wait3A_108 : memref<10000x128xf32, #tpu.memory_space<hbm>>) dst(%arg8 : memref<100x128xf32, #tpu.memory_space<vmem>>)
        %lt3A = arith.constant 50 : i32
        %lt3A_109 = arith.cmpi slt, %add3A_103, %lt3A : i32
        %convert_element_type3A_110 = arith.extui %lt3A_109 : i1 to i32
        %cond3A_111 = arith.constant 0 : i32
        %cond3A_112 = arith.cmpi ne, %convert_element_type3A_110, %cond3A_111 : i32
        scf.if %cond3A_112 {
          %dma_start3A_131 = arith.constant 0 : i32
          %dma_start3A_132 = tpu.memref_slice %arg6[%add3A_103, %dma_start3A_131] : memref<50x100xi32, #tpu.memory_space<vmem>> -> memref<1x100xi32, #tpu.memory_space<vmem>>
          %dma_start3A_133 = tpu.memref_squeeze %dma_start3A_132 : memref<1x100xi32, #tpu.memory_space<vmem>> -> memref<100xi32, #tpu.memory_space<vmem>>
          %dma_start3A_134 = arith.constant 0 : i32
          %dma_start3A_135 = arith.constant 0 : i32
          %dma_start3A_136 = tpu.memref_slice %arg2[%dma_start3A_134, %dma_start3A_135] : memref<10000x128xf32, #tpu.memory_space<hbm>> -> memref<10000x128xf32, #tpu.memory_space<hbm>>
          tpu.enqueue_indirect_dma source(%dma_start3A_136 : memref<10000x128xf32, #tpu.memory_space<hbm>>) target(%arg9 : memref<100x128xf32, #tpu.memory_space<vmem>>) offsets(%dma_start3A_133 : memref<100xi32, #tpu.memory_space<vmem>>) semaphore(%arg12 : memref<!tpu.dma_semaphore, #tpu.memory_space<semaphore_mem>>)
        } else {
        }
        "tpu.region"() ({
          %run_scoped3A_131 = tpu.sem_alloc : memref<!tpu.dma_semaphore, #tpu.memory_space<semaphore_mem>>
          %dma_start3A_132 = arith.constant 0 : i32
          %dma_start3A_133 = tpu.memref_slice %arg7[%add3A_101, %dma_start3A_132] : memref<50x100xi32, #tpu.memory_space<vmem>> -> memref<1x100xi32, #tpu.memory_space<vmem>>
          %dma_start3A_134 = tpu.memref_squeeze %dma_start3A_133 : memref<1x100xi32, #tpu.memory_space<vmem>> -> memref<100xi32, #tpu.memory_space<vmem>>
          %dma_start3A_135 = arith.constant 0 : i32
          %dma_start3A_136 = arith.constant 0 : i32
          %dma_start3A_137 = tpu.memref_slice %arg10[%dma_start3A_135, %dma_start3A_136] : memref<10240x128xf32, #tpu.memory_space<vmem_shared>> -> memref<10240x128xf32, #tpu.memory_space<vmem_shared>>
          tpu.enqueue_indirect_dma source(%arg8 : memref<100x128xf32, #tpu.memory_space<vmem>>) target(%dma_start3A_137 : memref<10240x128xf32, #tpu.memory_space<vmem_shared>>) offsets(%dma_start3A_134 : memref<100xi32, #tpu.memory_space<vmem>>) semaphore(%run_scoped3A_131 : memref<!tpu.dma_semaphore, #tpu.memory_space<semaphore_mem>>) {add = true}
          %dma_wait3A_138 = arith.constant 0 : i32
          %dma_wait3A_139 = tpu.memref_slice %arg7[%add3A_101, %dma_wait3A_138] : memref<50x100xi32, #tpu.memory_space<vmem>> -> memref<1x100xi32, #tpu.memory_space<vmem>>
          %dma_wait3A_140 = tpu.memref_squeeze %dma_wait3A_139 : memref<1x100xi32, #tpu.memory_space<vmem>> -> memref<100xi32, #tpu.memory_space<vmem>>
          %dma_wait3A_141 = arith.constant 0 : i32
          %dma_wait3A_142 = arith.constant 0 : i32
          %dma_wait3A_143 = tpu.memref_slice %arg10[%dma_wait3A_141, %dma_wait3A_142] : memref<10240x128xf32, #tpu.memory_space<vmem_shared>> -> memref<10240x128xf32, #tpu.memory_space<vmem_shared>>
          tpu.wait_indirect_dma semaphore(%run_scoped3A_131 : memref<!tpu.dma_semaphore, #tpu.memory_space<semaphore_mem>>) src(%arg8 : memref<100x128xf32, #tpu.memory_space<vmem>>) dst(%dma_wait3A_143 : memref<10240x128xf32, #tpu.memory_space<vmem_shared>>)
          tpu.yield
        }) : () -> ()
        %mul3A_113 = arith.constant 2 : i32
        %mul3A_114 = arith.muli %mul3A_113, %scan3A_96 : i32
        %add3A_115 = arith.constant 1 : i32
        %add3A_116 = arith.addi %mul3A_114, %add3A_115 : i32
        %add3A_117 = arith.constant 1 : i32
        %add3A_118 = arith.addi %add3A_116, %add3A_117 : i32
        %dma_wait3A_119 = arith.constant 0 : i32
        %dma_wait3A_120 = tpu.memref_slice %arg6[%add3A_116, %dma_wait3A_119] : memref<50x100xi32, #tpu.memory_space<vmem>> -> memref<1x100xi32, #tpu.memory_space<vmem>>
        %dma_wait3A_121 = tpu.memref_squeeze %dma_wait3A_120 : memref<1x100xi32, #tpu.memory_space<vmem>> -> memref<100xi32, #tpu.memory_space<vmem>>
        %dma_wait3A_122 = arith.constant 0 : i32
        %dma_wait3A_123 = arith.constant 0 : i32
        %dma_wait3A_124 = tpu.memref_slice %arg2[%dma_wait3A_122, %dma_wait3A_123] : memref<10000x128xf32, #tpu.memory_space<hbm>> -> memref<10000x128xf32, #tpu.memory_space<hbm>>
        tpu.wait_indirect_dma semaphore(%arg12 : memref<!tpu.dma_semaphore, #tpu.memory_space<semaphore_mem>>) src(%dma_wait3A_124 : memref<10000x128xf32, #tpu.memory_space<hbm>>) dst(%arg9 : memref<100x128xf32, #tpu.memory_space<vmem>>)
        %lt3A_125 = arith.constant 50 : i32
        %lt3A_126 = arith.cmpi slt, %add3A_118, %lt3A_125 : i32
        %convert_element_type3A_127 = arith.extui %lt3A_126 : i1 to i32
        %cond3A_128 = arith.constant 0 : i32
        %cond3A_129 = arith.cmpi ne, %convert_element_type3A_127, %cond3A_128 : i32
        scf.if %cond3A_129 {
          %dma_start3A_131 = arith.constant 0 : i32
          %dma_start3A_132 = tpu.memref_slice %arg6[%add3A_118, %dma_start3A_131] : memref<50x100xi32, #tpu.memory_space<vmem>> -> memref<1x100xi32, #tpu.memory_space<vmem>>
          %dma_start3A_133 = tpu.memref_squeeze %dma_start3A_132 : memref<1x100xi32, #tpu.memory_space<vmem>> -> memref<100xi32, #tpu.memory_space<vmem>>
          %dma_start3A_134 = arith.constant 0 : i32
          %dma_start3A_135 = arith.constant 0 : i32
          %dma_start3A_136 = tpu.memref_slice %arg2[%dma_start3A_134, %dma_start3A_135] : memref<10000x128xf32, #tpu.memory_space<hbm>> -> memref<10000x128xf32, #tpu.memory_space<hbm>>
          tpu.enqueue_indirect_dma source(%dma_start3A_136 : memref<10000x128xf32, #tpu.memory_space<hbm>>) target(%arg8 : memref<100x128xf32, #tpu.memory_space<vmem>>) offsets(%dma_start3A_133 : memref<100xi32, #tpu.memory_space<vmem>>) semaphore(%arg11 : memref<!tpu.dma_semaphore, #tpu.memory_space<semaphore_mem>>)
        } else {
        }
        "tpu.region"() ({
          %run_scoped3A_131 = tpu.sem_alloc : memref<!tpu.dma_semaphore, #tpu.memory_space<semaphore_mem>>
          %dma_start3A_132 = arith.constant 0 : i32
          %dma_start3A_133 = tpu.memref_slice %arg7[%add3A_116, %dma_start3A_132] : memref<50x100xi32, #tpu.memory_space<vmem>> -> memref<1x100xi32, #tpu.memory_space<vmem>>
          %dma_start3A_134 = tpu.memref_squeeze %dma_start3A_133 : memref<1x100xi32, #tpu.memory_space<vmem>> -> memref<100xi32, #tpu.memory_space<vmem>>
          %dma_start3A_135 = arith.constant 0 : i32
          %dma_start3A_136 = arith.constant 0 : i32
          %dma_start3A_137 = tpu.memref_slice %arg10[%dma_start3A_135, %dma_start3A_136] : memref<10240x128xf32, #tpu.memory_space<vmem_shared>> -> memref<10240x128xf32, #tpu.memory_space<vmem_shared>>
          tpu.enqueue_indirect_dma source(%arg9 : memref<100x128xf32, #tpu.memory_space<vmem>>) target(%dma_start3A_137 : memref<10240x128xf32, #tpu.memory_space<vmem_shared>>) offsets(%dma_start3A_134 : memref<100xi32, #tpu.memory_space<vmem>>) semaphore(%run_scoped3A_131 : memref<!tpu.dma_semaphore, #tpu.memory_space<semaphore_mem>>) {add = true}
          %dma_wait3A_138 = arith.constant 0 : i32
          %dma_wait3A_139 = tpu.memref_slice %arg7[%add3A_116, %dma_wait3A_138] : memref<50x100xi32, #tpu.memory_space<vmem>> -> memref<1x100xi32, #tpu.memory_space<vmem>>
          %dma_wait3A_140 = tpu.memref_squeeze %dma_wait3A_139 : memref<1x100xi32, #tpu.memory_space<vmem>> -> memref<100xi32, #tpu.memory_space<vmem>>
          %dma_wait3A_141 = arith.constant 0 : i32
          %dma_wait3A_142 = arith.constant 0 : i32
          %dma_wait3A_143 = tpu.memref_slice %arg10[%dma_wait3A_141, %dma_wait3A_142] : memref<10240x128xf32, #tpu.memory_space<vmem_shared>> -> memref<10240x128xf32, #tpu.memory_space<vmem_shared>>
          tpu.wait_indirect_dma semaphore(%run_scoped3A_131 : memref<!tpu.dma_semaphore, #tpu.memory_space<semaphore_mem>>) src(%arg9 : memref<100x128xf32, #tpu.memory_space<vmem>>) dst(%dma_wait3A_143 : memref<10240x128xf32, #tpu.memory_space<vmem_shared>>)
          tpu.yield
        }) : () -> ()
        %scan3A_130 = arith.constant 0 : i32
        scf.yield %scan3A_130 : i32
      }
      %scan3A_95 = arith.constant 25 : i32
    } else {
    }
    %eq3A_57 = arith.constant 1 : i32
    %eq3A_58 = arith.cmpi eq, %arg0, %eq3A_57 : i32
    %convert_element_type3A_59 = arith.extui %eq3A_58 : i1 to i32
    %cond3A_60 = arith.constant 0 : i32
    %cond3A_61 = arith.cmpi ne, %convert_element_type3A_59, %cond3A_60 : i32
    scf.if %cond3A_61 {
      %dma_start3A = arith.constant 0 : i32
      %dma_start3A_83 = arith.constant 0 : i32
      %dma_start3A_84 = tpu.memref_slice %arg6[%dma_start3A, %dma_start3A_83] : memref<50x100xi32, #tpu.memory_space<vmem>> -> memref<1x100xi32, #tpu.memory_space<vmem>>
      %dma_start3A_85 = tpu.memref_squeeze %dma_start3A_84 : memref<1x100xi32, #tpu.memory_space<vmem>> -> memref<100xi32, #tpu.memory_space<vmem>>
      %dma_start3A_86 = arith.constant 0 : i32
      %dma_start3A_87 = arith.constant 0 : i32
      %dma_start3A_88 = tpu.memref_slice %arg3[%dma_start3A_86, %dma_start3A_87] : memref<10000x128xf32, #tpu.memory_space<hbm>> -> memref<10000x128xf32, #tpu.memory_space<hbm>>
      tpu.enqueue_indirect_dma source(%dma_start3A_88 : memref<10000x128xf32, #tpu.memory_space<hbm>>) target(%arg8 : memref<100x128xf32, #tpu.memory_space<vmem>>) offsets(%dma_start3A_85 : memref<100xi32, #tpu.memory_space<vmem>>) semaphore(%arg11 : memref<!tpu.dma_semaphore, #tpu.memory_space<semaphore_mem>>)
      %scan3A_89 = arith.constant 0 : i32
      %scan3A_90 = arith.constant 0 : i32
      %scan3A_91 = arith.constant 25 : i32
      %scan3A_92 = arith.addi %scan3A_90, %scan3A_91 : i32
      %scan3A_93 = arith.constant 1 : i32
      %scan3A_94 = scf.for %scan3A_96 = %scan3A_90 to %scan3A_92 step %scan3A_93 iter_args(%scan3A_97 = %scan3A_89) -> (i32)  : i32 {
        %mul3A_98 = arith.constant 2 : i32
        %mul3A_99 = arith.muli %mul3A_98, %scan3A_96 : i32
        %add3A_100 = arith.constant 0 : i32
        %add3A_101 = arith.addi %mul3A_99, %add3A_100 : i32
        %add3A_102 = arith.constant 1 : i32
        %add3A_103 = arith.addi %add3A_101, %add3A_102 : i32
        %dma_wait3A = arith.constant 0 : i32
        %dma_wait3A_104 = tpu.memref_slice %arg6[%add3A_101, %dma_wait3A] : memref<50x100xi32, #tpu.memory_space<vmem>> -> memref<1x100xi32, #tpu.memory_space<vmem>>
        %dma_wait3A_105 = tpu.memref_squeeze %dma_wait3A_104 : memref<1x100xi32, #tpu.memory_space<vmem>> -> memref<100xi32, #tpu.memory_space<vmem>>
        %dma_wait3A_106 = arith.constant 0 : i32
        %dma_wait3A_107 = arith.constant 0 : i32
        %dma_wait3A_108 = tpu.memref_slice %arg3[%dma_wait3A_106, %dma_wait3A_107] : memref<10000x128xf32, #tpu.memory_space<hbm>> -> memref<10000x128xf32, #tpu.memory_space<hbm>>
        tpu.wait_indirect_dma semaphore(%arg11 : memref<!tpu.dma_semaphore, #tpu.memory_space<semaphore_mem>>) src(%dma_wait3A_108 : memref<10000x128xf32, #tpu.memory_space<hbm>>) dst(%arg8 : memref<100x128xf32, #tpu.memory_space<vmem>>)
        %lt3A = arith.constant 50 : i32
        %lt3A_109 = arith.cmpi slt, %add3A_103, %lt3A : i32
        %convert_element_type3A_110 = arith.extui %lt3A_109 : i1 to i32
        %cond3A_111 = arith.constant 0 : i32
        %cond3A_112 = arith.cmpi ne, %convert_element_type3A_110, %cond3A_111 : i32
        scf.if %cond3A_112 {
          %dma_start3A_131 = arith.constant 0 : i32
          %dma_start3A_132 = tpu.memref_slice %arg6[%add3A_103, %dma_start3A_131] : memref<50x100xi32, #tpu.memory_space<vmem>> -> memref<1x100xi32, #tpu.memory_space<vmem>>
          %dma_start3A_133 = tpu.memref_squeeze %dma_start3A_132 : memref<1x100xi32, #tpu.memory_space<vmem>> -> memref<100xi32, #tpu.memory_space<vmem>>
          %dma_start3A_134 = arith.constant 0 : i32
          %dma_start3A_135 = arith.constant 0 : i32
          %dma_start3A_136 = tpu.memref_slice %arg3[%dma_start3A_134, %dma_start3A_135] : memref<10000x128xf32, #tpu.memory_space<hbm>> -> memref<10000x128xf32, #tpu.memory_space<hbm>>
          tpu.enqueue_indirect_dma source(%dma_start3A_136 : memref<10000x128xf32, #tpu.memory_space<hbm>>) target(%arg9 : memref<100x128xf32, #tpu.memory_space<vmem>>) offsets(%dma_start3A_133 : memref<100xi32, #tpu.memory_space<vmem>>) semaphore(%arg12 : memref<!tpu.dma_semaphore, #tpu.memory_space<semaphore_mem>>)
        } else {
        }
        "tpu.region"() ({
          %run_scoped3A_131 = tpu.sem_alloc : memref<!tpu.dma_semaphore, #tpu.memory_space<semaphore_mem>>
          %dma_start3A_132 = arith.constant 0 : i32
          %dma_start3A_133 = tpu.memref_slice %arg7[%add3A_101, %dma_start3A_132] : memref<50x100xi32, #tpu.memory_space<vmem>> -> memref<1x100xi32, #tpu.memory_space<vmem>>
          %dma_start3A_134 = tpu.memref_squeeze %dma_start3A_133 : memref<1x100xi32, #tpu.memory_space<vmem>> -> memref<100xi32, #tpu.memory_space<vmem>>
          %dma_start3A_135 = arith.constant 0 : i32
          %dma_start3A_136 = arith.constant 0 : i32
          %dma_start3A_137 = tpu.memref_slice %arg10[%dma_start3A_135, %dma_start3A_136] : memref<10240x128xf32, #tpu.memory_space<vmem_shared>> -> memref<10240x128xf32, #tpu.memory_space<vmem_shared>>
          tpu.enqueue_indirect_dma source(%arg8 : memref<100x128xf32, #tpu.memory_space<vmem>>) target(%dma_start3A_137 : memref<10240x128xf32, #tpu.memory_space<vmem_shared>>) offsets(%dma_start3A_134 : memref<100xi32, #tpu.memory_space<vmem>>) semaphore(%run_scoped3A_131 : memref<!tpu.dma_semaphore, #tpu.memory_space<semaphore_mem>>) {add = true}
          %dma_wait3A_138 = arith.constant 0 : i32
          %dma_wait3A_139 = tpu.memref_slice %arg7[%add3A_101, %dma_wait3A_138] : memref<50x100xi32, #tpu.memory_space<vmem>> -> memref<1x100xi32, #tpu.memory_space<vmem>>
          %dma_wait3A_140 = tpu.memref_squeeze %dma_wait3A_139 : memref<1x100xi32, #tpu.memory_space<vmem>> -> memref<100xi32, #tpu.memory_space<vmem>>
          %dma_wait3A_141 = arith.constant 0 : i32
          %dma_wait3A_142 = arith.constant 0 : i32
          %dma_wait3A_143 = tpu.memref_slice %arg10[%dma_wait3A_141, %dma_wait3A_142] : memref<10240x128xf32, #tpu.memory_space<vmem_shared>> -> memref<10240x128xf32, #tpu.memory_space<vmem_shared>>
          tpu.wait_indirect_dma semaphore(%run_scoped3A_131 : memref<!tpu.dma_semaphore, #tpu.memory_space<semaphore_mem>>) src(%arg8 : memref<100x128xf32, #tpu.memory_space<vmem>>) dst(%dma_wait3A_143 : memref<10240x128xf32, #tpu.memory_space<vmem_shared>>)
          tpu.yield
        }) : () -> ()
        %mul3A_113 = arith.constant 2 : i32
        %mul3A_114 = arith.muli %mul3A_113, %scan3A_96 : i32
        %add3A_115 = arith.constant 1 : i32
        %add3A_116 = arith.addi %mul3A_114, %add3A_115 : i32
        %add3A_117 = arith.constant 1 : i32
        %add3A_118 = arith.addi %add3A_116, %add3A_117 : i32
        %dma_wait3A_119 = arith.constant 0 : i32
        %dma_wait3A_120 = tpu.memref_slice %arg6[%add3A_116, %dma_wait3A_119] : memref<50x100xi32, #tpu.memory_space<vmem>> -> memref<1x100xi32, #tpu.memory_space<vmem>>
        %dma_wait3A_121 = tpu.memref_squeeze %dma_wait3A_120 : memref<1x100xi32, #tpu.memory_space<vmem>> -> memref<100xi32, #tpu.memory_space<vmem>>
        %dma_wait3A_122 = arith.constant 0 : i32
        %dma_wait3A_123 = arith.constant 0 : i32
        %dma_wait3A_124 = tpu.memref_slice %arg3[%dma_wait3A_122, %dma_wait3A_123] : memref<10000x128xf32, #tpu.memory_space<hbm>> -> memref<10000x128xf32, #tpu.memory_space<hbm>>
        tpu.wait_indirect_dma semaphore(%arg12 : memref<!tpu.dma_semaphore, #tpu.memory_space<semaphore_mem>>) src(%dma_wait3A_124 : memref<10000x128xf32, #tpu.memory_space<hbm>>) dst(%arg9 : memref<100x128xf32, #tpu.memory_space<vmem>>)
        %lt3A_125 = arith.constant 50 : i32
        %lt3A_126 = arith.cmpi slt, %add3A_118, %lt3A_125 : i32
        %convert_element_type3A_127 = arith.extui %lt3A_126 : i1 to i32
        %cond3A_128 = arith.constant 0 : i32
        %cond3A_129 = arith.cmpi ne, %convert_element_type3A_127, %cond3A_128 : i32
        scf.if %cond3A_129 {
          %dma_start3A_131 = arith.constant 0 : i32
          %dma_start3A_132 = tpu.memref_slice %arg6[%add3A_118, %dma_start3A_131] : memref<50x100xi32, #tpu.memory_space<vmem>> -> memref<1x100xi32, #tpu.memory_space<vmem>>
          %dma_start3A_133 = tpu.memref_squeeze %dma_start3A_132 : memref<1x100xi32, #tpu.memory_space<vmem>> -> memref<100xi32, #tpu.memory_space<vmem>>
          %dma_start3A_134 = arith.constant 0 : i32
          %dma_start3A_135 = arith.constant 0 : i32
          %dma_start3A_136 = tpu.memref_slice %arg3[%dma_start3A_134, %dma_start3A_135] : memref<10000x128xf32, #tpu.memory_space<hbm>> -> memref<10000x128xf32, #tpu.memory_space<hbm>>
          tpu.enqueue_indirect_dma source(%dma_start3A_136 : memref<10000x128xf32, #tpu.memory_space<hbm>>) target(%arg8 : memref<100x128xf32, #tpu.memory_space<vmem>>) offsets(%dma_start3A_133 : memref<100xi32, #tpu.memory_space<vmem>>) semaphore(%arg11 : memref<!tpu.dma_semaphore, #tpu.memory_space<semaphore_mem>>)
        } else {
        }
        "tpu.region"() ({
          %run_scoped3A_131 = tpu.sem_alloc : memref<!tpu.dma_semaphore, #tpu.memory_space<semaphore_mem>>
          %dma_start3A_132 = arith.constant 0 : i32
          %dma_start3A_133 = tpu.memref_slice %arg7[%add3A_116, %dma_start3A_132] : memref<50x100xi32, #tpu.memory_space<vmem>> -> memref<1x100xi32, #tpu.memory_space<vmem>>
          %dma_start3A_134 = tpu.memref_squeeze %dma_start3A_133 : memref<1x100xi32, #tpu.memory_space<vmem>> -> memref<100xi32, #tpu.memory_space<vmem>>
          %dma_start3A_135 = arith.constant 0 : i32
          %dma_start3A_136 = arith.constant 0 : i32
          %dma_start3A_137 = tpu.memref_slice %arg10[%dma_start3A_135, %dma_start3A_136] : memref<10240x128xf32, #tpu.memory_space<vmem_shared>> -> memref<10240x128xf32, #tpu.memory_space<vmem_shared>>
          tpu.enqueue_indirect_dma source(%arg9 : memref<100x128xf32, #tpu.memory_space<vmem>>) target(%dma_start3A_137 : memref<10240x128xf32, #tpu.memory_space<vmem_shared>>) offsets(%dma_start3A_134 : memref<100xi32, #tpu.memory_space<vmem>>) semaphore(%run_scoped3A_131 : memref<!tpu.dma_semaphore, #tpu.memory_space<semaphore_mem>>) {add = true}
          %dma_wait3A_138 = arith.constant 0 : i32
          %dma_wait3A_139 = tpu.memref_slice %arg7[%add3A_116, %dma_wait3A_138] : memref<50x100xi32, #tpu.memory_space<vmem>> -> memref<1x100xi32, #tpu.memory_space<vmem>>
          %dma_wait3A_140 = tpu.memref_squeeze %dma_wait3A_139 : memref<1x100xi32, #tpu.memory_space<vmem>> -> memref<100xi32, #tpu.memory_space<vmem>>
          %dma_wait3A_141 = arith.constant 0 : i32
          %dma_wait3A_142 = arith.constant 0 : i32
          %dma_wait3A_143 = tpu.memref_slice %arg10[%dma_wait3A_141, %dma_wait3A_142] : memref<10240x128xf32, #tpu.memory_space<vmem_shared>> -> memref<10240x128xf32, #tpu.memory_space<vmem_shared>>
          tpu.wait_indirect_dma semaphore(%run_scoped3A_131 : memref<!tpu.dma_semaphore, #tpu.memory_space<semaphore_mem>>) src(%arg9 : memref<100x128xf32, #tpu.memory_space<vmem>>) dst(%dma_wait3A_143 : memref<10240x128xf32, #tpu.memory_space<vmem_shared>>)
          tpu.yield
        }) : () -> ()
        %scan3A_130 = arith.constant 0 : i32
        scf.yield %scan3A_130 : i32
      }
      %scan3A_95 = arith.constant 25 : i32
    } else {
    }
    %mul3A_62 = arith.constant 2 : i32
    %mul3A_63 = arith.muli %mul3A_62, %arg1 : i32
    %add3A_64 = arith.constant 1 : i32
    %add3A_65 = arith.addi %mul3A_63, %add3A_64 : i32
    %run_scoped3A_66 = arith.constant 0 : i32
    "tpu.region"() ({
      %run_scoped3A_83 = tpu.sem_alloc : memref<!tpu.dma_semaphore, #tpu.memory_space<semaphore_mem>>
      %dma_start3A = arith.constant 0 : i32
      %dma_start3A_84 = arith.constant 0 : i32
      %dma_start3A_85 = tpu.memref_slice %arg4[%run_scoped3A_66, %add3A_65, %dma_start3A, %dma_start3A_84] : memref<2x32x50x100xi32, #tpu.memory_space<hbm>> -> memref<1x1x50x100xi32, #tpu.memory_space<hbm>>
      %dma_start3A_86 = tpu.memref_squeeze %dma_start3A_85 : memref<1x1x50x100xi32, #tpu.memory_space<hbm>> -> memref<50x100xi32, #tpu.memory_space<hbm>>
      %dma_start3A_87 = arith.constant 0 : i32
      %dma_start3A_88 = arith.constant 0 : i32
      %dma_start3A_89 = tpu.memref_slice %arg4[%run_scoped3A_66, %add3A_65, %dma_start3A_87, %dma_start3A_88] : memref<2x32x50x100xi32, #tpu.memory_space<hbm>> -> memref<1x1x50x100xi32, #tpu.memory_space<hbm>>
      %dma_start3A_90 = tpu.memref_squeeze %dma_start3A_89 : memref<1x1x50x100xi32, #tpu.memory_space<hbm>> -> memref<50x100xi32, #tpu.memory_space<hbm>>
      tpu.enqueue_dma source(%dma_start3A_90 : memref<50x100xi32, #tpu.memory_space<hbm>>) target(%arg6 : memref<50x100xi32, #tpu.memory_space<vmem>>) target_semaphore(%run_scoped3A_83 : memref<!tpu.dma_semaphore, #tpu.memory_space<semaphore_mem>>)
      %dma_wait3A = arith.constant 0 : i32
      %dma_wait3A_91 = arith.constant 0 : i32
      %dma_wait3A_92 = tpu.memref_slice %arg4[%run_scoped3A_66, %add3A_65, %dma_wait3A, %dma_wait3A_91] : memref<2x32x50x100xi32, #tpu.memory_space<hbm>> -> memref<1x1x50x100xi32, #tpu.memory_space<hbm>>
      %dma_wait3A_93 = tpu.memref_squeeze %dma_wait3A_92 : memref<1x1x50x100xi32, #tpu.memory_space<hbm>> -> memref<50x100xi32, #tpu.memory_space<hbm>>
      %dma_wait3A_94 = arith.constant 0 : i32
      %dma_wait3A_95 = arith.constant 0 : i32
      %dma_wait3A_96 = tpu.memref_slice %arg4[%run_scoped3A_66, %add3A_65, %dma_wait3A_94, %dma_wait3A_95] : memref<2x32x50x100xi32, #tpu.memory_space<hbm>> -> memref<1x1x50x100xi32, #tpu.memory_space<hbm>>
      %dma_wait3A_97 = tpu.memref_squeeze %dma_wait3A_96 : memref<1x1x50x100xi32, #tpu.memory_space<hbm>> -> memref<50x100xi32, #tpu.memory_space<hbm>>
      tpu.wait_dma2 semaphore(%run_scoped3A_83 : memref<!tpu.dma_semaphore, #tpu.memory_space<semaphore_mem>>) src(%dma_wait3A_97 : memref<50x100xi32, #tpu.memory_space<hbm>>) dst(%arg6 : memref<50x100xi32, #tpu.memory_space<vmem>>)
      tpu.yield
    }) : () -> ()
    %mul3A_67 = arith.constant 2 : i32
    %mul3A_68 = arith.muli %mul3A_67, %arg1 : i32
    %add3A_69 = arith.constant 1 : i32
    %add3A_70 = arith.addi %mul3A_68, %add3A_69 : i32
    %run_scoped3A_71 = arith.constant 1 : i32
    "tpu.region"() ({
      %run_scoped3A_83 = tpu.sem_alloc : memref<!tpu.dma_semaphore, #tpu.memory_space<semaphore_mem>>
      %dma_start3A = arith.constant 0 : i32
      %dma_start3A_84 = arith.constant 0 : i32
      %dma_start3A_85 = tpu.memref_slice %arg4[%run_scoped3A_71, %add3A_70, %dma_start3A, %dma_start3A_84] : memref<2x32x50x100xi32, #tpu.memory_space<hbm>> -> memref<1x1x50x100xi32, #tpu.memory_space<hbm>>
      %dma_start3A_86 = tpu.memref_squeeze %dma_start3A_85 : memref<1x1x50x100xi32, #tpu.memory_space<hbm>> -> memref<50x100xi32, #tpu.memory_space<hbm>>
      %dma_start3A_87 = arith.constant 0 : i32
      %dma_start3A_88 = arith.constant 0 : i32
      %dma_start3A_89 = tpu.memref_slice %arg4[%run_scoped3A_71, %add3A_70, %dma_start3A_87, %dma_start3A_88] : memref<2x32x50x100xi32, #tpu.memory_space<hbm>> -> memref<1x1x50x100xi32, #tpu.memory_space<hbm>>
      %dma_start3A_90 = tpu.memref_squeeze %dma_start3A_89 : memref<1x1x50x100xi32, #tpu.memory_space<hbm>> -> memref<50x100xi32, #tpu.memory_space<hbm>>
      tpu.enqueue_dma source(%dma_start3A_90 : memref<50x100xi32, #tpu.memory_space<hbm>>) target(%arg7 : memref<50x100xi32, #tpu.memory_space<vmem>>) target_semaphore(%run_scoped3A_83 : memref<!tpu.dma_semaphore, #tpu.memory_space<semaphore_mem>>)
      %dma_wait3A = arith.constant 0 : i32
      %dma_wait3A_91 = arith.constant 0 : i32
      %dma_wait3A_92 = tpu.memref_slice %arg4[%run_scoped3A_71, %add3A_70, %dma_wait3A, %dma_wait3A_91] : memref<2x32x50x100xi32, #tpu.memory_space<hbm>> -> memref<1x1x50x100xi32, #tpu.memory_space<hbm>>
      %dma_wait3A_93 = tpu.memref_squeeze %dma_wait3A_92 : memref<1x1x50x100xi32, #tpu.memory_space<hbm>> -> memref<50x100xi32, #tpu.memory_space<hbm>>
      %dma_wait3A_94 = arith.constant 0 : i32
      %dma_wait3A_95 = arith.constant 0 : i32
      %dma_wait3A_96 = tpu.memref_slice %arg4[%run_scoped3A_71, %add3A_70, %dma_wait3A_94, %dma_wait3A_95] : memref<2x32x50x100xi32, #tpu.memory_space<hbm>> -> memref<1x1x50x100xi32, #tpu.memory_space<hbm>>
      %dma_wait3A_97 = tpu.memref_squeeze %dma_wait3A_96 : memref<1x1x50x100xi32, #tpu.memory_space<hbm>> -> memref<50x100xi32, #tpu.memory_space<hbm>>
      tpu.wait_dma2 semaphore(%run_scoped3A_83 : memref<!tpu.dma_semaphore, #tpu.memory_space<semaphore_mem>>) src(%dma_wait3A_97 : memref<50x100xi32, #tpu.memory_space<hbm>>) dst(%arg7 : memref<50x100xi32, #tpu.memory_space<vmem>>)
      tpu.yield
    }) : () -> ()
    %eq3A_72 = arith.constant 0 : i32
    %eq3A_73 = arith.cmpi eq, %arg0, %eq3A_72 : i32
    %convert_element_type3A_74 = arith.extui %eq3A_73 : i1 to i32
    %cond3A_75 = arith.constant 0 : i32
    %cond3A_76 = arith.cmpi ne, %convert_element_type3A_74, %cond3A_75 : i32
    scf.if %cond3A_76 {
      %dma_start3A = arith.constant 0 : i32
      %dma_start3A_83 = arith.constant 0 : i32
      %dma_start3A_84 = tpu.memref_slice %arg6[%dma_start3A, %dma_start3A_83] : memref<50x100xi32, #tpu.memory_space<vmem>> -> memref<1x100xi32, #tpu.memory_space<vmem>>
      %dma_start3A_85 = tpu.memref_squeeze %dma_start3A_84 : memref<1x100xi32, #tpu.memory_space<vmem>> -> memref<100xi32, #tpu.memory_space<vmem>>
      %dma_start3A_86 = arith.constant 0 : i32
      %dma_start3A_87 = arith.constant 0 : i32
      %dma_start3A_88 = tpu.memref_slice %arg2[%dma_start3A_86, %dma_start3A_87] : memref<10000x128xf32, #tpu.memory_space<hbm>> -> memref<10000x128xf32, #tpu.memory_space<hbm>>
      tpu.enqueue_indirect_dma source(%dma_start3A_88 : memref<10000x128xf32, #tpu.memory_space<hbm>>) target(%arg8 : memref<100x128xf32, #tpu.memory_space<vmem>>) offsets(%dma_start3A_85 : memref<100xi32, #tpu.memory_space<vmem>>) semaphore(%arg11 : memref<!tpu.dma_semaphore, #tpu.memory_space<semaphore_mem>>)
      %scan3A_89 = arith.constant 0 : i32
      %scan3A_90 = arith.constant 0 : i32
      %scan3A_91 = arith.constant 25 : i32
      %scan3A_92 = arith.addi %scan3A_90, %scan3A_91 : i32
      %scan3A_93 = arith.constant 1 : i32
      %scan3A_94 = scf.for %scan3A_96 = %scan3A_90 to %scan3A_92 step %scan3A_93 iter_args(%scan3A_97 = %scan3A_89) -> (i32)  : i32 {
        %mul3A_98 = arith.constant 2 : i32
        %mul3A_99 = arith.muli %mul3A_98, %scan3A_96 : i32
        %add3A_100 = arith.constant 0 : i32
        %add3A_101 = arith.addi %mul3A_99, %add3A_100 : i32
        %add3A_102 = arith.constant 1 : i32
        %add3A_103 = arith.addi %add3A_101, %add3A_102 : i32
        %dma_wait3A = arith.constant 0 : i32
        %dma_wait3A_104 = tpu.memref_slice %arg6[%add3A_101, %dma_wait3A] : memref<50x100xi32, #tpu.memory_space<vmem>> -> memref<1x100xi32, #tpu.memory_space<vmem>>
        %dma_wait3A_105 = tpu.memref_squeeze %dma_wait3A_104 : memref<1x100xi32, #tpu.memory_space<vmem>> -> memref<100xi32, #tpu.memory_space<vmem>>
        %dma_wait3A_106 = arith.constant 0 : i32
        %dma_wait3A_107 = arith.constant 0 : i32
        %dma_wait3A_108 = tpu.memref_slice %arg2[%dma_wait3A_106, %dma_wait3A_107] : memref<10000x128xf32, #tpu.memory_space<hbm>> -> memref<10000x128xf32, #tpu.memory_space<hbm>>
        tpu.wait_indirect_dma semaphore(%arg11 : memref<!tpu.dma_semaphore, #tpu.memory_space<semaphore_mem>>) src(%dma_wait3A_108 : memref<10000x128xf32, #tpu.memory_space<hbm>>) dst(%arg8 : memref<100x128xf32, #tpu.memory_space<vmem>>)
        %lt3A = arith.constant 50 : i32
        %lt3A_109 = arith.cmpi slt, %add3A_103, %lt3A : i32
        %convert_element_type3A_110 = arith.extui %lt3A_109 : i1 to i32
        %cond3A_111 = arith.constant 0 : i32
        %cond3A_112 = arith.cmpi ne, %convert_element_type3A_110, %cond3A_111 : i32
        scf.if %cond3A_112 {
          %dma_start3A_131 = arith.constant 0 : i32
          %dma_start3A_132 = tpu.memref_slice %arg6[%add3A_103, %dma_start3A_131] : memref<50x100xi32, #tpu.memory_space<vmem>> -> memref<1x100xi32, #tpu.memory_space<vmem>>
          %dma_start3A_133 = tpu.memref_squeeze %dma_start3A_132 : memref<1x100xi32, #tpu.memory_space<vmem>> -> memref<100xi32, #tpu.memory_space<vmem>>
          %dma_start3A_134 = arith.constant 0 : i32
          %dma_start3A_135 = arith.constant 0 : i32
          %dma_start3A_136 = tpu.memref_slice %arg2[%dma_start3A_134, %dma_start3A_135] : memref<10000x128xf32, #tpu.memory_space<hbm>> -> memref<10000x128xf32, #tpu.memory_space<hbm>>
          tpu.enqueue_indirect_dma source(%dma_start3A_136 : memref<10000x128xf32, #tpu.memory_space<hbm>>) target(%arg9 : memref<100x128xf32, #tpu.memory_space<vmem>>) offsets(%dma_start3A_133 : memref<100xi32, #tpu.memory_space<vmem>>) semaphore(%arg12 : memref<!tpu.dma_semaphore, #tpu.memory_space<semaphore_mem>>)
        } else {
        }
        "tpu.region"() ({
          %run_scoped3A_131 = tpu.sem_alloc : memref<!tpu.dma_semaphore, #tpu.memory_space<semaphore_mem>>
          %dma_start3A_132 = arith.constant 0 : i32
          %dma_start3A_133 = tpu.memref_slice %arg7[%add3A_101, %dma_start3A_132] : memref<50x100xi32, #tpu.memory_space<vmem>> -> memref<1x100xi32, #tpu.memory_space<vmem>>
          %dma_start3A_134 = tpu.memref_squeeze %dma_start3A_133 : memref<1x100xi32, #tpu.memory_space<vmem>> -> memref<100xi32, #tpu.memory_space<vmem>>
          %dma_start3A_135 = arith.constant 0 : i32
          %dma_start3A_136 = arith.constant 0 : i32
          %dma_start3A_137 = tpu.memref_slice %arg10[%dma_start3A_135, %dma_start3A_136] : memref<10240x128xf32, #tpu.memory_space<vmem_shared>> -> memref<10240x128xf32, #tpu.memory_space<vmem_shared>>
          tpu.enqueue_indirect_dma source(%arg8 : memref<100x128xf32, #tpu.memory_space<vmem>>) target(%dma_start3A_137 : memref<10240x128xf32, #tpu.memory_space<vmem_shared>>) offsets(%dma_start3A_134 : memref<100xi32, #tpu.memory_space<vmem>>) semaphore(%run_scoped3A_131 : memref<!tpu.dma_semaphore, #tpu.memory_space<semaphore_mem>>) {add = true}
          %dma_wait3A_138 = arith.constant 0 : i32
          %dma_wait3A_139 = tpu.memref_slice %arg7[%add3A_101, %dma_wait3A_138] : memref<50x100xi32, #tpu.memory_space<vmem>> -> memref<1x100xi32, #tpu.memory_space<vmem>>
          %dma_wait3A_140 = tpu.memref_squeeze %dma_wait3A_139 : memref<1x100xi32, #tpu.memory_space<vmem>> -> memref<100xi32, #tpu.memory_space<vmem>>
          %dma_wait3A_141 = arith.constant 0 : i32
          %dma_wait3A_142 = arith.constant 0 : i32
          %dma_wait3A_143 = tpu.memref_slice %arg10[%dma_wait3A_141, %dma_wait3A_142] : memref<10240x128xf32, #tpu.memory_space<vmem_shared>> -> memref<10240x128xf32, #tpu.memory_space<vmem_shared>>
          tpu.wait_indirect_dma semaphore(%run_scoped3A_131 : memref<!tpu.dma_semaphore, #tpu.memory_space<semaphore_mem>>) src(%arg8 : memref<100x128xf32, #tpu.memory_space<vmem>>) dst(%dma_wait3A_143 : memref<10240x128xf32, #tpu.memory_space<vmem_shared>>)
          tpu.yield
        }) : () -> ()
        %mul3A_113 = arith.constant 2 : i32
        %mul3A_114 = arith.muli %mul3A_113, %scan3A_96 : i32
        %add3A_115 = arith.constant 1 : i32
        %add3A_116 = arith.addi %mul3A_114, %add3A_115 : i32
        %add3A_117 = arith.constant 1 : i32
        %add3A_118 = arith.addi %add3A_116, %add3A_117 : i32
        %dma_wait3A_119 = arith.constant 0 : i32
        %dma_wait3A_120 = tpu.memref_slice %arg6[%add3A_116, %dma_wait3A_119] : memref<50x100xi32, #tpu.memory_space<vmem>> -> memref<1x100xi32, #tpu.memory_space<vmem>>
        %dma_wait3A_121 = tpu.memref_squeeze %dma_wait3A_120 : memref<1x100xi32, #tpu.memory_space<vmem>> -> memref<100xi32, #tpu.memory_space<vmem>>
        %dma_wait3A_122 = arith.constant 0 : i32
        %dma_wait3A_123 = arith.constant 0 : i32
        %dma_wait3A_124 = tpu.memref_slice %arg2[%dma_wait3A_122, %dma_wait3A_123] : memref<10000x128xf32, #tpu.memory_space<hbm>> -> memref<10000x128xf32, #tpu.memory_space<hbm>>
        tpu.wait_indirect_dma semaphore(%arg12 : memref<!tpu.dma_semaphore, #tpu.memory_space<semaphore_mem>>) src(%dma_wait3A_124 : memref<10000x128xf32, #tpu.memory_space<hbm>>) dst(%arg9 : memref<100x128xf32, #tpu.memory_space<vmem>>)
        %lt3A_125 = arith.constant 50 : i32
        %lt3A_126 = arith.cmpi slt, %add3A_118, %lt3A_125 : i32
        %convert_element_type3A_127 = arith.extui %lt3A_126 : i1 to i32
        %cond3A_128 = arith.constant 0 : i32
        %cond3A_129 = arith.cmpi ne, %convert_element_type3A_127, %cond3A_128 : i32
        scf.if %cond3A_129 {
          %dma_start3A_131 = arith.constant 0 : i32
          %dma_start3A_132 = tpu.memref_slice %arg6[%add3A_118, %dma_start3A_131] : memref<50x100xi32, #tpu.memory_space<vmem>> -> memref<1x100xi32, #tpu.memory_space<vmem>>
          %dma_start3A_133 = tpu.memref_squeeze %dma_start3A_132 : memref<1x100xi32, #tpu.memory_space<vmem>> -> memref<100xi32, #tpu.memory_space<vmem>>
          %dma_start3A_134 = arith.constant 0 : i32
          %dma_start3A_135 = arith.constant 0 : i32
          %dma_start3A_136 = tpu.memref_slice %arg2[%dma_start3A_134, %dma_start3A_135] : memref<10000x128xf32, #tpu.memory_space<hbm>> -> memref<10000x128xf32, #tpu.memory_space<hbm>>
          tpu.enqueue_indirect_dma source(%dma_start3A_136 : memref<10000x128xf32, #tpu.memory_space<hbm>>) target(%arg8 : memref<100x128xf32, #tpu.memory_space<vmem>>) offsets(%dma_start3A_133 : memref<100xi32, #tpu.memory_space<vmem>>) semaphore(%arg11 : memref<!tpu.dma_semaphore, #tpu.memory_space<semaphore_mem>>)
        } else {
        }
        "tpu.region"() ({
          %run_scoped3A_131 = tpu.sem_alloc : memref<!tpu.dma_semaphore, #tpu.memory_space<semaphore_mem>>
          %dma_start3A_132 = arith.constant 0 : i32
          %dma_start3A_133 = tpu.memref_slice %arg7[%add3A_116, %dma_start3A_132] : memref<50x100xi32, #tpu.memory_space<vmem>> -> memref<1x100xi32, #tpu.memory_space<vmem>>
          %dma_start3A_134 = tpu.memref_squeeze %dma_start3A_133 : memref<1x100xi32, #tpu.memory_space<vmem>> -> memref<100xi32, #tpu.memory_space<vmem>>
          %dma_start3A_135 = arith.constant 0 : i32
          %dma_start3A_136 = arith.constant 0 : i32
          %dma_start3A_137 = tpu.memref_slice %arg10[%dma_start3A_135, %dma_start3A_136] : memref<10240x128xf32, #tpu.memory_space<vmem_shared>> -> memref<10240x128xf32, #tpu.memory_space<vmem_shared>>
          tpu.enqueue_indirect_dma source(%arg9 : memref<100x128xf32, #tpu.memory_space<vmem>>) target(%dma_start3A_137 : memref<10240x128xf32, #tpu.memory_space<vmem_shared>>) offsets(%dma_start3A_134 : memref<100xi32, #tpu.memory_space<vmem>>) semaphore(%run_scoped3A_131 : memref<!tpu.dma_semaphore, #tpu.memory_space<semaphore_mem>>) {add = true}
          %dma_wait3A_138 = arith.constant 0 : i32
          %dma_wait3A_139 = tpu.memref_slice %arg7[%add3A_116, %dma_wait3A_138] : memref<50x100xi32, #tpu.memory_space<vmem>> -> memref<1x100xi32, #tpu.memory_space<vmem>>
          %dma_wait3A_140 = tpu.memref_squeeze %dma_wait3A_139 : memref<1x100xi32, #tpu.memory_space<vmem>> -> memref<100xi32, #tpu.memory_space<vmem>>
          %dma_wait3A_141 = arith.constant 0 : i32
          %dma_wait3A_142 = arith.constant 0 : i32
          %dma_wait3A_143 = tpu.memref_slice %arg10[%dma_wait3A_141, %dma_wait3A_142] : memref<10240x128xf32, #tpu.memory_space<vmem_shared>> -> memref<10240x128xf32, #tpu.memory_space<vmem_shared>>
          tpu.wait_indirect_dma semaphore(%run_scoped3A_131 : memref<!tpu.dma_semaphore, #tpu.memory_space<semaphore_mem>>) src(%arg9 : memref<100x128xf32, #tpu.memory_space<vmem>>) dst(%dma_wait3A_143 : memref<10240x128xf32, #tpu.memory_space<vmem_shared>>)
          tpu.yield
        }) : () -> ()
        %scan3A_130 = arith.constant 0 : i32
        scf.yield %scan3A_130 : i32
      }
      %scan3A_95 = arith.constant 25 : i32
    } else {
    }
    %eq3A_77 = arith.constant 1 : i32
    %eq3A_78 = arith.cmpi eq, %arg0, %eq3A_77 : i32
    %convert_element_type3A_79 = arith.extui %eq3A_78 : i1 to i32
    %cond3A_80 = arith.constant 0 : i32
    %cond3A_81 = arith.cmpi ne, %convert_element_type3A_79, %cond3A_80 : i32
    scf.if %cond3A_81 {
      %dma_start3A = arith.constant 0 : i32
      %dma_start3A_83 = arith.constant 0 : i32
      %dma_start3A_84 = tpu.memref_slice %arg6[%dma_start3A, %dma_start3A_83] : memref<50x100xi32, #tpu.memory_space<vmem>> -> memref<1x100xi32, #tpu.memory_space<vmem>>
      %dma_start3A_85 = tpu.memref_squeeze %dma_start3A_84 : memref<1x100xi32, #tpu.memory_space<vmem>> -> memref<100xi32, #tpu.memory_space<vmem>>
      %dma_start3A_86 = arith.constant 0 : i32
      %dma_start3A_87 = arith.constant 0 : i32
      %dma_start3A_88 = tpu.memref_slice %arg3[%dma_start3A_86, %dma_start3A_87] : memref<10000x128xf32, #tpu.memory_space<hbm>> -> memref<10000x128xf32, #tpu.memory_space<hbm>>
      tpu.enqueue_indirect_dma source(%dma_start3A_88 : memref<10000x128xf32, #tpu.memory_space<hbm>>) target(%arg8 : memref<100x128xf32, #tpu.memory_space<vmem>>) offsets(%dma_start3A_85 : memref<100xi32, #tpu.memory_space<vmem>>) semaphore(%arg11 : memref<!tpu.dma_semaphore, #tpu.memory_space<semaphore_mem>>)
      %scan3A_89 = arith.constant 0 : i32
      %scan3A_90 = arith.constant 0 : i32
      %scan3A_91 = arith.constant 25 : i32
      %scan3A_92 = arith.addi %scan3A_90, %scan3A_91 : i32
      %scan3A_93 = arith.constant 1 : i32
      %scan3A_94 = scf.for %scan3A_96 = %scan3A_90 to %scan3A_92 step %scan3A_93 iter_args(%scan3A_97 = %scan3A_89) -> (i32)  : i32 {
        %mul3A_98 = arith.constant 2 : i32
        %mul3A_99 = arith.muli %mul3A_98, %scan3A_96 : i32
        %add3A_100 = arith.constant 0 : i32
        %add3A_101 = arith.addi %mul3A_99, %add3A_100 : i32
        %add3A_102 = arith.constant 1 : i32
        %add3A_103 = arith.addi %add3A_101, %add3A_102 : i32
        %dma_wait3A = arith.constant 0 : i32
        %dma_wait3A_104 = tpu.memref_slice %arg6[%add3A_101, %dma_wait3A] : memref<50x100xi32, #tpu.memory_space<vmem>> -> memref<1x100xi32, #tpu.memory_space<vmem>>
        %dma_wait3A_105 = tpu.memref_squeeze %dma_wait3A_104 : memref<1x100xi32, #tpu.memory_space<vmem>> -> memref<100xi32, #tpu.memory_space<vmem>>
        %dma_wait3A_106 = arith.constant 0 : i32
        %dma_wait3A_107 = arith.constant 0 : i32
        %dma_wait3A_108 = tpu.memref_slice %arg3[%dma_wait3A_106, %dma_wait3A_107] : memref<10000x128xf32, #tpu.memory_space<hbm>> -> memref<10000x128xf32, #tpu.memory_space<hbm>>
        tpu.wait_indirect_dma semaphore(%arg11 : memref<!tpu.dma_semaphore, #tpu.memory_space<semaphore_mem>>) src(%dma_wait3A_108 : memref<10000x128xf32, #tpu.memory_space<hbm>>) dst(%arg8 : memref<100x128xf32, #tpu.memory_space<vmem>>)
        %lt3A = arith.constant 50 : i32
        %lt3A_109 = arith.cmpi slt, %add3A_103, %lt3A : i32
        %convert_element_type3A_110 = arith.extui %lt3A_109 : i1 to i32
        %cond3A_111 = arith.constant 0 : i32
        %cond3A_112 = arith.cmpi ne, %convert_element_type3A_110, %cond3A_111 : i32
        scf.if %cond3A_112 {
          %dma_start3A_131 = arith.constant 0 : i32
          %dma_start3A_132 = tpu.memref_slice %arg6[%add3A_103, %dma_start3A_131] : memref<50x100xi32, #tpu.memory_space<vmem>> -> memref<1x100xi32, #tpu.memory_space<vmem>>
          %dma_start3A_133 = tpu.memref_squeeze %dma_start3A_132 : memref<1x100xi32, #tpu.memory_space<vmem>> -> memref<100xi32, #tpu.memory_space<vmem>>
          %dma_start3A_134 = arith.constant 0 : i32
          %dma_start3A_135 = arith.constant 0 : i32
          %dma_start3A_136 = tpu.memref_slice %arg3[%dma_start3A_134, %dma_start3A_135] : memref<10000x128xf32, #tpu.memory_space<hbm>> -> memref<10000x128xf32, #tpu.memory_space<hbm>>
          tpu.enqueue_indirect_dma source(%dma_start3A_136 : memref<10000x128xf32, #tpu.memory_space<hbm>>) target(%arg9 : memref<100x128xf32, #tpu.memory_space<vmem>>) offsets(%dma_start3A_133 : memref<100xi32, #tpu.memory_space<vmem>>) semaphore(%arg12 : memref<!tpu.dma_semaphore, #tpu.memory_space<semaphore_mem>>)
        } else {
        }
        "tpu.region"() ({
          %run_scoped3A_131 = tpu.sem_alloc : memref<!tpu.dma_semaphore, #tpu.memory_space<semaphore_mem>>
          %dma_start3A_132 = arith.constant 0 : i32
          %dma_start3A_133 = tpu.memref_slice %arg7[%add3A_101, %dma_start3A_132] : memref<50x100xi32, #tpu.memory_space<vmem>> -> memref<1x100xi32, #tpu.memory_space<vmem>>
          %dma_start3A_134 = tpu.memref_squeeze %dma_start3A_133 : memref<1x100xi32, #tpu.memory_space<vmem>> -> memref<100xi32, #tpu.memory_space<vmem>>
          %dma_start3A_135 = arith.constant 0 : i32
          %dma_start3A_136 = arith.constant 0 : i32
          %dma_start3A_137 = tpu.memref_slice %arg10[%dma_start3A_135, %dma_start3A_136] : memref<10240x128xf32, #tpu.memory_space<vmem_shared>> -> memref<10240x128xf32, #tpu.memory_space<vmem_shared>>
          tpu.enqueue_indirect_dma source(%arg8 : memref<100x128xf32, #tpu.memory_space<vmem>>) target(%dma_start3A_137 : memref<10240x128xf32, #tpu.memory_space<vmem_shared>>) offsets(%dma_start3A_134 : memref<100xi32, #tpu.memory_space<vmem>>) semaphore(%run_scoped3A_131 : memref<!tpu.dma_semaphore, #tpu.memory_space<semaphore_mem>>) {add = true}
          %dma_wait3A_138 = arith.constant 0 : i32
          %dma_wait3A_139 = tpu.memref_slice %arg7[%add3A_101, %dma_wait3A_138] : memref<50x100xi32, #tpu.memory_space<vmem>> -> memref<1x100xi32, #tpu.memory_space<vmem>>
          %dma_wait3A_140 = tpu.memref_squeeze %dma_wait3A_139 : memref<1x100xi32, #tpu.memory_space<vmem>> -> memref<100xi32, #tpu.memory_space<vmem>>
          %dma_wait3A_141 = arith.constant 0 : i32
          %dma_wait3A_142 = arith.constant 0 : i32
          %dma_wait3A_143 = tpu.memref_slice %arg10[%dma_wait3A_141, %dma_wait3A_142] : memref<10240x128xf32, #tpu.memory_space<vmem_shared>> -> memref<10240x128xf32, #tpu.memory_space<vmem_shared>>
          tpu.wait_indirect_dma semaphore(%run_scoped3A_131 : memref<!tpu.dma_semaphore, #tpu.memory_space<semaphore_mem>>) src(%arg8 : memref<100x128xf32, #tpu.memory_space<vmem>>) dst(%dma_wait3A_143 : memref<10240x128xf32, #tpu.memory_space<vmem_shared>>)
          tpu.yield
        }) : () -> ()
        %mul3A_113 = arith.constant 2 : i32
        %mul3A_114 = arith.muli %mul3A_113, %scan3A_96 : i32
        %add3A_115 = arith.constant 1 : i32
        %add3A_116 = arith.addi %mul3A_114, %add3A_115 : i32
        %add3A_117 = arith.constant 1 : i32
        %add3A_118 = arith.addi %add3A_116, %add3A_117 : i32
        %dma_wait3A_119 = arith.constant 0 : i32
        %dma_wait3A_120 = tpu.memref_slice %arg6[%add3A_116, %dma_wait3A_119] : memref<50x100xi32, #tpu.memory_space<vmem>> -> memref<1x100xi32, #tpu.memory_space<vmem>>
        %dma_wait3A_121 = tpu.memref_squeeze %dma_wait3A_120 : memref<1x100xi32, #tpu.memory_space<vmem>> -> memref<100xi32, #tpu.memory_space<vmem>>
        %dma_wait3A_122 = arith.constant 0 : i32
        %dma_wait3A_123 = arith.constant 0 : i32
        %dma_wait3A_124 = tpu.memref_slice %arg3[%dma_wait3A_122, %dma_wait3A_123] : memref<10000x128xf32, #tpu.memory_space<hbm>> -> memref<10000x128xf32, #tpu.memory_space<hbm>>
        tpu.wait_indirect_dma semaphore(%arg12 : memref<!tpu.dma_semaphore, #tpu.memory_space<semaphore_mem>>) src(%dma_wait3A_124 : memref<10000x128xf32, #tpu.memory_space<hbm>>) dst(%arg9 : memref<100x128xf32, #tpu.memory_space<vmem>>)
        %lt3A_125 = arith.constant 50 : i32
        %lt3A_126 = arith.cmpi slt, %add3A_118, %lt3A_125 : i32
        %convert_element_type3A_127 = arith.extui %lt3A_126 : i1 to i32
        %cond3A_128 = arith.constant 0 : i32
        %cond3A_129 = arith.cmpi ne, %convert_element_type3A_127, %cond3A_128 : i32
        scf.if %cond3A_129 {
          %dma_start3A_131 = arith.constant 0 : i32
          %dma_start3A_132 = tpu.memref_slice %arg6[%add3A_118, %dma_start3A_131] : memref<50x100xi32, #tpu.memory_space<vmem>> -> memref<1x100xi32, #tpu.memory_space<vmem>>
          %dma_start3A_133 = tpu.memref_squeeze %dma_start3A_132 : memref<1x100xi32, #tpu.memory_space<vmem>> -> memref<100xi32, #tpu.memory_space<vmem>>
          %dma_start3A_134 = arith.constant 0 : i32
          %dma_start3A_135 = arith.constant 0 : i32
          %dma_start3A_136 = tpu.memref_slice %arg3[%dma_start3A_134, %dma_start3A_135] : memref<10000x128xf32, #tpu.memory_space<hbm>> -> memref<10000x128xf32, #tpu.memory_space<hbm>>
          tpu.enqueue_indirect_dma source(%dma_start3A_136 : memref<10000x128xf32, #tpu.memory_space<hbm>>) target(%arg8 : memref<100x128xf32, #tpu.memory_space<vmem>>) offsets(%dma_start3A_133 : memref<100xi32, #tpu.memory_space<vmem>>) semaphore(%arg11 : memref<!tpu.dma_semaphore, #tpu.memory_space<semaphore_mem>>)
        } else {
        }
        "tpu.region"() ({
          %run_scoped3A_131 = tpu.sem_alloc : memref<!tpu.dma_semaphore, #tpu.memory_space<semaphore_mem>>
          %dma_start3A_132 = arith.constant 0 : i32
          %dma_start3A_133 = tpu.memref_slice %arg7[%add3A_116, %dma_start3A_132] : memref<50x100xi32, #tpu.memory_space<vmem>> -> memref<1x100xi32, #tpu.memory_space<vmem>>
          %dma_start3A_134 = tpu.memref_squeeze %dma_start3A_133 : memref<1x100xi32, #tpu.memory_space<vmem>> -> memref<100xi32, #tpu.memory_space<vmem>>
          %dma_start3A_135 = arith.constant 0 : i32
          %dma_start3A_136 = arith.constant 0 : i32
          %dma_start3A_137 = tpu.memref_slice %arg10[%dma_start3A_135, %dma_start3A_136] : memref<10240x128xf32, #tpu.memory_space<vmem_shared>> -> memref<10240x128xf32, #tpu.memory_space<vmem_shared>>
          tpu.enqueue_indirect_dma source(%arg9 : memref<100x128xf32, #tpu.memory_space<vmem>>) target(%dma_start3A_137 : memref<10240x128xf32, #tpu.memory_space<vmem_shared>>) offsets(%dma_start3A_134 : memref<100xi32, #tpu.memory_space<vmem>>) semaphore(%run_scoped3A_131 : memref<!tpu.dma_semaphore, #tpu.memory_space<semaphore_mem>>) {add = true}
          %dma_wait3A_138 = arith.constant 0 : i32
          %dma_wait3A_139 = tpu.memref_slice %arg7[%add3A_116, %dma_wait3A_138] : memref<50x100xi32, #tpu.memory_space<vmem>> -> memref<1x100xi32, #tpu.memory_space<vmem>>
          %dma_wait3A_140 = tpu.memref_squeeze %dma_wait3A_139 : memref<1x100xi32, #tpu.memory_space<vmem>> -> memref<100xi32, #tpu.memory_space<vmem>>
          %dma_wait3A_141 = arith.constant 0 : i32
          %dma_wait3A_142 = arith.constant 0 : i32
          %dma_wait3A_143 = tpu.memref_slice %arg10[%dma_wait3A_141, %dma_wait3A_142] : memref<10240x128xf32, #tpu.memory_space<vmem_shared>> -> memref<10240x128xf32, #tpu.memory_space<vmem_shared>>
          tpu.wait_indirect_dma semaphore(%run_scoped3A_131 : memref<!tpu.dma_semaphore, #tpu.memory_space<semaphore_mem>>) src(%arg9 : memref<100x128xf32, #tpu.memory_space<vmem>>) dst(%dma_wait3A_143 : memref<10240x128xf32, #tpu.memory_space<vmem_shared>>)
          tpu.yield
        }) : () -> ()
        %scan3A_130 = arith.constant 0 : i32
        scf.yield %scan3A_130 : i32
      }
      %scan3A_95 = arith.constant 25 : i32
    } else {
    }
    %barrier3A_82 = arith.constant 0 : index
    tpu.barrier barrier_id(%barrier3A_82)
    "tpu.region"() ({
      %run_scoped3A_83 = tpu.sem_alloc : memref<!tpu.dma_semaphore, #tpu.memory_space<semaphore_mem>>
      %dma_start3A = arith.constant 0 : i32
      %dma_start3A_84 = tpu.memref_slice %arg5[%arg0, %mul3A_0, %dma_start3A] : memref<2x10240x128xf32, #tpu.memory_space<hbm>> -> memref<1x640x128xf32, #tpu.memory_space<hbm>>
      %dma_start3A_85 = tpu.memref_squeeze %dma_start3A_84 : memref<1x640x128xf32, #tpu.memory_space<hbm>> -> memref<640x128xf32, #tpu.memory_space<hbm>>
      %dma_start3A_86 = arith.constant 0 : i32
      %dma_start3A_87 = tpu.memref_slice %arg10[%mul3A_0, %dma_start3A_86] : memref<10240x128xf32, #tpu.memory_space<vmem_shared>> -> memref<640x128xf32, #tpu.memory_space<vmem_shared>>
      tpu.enqueue_dma source(%dma_start3A_87 : memref<640x128xf32, #tpu.memory_space<vmem_shared>>) target(%dma_start3A_85 : memref<640x128xf32, #tpu.memory_space<hbm>>) target_semaphore(%run_scoped3A_83 : memref<!tpu.dma_semaphore, #tpu.memory_space<semaphore_mem>>)
      %dma_wait3A = arith.constant 0 : i32
      %dma_wait3A_88 = tpu.memref_slice %arg5[%arg0, %mul3A_0, %dma_wait3A] : memref<2x10240x128xf32, #tpu.memory_space<hbm>> -> memref<1x640x128xf32, #tpu.memory_space<hbm>>
      %dma_wait3A_89 = tpu.memref_squeeze %dma_wait3A_88 : memref<1x640x128xf32, #tpu.memory_space<hbm>> -> memref<640x128xf32, #tpu.memory_space<hbm>>
      %dma_wait3A_90 = arith.constant 0 : i32
      %dma_wait3A_91 = tpu.memref_slice %arg10[%mul3A_0, %dma_wait3A_90] : memref<10240x128xf32, #tpu.memory_space<vmem_shared>> -> memref<640x128xf32, #tpu.memory_space<vmem_shared>>
      tpu.wait_dma2 semaphore(%run_scoped3A_83 : memref<!tpu.dma_semaphore, #tpu.memory_space<semaphore_mem>>) src(%dma_wait3A_91 : memref<640x128xf32, #tpu.memory_space<vmem_shared>>) dst(%dma_wait3A_89 : memref<640x128xf32, #tpu.memory_space<hbm>>)
      tpu.yield
    }) : () -> ()
    return
  }
}

module attributes {stable_mosaic.version = 14 : i64} {
  func.func @_tc_gcn_mm_scale(%arg0: i32, %arg1: memref<1000x256xf32, #tpu.memory_space<vmem>>, %arg2: memref<256x256xf32, #tpu.memory_space<vmem>>, %arg3: memref<2x1000x16xf32, #tpu.memory_space<vmem>>, %arg4: memref<1000x128xf32, #tpu.memory_space<vmem>>, %arg5: memref<1000x128xf32, #tpu.memory_space<vmem>>) attributes {dimension_semantics = [#tpu.dimension_semantics<arbitrary>], iteration_bounds = array<i64: 10>, scalar_prefetch = 0 : i64, scratch_operands = 0 : i64, tpu.core_type = #tpu.core_type<tc>, window_params = [{transform_indices = @transform_0, window_bounds = array<i64: 1000, 256>}, {pipeline_mode = #tpu.pipeline_mode<synchronous>, transform_indices = @transform_1, window_bounds = array<i64: 256, 256>}, {transform_indices = @transform_2, window_bounds = array<i64: 2, 1000, 16>}, {transform_indices = @transform_3, window_bounds = array<i64: 1000, 128>}, {transform_indices = @transform_4, window_bounds = array<i64: 1000, 128>}]} {
    %get3A = arith.constant 0 : index
    %get3A_0 = arith.constant 0 : index
    %get3A_1 = vector.load %arg1[%get3A, %get3A_0] : memref<1000x256xf32, #tpu.memory_space<vmem>>, vector<1000x256xf32>
    %get3A_2 = arith.constant 0 : index
    %get3A_3 = arith.constant 0 : index
    %get3A_4 = vector.load %arg2[%get3A_2, %get3A_3] : memref<256x256xf32, #tpu.memory_space<vmem>>, vector<256x256xf32>
    %dot_general3A = arith.constant dense<0.000000e+00> : vector<1000x256xf32>
    %dot_general3A_5 = tpu.matmul %get3A_1, %get3A_4, %dot_general3A {dimension_numbers = #tpu.dot_dimension_numbers<[1], [1], [0], [0], [0, 0, 1, 0], [], []>, transpose_lhs_hint = false} : vector<1000x256xf32>, vector<256x256xf32>, vector<1000x256xf32> -> vector<1000x256xf32>
    %get3A_6 = arith.constant 0 : index
    %get3A_7 = arith.constant 0 : index
    %get3A_8 = arith.constant 0 : index
    %get3A_9 = vector.load %arg3[%get3A_6, %get3A_7, %get3A_8] : memref<2x1000x16xf32, #tpu.memory_space<vmem>>, vector<1x1000x1xf32>
    %get3A_10 = vector.shape_cast %get3A_9 : vector<1x1000x1xf32> to vector<1000xf32>
    %add3A = arith.constant 1.000000e+00 : f32
    %add3A_11 = vector.broadcast %add3A : f32 to vector<1000xf32>
    %add3A_12 = arith.addf %add3A_11, %get3A_10 : vector<1000xf32>
    %get3A_13 = arith.constant 1 : index
    %get3A_14 = arith.constant 0 : index
    %get3A_15 = arith.constant 0 : index
    %get3A_16 = vector.load %arg3[%get3A_13, %get3A_14, %get3A_15] : memref<2x1000x16xf32, #tpu.memory_space<vmem>>, vector<1x1000x1xf32>
    %get3A_17 = vector.shape_cast %get3A_16 : vector<1x1000x1xf32> to vector<1000xf32>
    %add3A_18 = arith.addf %add3A_12, %get3A_17 : vector<1000xf32>
    %rsqrt3A = math.rsqrt %add3A_18 : vector<1000xf32>
    %broadcast_in_dim3A = vector.shape_cast %rsqrt3A : vector<1000xf32> to vector<1000x1xf32>
    %mul3A = vector.broadcast %broadcast_in_dim3A : vector<1000x1xf32> to vector<1000x256xf32>
    %mul3A_19 = arith.mulf %dot_general3A_5, %mul3A : vector<1000x256xf32>
    %slice3A = vector.extract_strided_slice %mul3A_19 {offsets = [0, 0], sizes = [1000, 128], strides = [1, 1]} : vector<1000x256xf32> to vector<1000x128xf32>
    %swap3A = arith.constant 0 : index
    %swap3A_20 = arith.constant 0 : index
    %swap3A_21 = vector.load %arg4[%swap3A, %swap3A_20] : memref<1000x128xf32, #tpu.memory_space<vmem>>, vector<1000x128xf32>
    tpu.vector_store %arg4[%swap3A, %swap3A_20], %slice3A {strides = array<i32>} : memref<1000x128xf32, #tpu.memory_space<vmem>>, vector<1000x128xf32>,
    %slice3A_22 = vector.extract_strided_slice %mul3A_19 {offsets = [0, 128], sizes = [1000, 128], strides = [1, 1]} : vector<1000x256xf32> to vector<1000x128xf32>
    %swap3A_23 = arith.constant 0 : index
    %swap3A_24 = arith.constant 0 : index
    %swap3A_25 = vector.load %arg5[%swap3A_23, %swap3A_24] : memref<1000x128xf32, #tpu.memory_space<vmem>>, vector<1000x128xf32>
    tpu.vector_store %arg5[%swap3A_23, %swap3A_24], %slice3A_22 {strides = array<i32>} : memref<1000x128xf32, #tpu.memory_space<vmem>>, vector<1000x128xf32>,
    return
  }
  func.func @transform_0(%arg0: i32) -> (i32, i32) {
    %c0_i32 = arith.constant 0 : i32
    %c0_i32_0 = arith.constant 0 : i32
    return %arg0, %c0_i32 : i32, i32
  }
  func.func @transform_1(%arg0: i32) -> (i32, i32) {
    %c0_i32 = arith.constant 0 : i32
    %c0_i32_0 = arith.constant 0 : i32
    %c0_i32_1 = arith.constant 0 : i32
    return %c0_i32, %c0_i32_0 : i32, i32
  }
  func.func @transform_2(%arg0: i32) -> (i32, i32, i32) {
    %c0_i32 = arith.constant 0 : i32
    %c0_i32_0 = arith.constant 0 : i32
    %c0_i32_1 = arith.constant 0 : i32
    return %c0_i32, %arg0, %c0_i32_0 : i32, i32, i32
  }
  func.func @transform_3(%arg0: i32) -> (i32, i32) {
    %c0_i32 = arith.constant 0 : i32
    %c0_i32_0 = arith.constant 0 : i32
    return %arg0, %c0_i32 : i32, i32
  }
  func.func @transform_4(%arg0: i32) -> (i32, i32) {
    %c0_i32 = arith.constant 0 : i32
    %c0_i32_0 = arith.constant 0 : i32
    return %arg0, %c0_i32 : i32, i32
  }
}

module attributes {stable_mosaic.version = 14 : i64} {
  func.func @_tc_tail(%arg0: i32, %arg1: memref<1000x256xf32, #tpu.memory_space<vmem>>, %arg2: memref<1000x128xf32, #tpu.memory_space<vmem>>, %arg3: memref<1000x128xf32, #tpu.memory_space<vmem>>, %arg4: memref<2x1000x128xf32, #tpu.memory_space<vmem>>, %arg5: memref<2x1000x16xf32, #tpu.memory_space<vmem>>, %arg6: memref<256x256xf32, #tpu.memory_space<vmem>>, %arg7: memref<1x256xf32, #tpu.memory_space<vmem>>, %arg8: memref<256x256xf32, #tpu.memory_space<vmem>>, %arg9: memref<1x256xf32, #tpu.memory_space<vmem>>, %arg10: memref<1000x256xf32, #tpu.memory_space<vmem>>) attributes {dimension_semantics = [#tpu.dimension_semantics<arbitrary>], iteration_bounds = array<i64: 10>, scalar_prefetch = 0 : i64, scratch_operands = 0 : i64, tpu.core_type = #tpu.core_type<tc>, window_params = [{transform_indices = @transform_0, window_bounds = array<i64: 1000, 256>}, {transform_indices = @transform_1, window_bounds = array<i64: 1000, 128>}, {transform_indices = @transform_2, window_bounds = array<i64: 1000, 128>}, {transform_indices = @transform_3, window_bounds = array<i64: 2, 1000, 128>}, {transform_indices = @transform_4, window_bounds = array<i64: 2, 1000, 16>}, {pipeline_mode = #tpu.pipeline_mode<synchronous>, transform_indices = @transform_5, window_bounds = array<i64: 256, 256>}, {pipeline_mode = #tpu.pipeline_mode<synchronous>, transform_indices = @transform_6, window_bounds = array<i64: 1, 256>}, {pipeline_mode = #tpu.pipeline_mode<synchronous>, transform_indices = @transform_7, window_bounds = array<i64: 256, 256>}, {pipeline_mode = #tpu.pipeline_mode<synchronous>, transform_indices = @transform_8, window_bounds = array<i64: 1, 256>}, {transform_indices = @transform_9, window_bounds = array<i64: 1000, 256>}]} {
    %get3A = arith.constant 0 : index
    %get3A_0 = arith.constant 0 : index
    %get3A_1 = arith.constant 0 : index
    %get3A_2 = vector.load %arg5[%get3A, %get3A_0, %get3A_1] : memref<2x1000x16xf32, #tpu.memory_space<vmem>>, vector<1x1000x1xf32>
    %get3A_3 = vector.shape_cast %get3A_2 : vector<1x1000x1xf32> to vector<1000xf32>
    %add3A = arith.constant 1.000000e+00 : f32
    %add3A_4 = vector.broadcast %add3A : f32 to vector<1000xf32>
    %add3A_5 = arith.addf %add3A_4, %get3A_3 : vector<1000xf32>
    %get3A_6 = arith.constant 1 : index
    %get3A_7 = arith.constant 0 : index
    %get3A_8 = arith.constant 0 : index
    %get3A_9 = vector.load %arg5[%get3A_6, %get3A_7, %get3A_8] : memref<2x1000x16xf32, #tpu.memory_space<vmem>>, vector<1x1000x1xf32>
    %get3A_10 = vector.shape_cast %get3A_9 : vector<1x1000x1xf32> to vector<1000xf32>
    %add3A_11 = arith.addf %add3A_5, %get3A_10 : vector<1000xf32>
    %rsqrt3A = math.rsqrt %add3A_11 : vector<1000xf32>
    %get3A_12 = arith.constant 0 : index
    %get3A_13 = arith.constant 0 : index
    %get3A_14 = arith.constant 0 : index
    %get3A_15 = vector.load %arg4[%get3A_12, %get3A_13, %get3A_14] : memref<2x1000x128xf32, #tpu.memory_space<vmem>>, vector<1x1000x128xf32>
    %get3A_16 = vector.shape_cast %get3A_15 : vector<1x1000x128xf32> to vector<1000x128xf32>
    %get3A_17 = arith.constant 1 : index
    %get3A_18 = arith.constant 0 : index
    %get3A_19 = arith.constant 0 : index
    %get3A_20 = vector.load %arg4[%get3A_17, %get3A_18, %get3A_19] : memref<2x1000x128xf32, #tpu.memory_space<vmem>>, vector<1x1000x128xf32>
    %get3A_21 = vector.shape_cast %get3A_20 : vector<1x1000x128xf32> to vector<1000x128xf32>
    %concatenate3A = tpu.concatenate %get3A_16, %get3A_21 in 1 : vector<1000x128xf32>, vector<1000x128xf32> -> vector<1000x256xf32>
    %get3A_22 = arith.constant 0 : index
    %get3A_23 = arith.constant 0 : index
    %get3A_24 = vector.load %arg2[%get3A_22, %get3A_23] : memref<1000x128xf32, #tpu.memory_space<vmem>>, vector<1000x128xf32>
    %get3A_25 = arith.constant 0 : index
    %get3A_26 = arith.constant 0 : index
    %get3A_27 = vector.load %arg3[%get3A_25, %get3A_26] : memref<1000x128xf32, #tpu.memory_space<vmem>>, vector<1000x128xf32>
    %concatenate3A_28 = tpu.concatenate %get3A_24, %get3A_27 in 1 : vector<1000x128xf32>, vector<1000x128xf32> -> vector<1000x256xf32>
    %broadcast_in_dim3A = vector.shape_cast %rsqrt3A : vector<1000xf32> to vector<1000x1xf32>
    %add3A_29 = arith.addf %concatenate3A, %concatenate3A_28 : vector<1000x256xf32>
    %mul3A = vector.broadcast %broadcast_in_dim3A : vector<1000x1xf32> to vector<1000x256xf32>
    %mul3A_30 = arith.mulf %mul3A, %add3A_29 : vector<1000x256xf32>
    %get3A_31 = arith.constant 0 : index
    %get3A_32 = arith.constant 0 : index
    %get3A_33 = vector.load %arg1[%get3A_31, %get3A_32] : memref<1000x256xf32, #tpu.memory_space<vmem>>, vector<1000x256xf32>
    %get3A_34 = arith.constant 0 : index
    %get3A_35 = arith.constant 0 : index
    %get3A_36 = vector.load %arg6[%get3A_34, %get3A_35] : memref<256x256xf32, #tpu.memory_space<vmem>>, vector<256x256xf32>
    %dot_general3A = arith.constant dense<0.000000e+00> : vector<1000x256xf32>
    %dot_general3A_37 = tpu.matmul %get3A_33, %get3A_36, %dot_general3A {dimension_numbers = #tpu.dot_dimension_numbers<[1], [1], [0], [0], [0, 0, 1, 0], [], []>, transpose_lhs_hint = false} : vector<1000x256xf32>, vector<256x256xf32>, vector<1000x256xf32> -> vector<1000x256xf32>
    %add3A_38 = arith.addf %dot_general3A_37, %mul3A_30 : vector<1000x256xf32>
    %get3A_39 = arith.constant 0 : index
    %get3A_40 = arith.constant 0 : index
    %get3A_41 = vector.load %arg7[%get3A_39, %get3A_40] : memref<1x256xf32, #tpu.memory_space<vmem>>, vector<1x256xf32>
    %add3A_42 = vector.broadcast %get3A_41 : vector<1x256xf32> to vector<1000x256xf32>
    %add3A_43 = arith.addf %add3A_38, %add3A_42 : vector<1000x256xf32>
    %tanh3A = math.tanh %add3A_43 : vector<1000x256xf32>
    %mul3A_44 = arith.constant 1.000000e-01 : f32
    %mul3A_45 = vector.broadcast %mul3A_44 : f32 to vector<1000x256xf32>
    %mul3A_46 = arith.mulf %mul3A_45, %tanh3A : vector<1000x256xf32>
    %add3A_47 = arith.addf %get3A_33, %mul3A_46 : vector<1000x256xf32>
    %gt3A = arith.constant 0.000000e+00 : f32
    %gt3A_48 = vector.broadcast %gt3A : f32 to vector<1000x256xf32>
    %gt3A_49 = arith.cmpf ogt, %add3A_47, %gt3A_48 : vector<1000x256xf32>
    %min3A = arith.constant 0.000000e+00 : f32
    %min3A_50 = vector.broadcast %min3A : f32 to vector<1000x256xf32>
    %min3A_51 = arith.minimumf %add3A_47, %min3A_50 : vector<1000x256xf32>
    %exp3A = math.exp %min3A_51 : vector<1000x256xf32>
    %sub3A = arith.constant 1.000000e+00 : f32
    %sub3A_52 = vector.broadcast %sub3A : f32 to vector<1000x256xf32>
    %sub3A_53 = arith.subf %exp3A, %sub3A_52 : vector<1000x256xf32>
    %select_n3A = arith.select %gt3A_49, %add3A_47, %sub3A_53 : vector<1000x256xi1>, vector<1000x256xf32>
    %get3A_54 = arith.constant 0 : index
    %get3A_55 = arith.constant 0 : index
    %get3A_56 = vector.load %arg8[%get3A_54, %get3A_55] : memref<256x256xf32, #tpu.memory_space<vmem>>, vector<256x256xf32>
    %dot_general3A_57 = arith.constant dense<0.000000e+00> : vector<1000x256xf32>
    %dot_general3A_58 = tpu.matmul %select_n3A, %get3A_56, %dot_general3A_57 {dimension_numbers = #tpu.dot_dimension_numbers<[1], [1], [0], [0], [0, 0, 1, 0], [], []>, transpose_lhs_hint = false} : vector<1000x256xf32>, vector<256x256xf32>, vector<1000x256xf32> -> vector<1000x256xf32>
    %get3A_59 = arith.constant 0 : index
    %get3A_60 = arith.constant 0 : index
    %get3A_61 = vector.load %arg9[%get3A_59, %get3A_60] : memref<1x256xf32, #tpu.memory_space<vmem>>, vector<1x256xf32>
    %add3A_62 = vector.broadcast %get3A_61 : vector<1x256xf32> to vector<1000x256xf32>
    %add3A_63 = arith.addf %dot_general3A_58, %add3A_62 : vector<1000x256xf32>
    %swap3A = arith.constant 0 : index
    %swap3A_64 = arith.constant 0 : index
    %swap3A_65 = vector.load %arg10[%swap3A, %swap3A_64] : memref<1000x256xf32, #tpu.memory_space<vmem>>, vector<1000x256xf32>
    tpu.vector_store %arg10[%swap3A, %swap3A_64], %add3A_63 {strides = array<i32>} : memref<1000x256xf32, #tpu.memory_space<vmem>>, vector<1000x256xf32>,
    return
  }
  func.func @transform_0(%arg0: i32) -> (i32, i32) {
    %c0_i32 = arith.constant 0 : i32
    %c0_i32_0 = arith.constant 0 : i32
    return %arg0, %c0_i32 : i32, i32
  }
  func.func @transform_1(%arg0: i32) -> (i32, i32) {
    %c0_i32 = arith.constant 0 : i32
    %c0_i32_0 = arith.constant 0 : i32
    return %arg0, %c0_i32 : i32, i32
  }
  func.func @transform_2(%arg0: i32) -> (i32, i32) {
    %c0_i32 = arith.constant 0 : i32
    %c0_i32_0 = arith.constant 0 : i32
    return %arg0, %c0_i32 : i32, i32
  }
  func.func @transform_3(%arg0: i32) -> (i32, i32, i32) {
    %c0_i32 = arith.constant 0 : i32
    %c0_i32_0 = arith.constant 0 : i32
    %c0_i32_1 = arith.constant 0 : i32
    return %c0_i32, %arg0, %c0_i32_0 : i32, i32, i32
  }
  func.func @transform_4(%arg0: i32) -> (i32, i32, i32) {
    %c0_i32 = arith.constant 0 : i32
    %c0_i32_0 = arith.constant 0 : i32
    %c0_i32_1 = arith.constant 0 : i32
    return %c0_i32, %arg0, %c0_i32_0 : i32, i32, i32
  }
  func.func @transform_5(%arg0: i32) -> (i32, i32) {
    %c0_i32 = arith.constant 0 : i32
    %c0_i32_0 = arith.constant 0 : i32
    %c0_i32_1 = arith.constant 0 : i32
    return %c0_i32, %c0_i32_0 : i32, i32
  }
  func.func @transform_6(%arg0: i32) -> (i32, i32) {
    %c0_i32 = arith.constant 0 : i32
    %c0_i32_0 = arith.constant 0 : i32
    %c0_i32_1 = arith.constant 0 : i32
    return %c0_i32, %c0_i32_0 : i32, i32
  }
  func.func @transform_7(%arg0: i32) -> (i32, i32) {
    %c0_i32 = arith.constant 0 : i32
    %c0_i32_0 = arith.constant 0 : i32
    %c0_i32_1 = arith.constant 0 : i32
    return %c0_i32, %c0_i32_0 : i32, i32
  }
  func.func @transform_8(%arg0: i32) -> (i32, i32) {
    %c0_i32 = arith.constant 0 : i32
    %c0_i32_0 = arith.constant 0 : i32
    %c0_i32_1 = arith.constant 0 : i32
    return %c0_i32, %c0_i32_0 : i32, i32
  }
  func.func @transform_9(%arg0: i32) -> (i32, i32) {
    %c0_i32 = arith.constant 0 : i32
    %c0_i32_0 = arith.constant 0 : i32
    return %arg0, %c0_i32 : i32, i32
  }
}

</mosaic_0001>

<sc_bundles>
// kernel: kernel.6.cloned.1.call-start
scs
__scs_entry_jumppad:
0x0: {  	(pc) =	sbr.rel $0x88, $3  }
0x1: {  	(tag) =	ssettag $0x0;
	lr =	simm.s32 $0x1  }
0x2: {  	[smem:$0x3F9A] =	sst lr;
	_ =	strace $0xD0000000  }
0x3: {  	_ = 	snop  }
0x4: {  	_ = 	snop  }
0x5: {  	_ = 	snop  }
0x6: {  	_ = 	snop  }
0x7: {  	_ = 	snop  }
__scs_overlays_trampoline_lowered:
0x8: {  	[smem:$0x3FA9] =	sst s0  }
0x9: {  	[smem:$0x3FAA] =	sst s1  }
0xa: {  	[smem:$0x3FAB] =	sst s2  }
0xb: {  	[smem:$0x3FAC] =	sst s3  }
0xc: {  	[smem:$0x3FAD] =	sst s4  }
0xd: {  	[smem:$0x3FAE] =	sst s5  }
0xe: {  	[smem:$0x3FAF] =	sst s6  }
0xf: {  	[smem:$0x3FB0] =	sst s7  }
0x10: {  	[smem:$0x3FB1] =	sst s8  }
0x11: {  	[smem:$0x3FB2] =	sst s9;
	s0 =	simm.s32 @!p0 $0x0  }
0x12: {  	s1 =	sld [smem:$0x3F98];
	s0 =	simm.s32 @p0 $0x1  }
0x13: {  	[smem:$0x3FB3] =	sst s0;
	s0 =	simm.s32 @!p1 $0x0  }
0x14: {  	s2 =	sld [smem:$0x3F97];
	s0 =	simm.s32 @p1 $0x1  }
0x15: {  	[smem:$0x3FB4] =	sst s0;
	s0 =	simm.s32 @!p2 $0x0  }
0x16: {  	s3 =	sld [smem:$0x3FDB];
	s0 =	simm.s32 @p2 $0x1  }
0x17: {  	s4 =	simm.s32 $0x1BF5;
	[smem:$0x3FB6] =	sst s0  }
0x18: {  	s0 =	sld [smem:$0x3F99];
	_ =	swait.ge [sflag:s4], $0x0  }
0x19: {  	s7 =	sld [smem:$0x3F9A]  }
0x1a: {  	s8 =	sadd.s32 $0xFFFFE003, lr  }
0x1b: {  	s9 =	sadd.s32 $0xFFFFFEF7, lr;
	s5 =	simm.s32 $0xFFFFFFFF;
	p2 =	slt.u32 s8, $0xFFFFF086  }
0x1c: {  	p1 =	slt.u32 s9, $0xF7A;
	s5 =	simm.s32 @!p2 $0x0  }
0x1d: {  	s5 =	simm.s32 @p1 $0x1;
	p0 =	seq.s32 s7, s2  }
0x1e: {  	s7 =	smul.u32 @!p0 $0xF7A, s2;
	p2 =	seq.s32 @!p0 s5, $0x0  }
0x1f: {  	s9 =	smul.u32 $0xF7A, s1;
	s8 =	simm.s32 @!p0 $0x1BF5;
	p2 =	por !p2, p0  }
0x20: {  	[sflag:s8] =	ssyncset.s32 @!p0 $0xFFFFF086;
	s6 =	sadd.s32 @!p0 s3, s7;
	s7 =	simm.s32 @!p0 $0x108  }
0x21: {  	s3 =	sadd.s32 s3, s9;
	s6 =	sadd.s32 @!p0 $0x88, s6;
	s7 =	simm.s32 @p2 $0x1082  }
0x22: {  	[simem:s7], [sflag:s8] =	dma.local @!p0 [hbm:s6], $0xF7A  }
0x23: {  	s9 =	sor.u32 $0xD0000000, s2;
	s6 =	simm.s32 $0x108;
	_ =	swait.ge @!p0 [sflag:s8], $0x0  }
0x24: {  	s3 =	sadd.s32 $0x88, s3;
	s6 =	simm.s32 @!p1 $0x1082;
	[sflag:s4] =	ssyncset.s32 $0xFFFFF086  }
0x25: {  	[simem:s6], [sflag:s4] =	dma.local [hbm:s3], $0xF7A  }
0x26: {  	[smem:$0x3F9A] =	sst s1;
	(tag) =	ssettag s2;
	_ =	strace s9  }
0x27: {  	s1 =	sld [smem:$0x3FAA]  }
0x28: {  	s2 =	sld [smem:$0x3FAB]  }
0x29: {  	s4 =	sld [smem:$0x3FAD]  }
0x2a: {  	p0 =	seq.s32 s5, $0x0;
	s5 =	sld [smem:$0x3FAE]  }
0x2b: {  	s6 =	sld [smem:$0x3FAF]  }
0x2c: {  	s7 =	sld [smem:$0x3FB0]  }
0x2d: {  	s3 =	simm.s32 $0x108;
	s8 =	sld [smem:$0x3FB1]  }
0x2e: {  	s3 =	simm.s32 @!p0 $0x1082;
	s9 =	sld [smem:$0x3FB2]  }
0x2f: {  	lr =	sadd.s32 s0, s3;
	s0 =	sld [smem:$0x3FA9]  }
0x30: {  	s3 =	sld [smem:$0x3FAC]  }
0x31: {  	[smem:$0x3FB5] =	sst s10  }
0x32: {  	s10 =	sld [smem:$0x3FB3];
	_ =	sdelay $0x3  }
0x33: {  	p0 =	seq.s32 s10, $0x1;
	s10 =	sld [smem:$0x3FB5];
	_ =	sdelay $0x3  }
0x34: {  	[smem:$0x3FB5] =	sst s10  }
0x35: {  	s10 =	sld [smem:$0x3FB4];
	_ =	sdelay $0x3  }
0x36: {  	p1 =	seq.s32 s10, $0x1;
	s10 =	sld [smem:$0x3FB5];
	_ =	sdelay $0x3  }
0x37: {  	[smem:$0x3FB5] =	sst s10  }
0x38: {  	s10 =	sld [smem:$0x3FB6]  }
0x39: {  	_ = 	snop;
	(pc) =	sbr.ind lr, $3  }
0x3a: {  	_ = 	snop  }
0x3b: {  	_ = 	snop  }
0x3c: {  	p2 =	seq.s32 s10, $0x1;
	s10 =	sld [smem:$0x3FB5]  }
0x3d: {  	_ =	shalt  }
0x3e: {  	_ =	shalt  }
0x3f: {  	_ =	shalt  }
0x40: {  	_ =	shalt  }
0x41: {  	_ =	shalt  }
0x42: {  	_ =	shalt  }
0x43: {  	_ =	shalt  }
0x44: {  	_ =	shalt  }
0x45: {  	_ =	shalt  }
0x46: {  	_ =	shalt  }
0x47: {  	_ =	shalt  }
0x48: {  	_ =	shalt  }
0x49: {  	_ =	shalt  }
0x4a: {  	_ =	shalt  }
0x4b: {  	_ =	shalt  }
0x4c: {  	_ =	shalt  }
0x4d: {  	_ =	shalt  }
0x4e: {  	_ =	shalt  }
0x4f: {  	_ =	shalt  }
0x50: {  	_ =	shalt  }
0x51: {  	_ =	shalt  }
0x52: {  	_ =	shalt  }
0x53: {  	_ =	shalt  }
0x54: {  	_ =	shalt  }
0x55: {  	_ =	shalt  }
0x56: {  	_ =	shalt  }
0x57: {  	_ =	shalt  }
0x58: {  	_ =	shalt  }
0x59: {  	_ =	shalt  }
0x5a: {  	_ =	shalt  }
0x5b: {  	_ =	shalt  }
0x5c: {  	_ =	shalt  }
0x5d: {  	_ =	shalt  }
0x5e: {  	_ =	shalt  }
0x5f: {  	_ =	shalt  }
0x60: {  	_ =	shalt  }
0x61: {  	_ =	shalt  }
0x62: {  	_ =	shalt  }
0x63: {  	_ =	shalt  }
0x64: {  	_ =	shalt  }
0x65: {  	_ =	shalt  }
0x66: {  	_ =	shalt  }
0x67: {  	_ =	shalt  }
0x68: {  	_ =	shalt  }
0x69: {  	_ =	shalt  }
0x6a: {  	_ =	shalt  }
0x6b: {  	_ =	shalt  }
0x6c: {  	_ =	shalt  }
0x6d: {  	_ =	shalt  }
0x6e: {  	_ =	shalt  }
0x6f: {  	_ =	shalt  }
0x70: {  	_ =	shalt  }
0x71: {  	_ =	shalt  }
0x72: {  	_ =	shalt  }
0x73: {  	_ =	shalt  }
0x74: {  	_ =	shalt  }
0x75: {  	_ =	shalt  }
0x76: {  	_ =	shalt  }
0x77: {  	_ =	shalt  }
0x78: {  	_ =	shalt  }
0x79: {  	_ =	shalt  }
0x7a: {  	_ =	shalt  }
0x7b: {  	_ =	shalt  }
0x7c: {  	_ =	shalt  }
0x7d: {  	_ =	shalt  }
0x7e: {  	_ =	shalt  }
0x7f: {  	_ =	shalt  }
0x80: {  	_ =	shalt  }
0x81: {  	_ =	shalt  }
0x82: {  	_ =	shalt  }
0x83: {  	_ =	shalt  }
0x84: {  	_ =	shalt  }
0x85: {  	_ =	shalt  }
0x86: {  	_ =	shalt  }
0x87: {  	_ =	shalt  }
.Lfunc_end0:
.L_simem_size_0:
called_computation_lowered:
.L_overlay_start_0:
0x88: {  	s2 =	sld [smem:$0x3FD9]  }
0x89: {  	s3 =	sld [smem:$0x3FFE];
	_ =	sdelay $0x1  }
0x8a: {  	s1 =	srdreg.scid  }
0x8b: {  	s0 =	sand.u32 $0x1, s1  }
0x8c: {  	s16 =	sshll.u32 s0, $0xA;
	s2 =	sadd.s32 s3, s2  }
0x8d: {  	s2 =	sadd.s32 s2, s16  }
0x8e: {  	[smem:$0x3FC1] =	sst s2  }
0x8f: {  	_ = 	snop  }
0x90: {  	(tm) =	ssettm $0x1  }
0x91: {  	s17 =	sld [smem:$0x3FFB];
	_ =	sdelay $0x3  }
0x92: {  	_ =	strace s17  }
0x93: {  	s2 =	sld [smem:$0x3FFC];
	_ =	sdelay $0x3  }
0x94: {  	_ =	strace s2  }
0x95: {  	s2 =	sld [smem:$0x3FFD];
	_ =	sdelay $0x3  }
0x96: {  	_ =	strace s2  }
0x97: {  	_ =	strace $0x8FFFFFFF  }
0x98: {  	s18 =	sld [smem:$0x3FDB];
	_ =	sdelay $0x1  }
0x99: {  	s19 =	simm.s32 $_scs_section_size  }
0x9a: {  	s4 =	simm.s32 $_size__tile_overlayer_lowered;
	s5 =	simm.s32 $_tile_overlayer_lowered  }
0x9b: {  	s22 =	simm.s32 $0x1BFF;
	s21 =	sshll.u32 s5, $0x1;
	s2 =	sadd.s32 s19, s18  }
0x9c: {  	s6 =	simm.s32 $0x0;
	s20 =	sshll.u32 s4, $0x1;
	s4 =	sadd.s32 s21, s2  }
0x9d: {  	[timem:s6], [sflag:s22] =	dma.local [hbm:s4], s20  }
0x9e: {  	_ =	swait.ge [sflag:s22], s20  }
0x9f: {  	s3 =	ssub.s32 $0x0, s20;
	[sflag:s22] =	ssyncset.done $0x0  }
0xa0: {  	[sflag:s22] =	ssyncadd.s32 s3;
	_ =	sdelay $0x1  }
0xa1: {  	s23 =	simm.s32 $0x1B8B  }
0xa2: {  	_ =	swait.ge [sflag:s23], $0x1  }
0xa3: {  	[sflag:s23] =	ssyncset.done $0x0  }
0xa4: {  	s25 =	simm.s32 $0x1B8E;
	s24 =	sld [smem:$0x3FFE];
	[sflag:s23] =	ssyncadd.s32 $0xFFFFFFFF  }
0xa5: {  	s26 =	simm.s32 $execute0_lowered;
	[smem:$0x3FD2] =	sst s25  }
0xa6: {  	s4 =	sshll.u32 s26, $0x1;
	_ =	strace $0x80000046;
	[dreg:$0x1] =	wrdreg $0xFFFFFFFF  }
0xa7: {  	s28 =	simm.s32 $_size_execute0_lowered;
	s2 =	sadd.s32 s2, s4;
	[dreg:$0x0] =	wrdreg $0x0  }
0xa8: {  	s4 =	sshll.u32 s28, $0x1;
	[dreg:$0x2] =	wrdreg s2  }
0xa9: {  	[dreg:$0x3] =	wrdreg s4  }
0xaa: {  	[dreg:$0x4] =	wrdreg $0xC0  }
0xab: {  	_ =	task [dreg:s6], $0x5FFFF  }
0xac: {  	[dreg:$0x1] =	wrdreg $0xFFFFFFFF  }
0xad: {  	[dreg:$0x0] =	wrdreg $0x60  }
0xae: {  	[dreg:$0x2] =	wrdreg s24  }
0xaf: {  	[dreg:$0x3] =	wrdreg $0x50000  }
0xb0: {  	[dreg:$0x4] =	wrdreg $0x9  }
0xb1: {  	_ =	task.clear_ibuf [dreg:s6], $0x5FFFF;
	_ =	strace $0x90000046  }
0xb2: {  	s29 =	simm.s32 $0x9;
	_ =	strace $0x80000048  }
0xb3: {  	_ =	swait.ge [sflag:s29], $0x1  }
0xb4: {  	[sflag:s29] =	ssyncadd.s32 $0xFFFFFFFF  }
0xb5: {  	_ =	strace $0x90000048  }
0xb6: {  	_ =	sfence  }
0xb7: {  	s30 =	sld [smem:$0x0];
	_ =	sdelay $0x2  }
0xb8: {  	s31 =	sshll.u32 s1, $0xD;
	s1 =	sshrl.u32 s1, $0x2  }
0xb9: {  	s3 =	sand.u32 $0x4000, s31;
	s1 =	sadd.s32 s1, s30  }
0xba: {  	s0 =	sor.u32 s3, s0;
	s1 =	sshll.u32 s1, $0x11  }
0xbb: {  	s0 =	sor.u32 s1, s0  }
0xbc: {  	s0 =	sadd.s32 $0x8F2B, s0  }
0xbd: {  	[sflag:s0] =	ssyncadd.remote.s32 $0x1  }
0xbe: {  	_ =	sfence.sel $0xFFFF  }
0xbf: {  	[dreg:$0x0] =	wrdreg $0xFFFFFFFF;
	(pc) =	sbr.abs _section_cstart, $3  }
0xc0: {  	[dreg:$0x1] =	wrdreg $0xFFFFFFFF  }
0xc1: {  	_ =	task.clear_ibuf [dreg:s6], $0x2FFFF;
	_ =	strace $0x9FFFFFFF  }
0xc2: {  	(tm) =	ssettm $0x7FFFFFFF  }
0xc3: {  	_ =	shalt  }
tec
execute0_lowered:
.L_overlay_start_1:
0x0: {  	(tag) =	ssettag $0x1  }
0x1: {  	s0 =	srdreg.scid;
	s1 =	rddreg [dreg:$0x0]  }
0x2: {  	s7 =	stileid.u32;
	s2 =	rddreg [dreg:$0x1];
	s28 =	simm.s32 $0x3400  }
0x3: {  	s29 =	simm.s32 $0x1;
	s30 =	simm.s32 $0x64;
	s5 =	smul.u32 $0x14000, s7  }
0x4: {  	s0 =	sand.u32 $0x1, s0;
	s3 =	sshll.u32 s7, $0x1;
	s22 =	smul.u32 $0x50000, s7  }
0x5: {  	s31 =	simm.s32 $0x0;
	s4 =	smul.u32 $0x140000, s0;
	s6 =	sor.u32 s0, s3  }
0x6: {  	s3 =	simm.s32 $0x0;
	s0 =	ssub.s32 $0x2, s0;
	s21 =	smul.u32 $0x1C00, s6  }
0x7: {  	[smem:$0x7FF] =	sst s3;
	s25 =	sshrl.u32 s22, $0x2;
	s4 =	sadd.s32 s5, s4  }
0x8: {  	s26 =	sshrl.u32 s0, $0x1;
	_ =	strace $0x80000047;
	s4 =	sshrl.u32 s4, $0x3  }
0x9: {  	s0 =	ssub.s32 s0, s26;
	s23 =	sshrl.u32 s21, $0x3;
	s24 =	sadd.s32 s4, s1  }
0xa: {  	s1 =	sadd.s32 s1, s23;
	s4 =	sadd.s32 s25, s2;
	s25 =	smax.u32 s0, $0x1  }
0xb: {  	s5 =	sadd.s32 $0x9800, s1;
	s6 =	sadd.s32 $0x1000, s4;
	s7 =	sadd.s32 $0x2000, s4  }
0xc: {  	s8 =	sadd.s32 $0x3000, s4;
	s9 =	sadd.s32 $0x4000, s4;
	s10 =	sadd.s32 $0x5000, s4  }
0xd: {  	s11 =	sadd.s32 $0x6000, s4;
	s12 =	sadd.s32 $0x7000, s4;
	s13 =	sadd.s32 $0x8000, s4  }
0xe: {  	s14 =	sadd.s32 $0x9000, s4;
	s15 =	sadd.s32 $0xA000, s4;
	s16 =	sadd.s32 $0xB000, s4  }
0xf: {  	s17 =	sadd.s32 $0xC000, s4;
	s18 =	sadd.s32 $0xD000, s4;
	s19 =	sadd.s32 $0xE000, s4  }
0x10: {  	s20 =	sadd.s32 $0xF000, s4;
	s21 =	sadd.s32 $0x10000, s4;
	s22 =	sadd.s32 $0x11000, s4  }
0x11: {  	v0 =	vimm.f32 $0.0e+00;
	v1 =	vimm.f32 $1.000000000e+00;
	s23 =	sadd.s32 $0x12000, s4;
	s24 =	sadd.s32 $0x10800, s24;
	s26 =	sadd.s32 $0x13000, s4  }
.LBB2_1:
0x12: {  	s1 =	simm.s32 $0x200;
	s0 =	simm.s32 $0x0  }
.LBB2_2:
0x13: {  	p0 =	sne.s32 s1, $0xC600;
	[tilespmem:s0+$0x0] =	vst v0;
	s0 =	smov.u32 s1;
	s1 =	sadd.s32 $0x200, s1  }
.Ltmp0:
0x14: {  	(pc) =	sbr.rel @p0 .LBB2_2-.Ltmp0, $2  }
0x15: {  	_ =	sdelay $0x2  }
0x16: {  	s0 =	sshra.s32 s0, $0x2  }
0x17: {  	[tilespmem:s0+$0x0] =	vst v0;
	s1 =	simm.s32 $0x0  }
0x18: {  	[tilespmem:s28], [sflag:$0x1] =	stream.linear.gather [hbm4b:s5+s1], $0x1900, $0x38;
	[tilespmem:$0x7800] =	vst v63  }
0x19: {  	_ =	swait.ge [sflag:s29], $0x1900  }
0x1a: {  	[sflag:s29] =	ssyncset.done $0x0  }
0x1b: {  	[sflag:s29] =	ssyncadd.s32 $0xFFFFE700  }
0x1c: {  	[spmem:s4] =	stream.linear.scatter [tilespmem:s1], [sflag:$0x1], $0x1000, $0x38;
	[tilespmem:$0x7800] =	vst v63  }
0x1d: {  	_ =	swait.ge [sflag:s29], $0x1000  }
0x1e: {  	[sflag:s29] =	ssyncset.done $0x0  }
0x1f: {  	[sflag:s29] =	ssyncadd.s32 $0xFFFFF000  }
0x20: {  	[spmem:s6] =	stream.linear.scatter [tilespmem:s1], [sflag:$0x1], $0x1000, $0x38;
	[tilespmem:$0x7800] =	vst v63  }
0x21: {  	_ =	swait.ge [sflag:s29], $0x1000  }
0x22: {  	[sflag:s29] =	ssyncset.done $0x0  }
0x23: {  	[sflag:s29] =	ssyncadd.s32 $0xFFFFF000  }
0x24: {  	[spmem:s7] =	stream.linear.scatter [tilespmem:s1], [sflag:$0x1], $0x1000, $0x38;
	[tilespmem:$0x7800] =	vst v63  }
0x25: {  	_ =	swait.ge [sflag:s29], $0x1000  }
0x26: {  	[sflag:s29] =	ssyncset.done $0x0  }
0x27: {  	[sflag:s29] =	ssyncadd.s32 $0xFFFFF000  }
0x28: {  	[spmem:s8] =	stream.linear.scatter [tilespmem:s1], [sflag:$0x1], $0x1000, $0x38;
	[tilespmem:$0x7800] =	vst v63  }
0x29: {  	_ =	swait.ge [sflag:s29], $0x1000  }
0x2a: {  	[sflag:s29] =	ssyncset.done $0x0  }
0x2b: {  	[sflag:s29] =	ssyncadd.s32 $0xFFFFF000  }
0x2c: {  	[spmem:s9] =	stream.linear.scatter [tilespmem:s1], [sflag:$0x1], $0x1000, $0x38;
	[tilespmem:$0x7800] =	vst v63  }
0x2d: {  	_ =	swait.ge [sflag:s29], $0x1000  }
0x2e: {  	[sflag:s29] =	ssyncset.done $0x0  }
0x2f: {  	[sflag:s29] =	ssyncadd.s32 $0xFFFFF000  }
0x30: {  	[spmem:s10] =	stream.linear.scatter [tilespmem:s1], [sflag:$0x1], $0x1000, $0x38;
	[tilespmem:$0x7800] =	vst v63  }
0x31: {  	_ =	swait.ge [sflag:s29], $0x1000  }
0x32: {  	[sflag:s29] =	ssyncset.done $0x0  }
0x33: {  	[sflag:s29] =	ssyncadd.s32 $0xFFFFF000  }
0x34: {  	[spmem:s11] =	stream.linear.scatter [tilespmem:s1], [sflag:$0x1], $0x1000, $0x38;
	[tilespmem:$0x7800] =	vst v63  }
0x35: {  	_ =	swait.ge [sflag:s29], $0x1000  }
0x36: {  	[sflag:s29] =	ssyncset.done $0x0  }
0x37: {  	[sflag:s29] =	ssyncadd.s32 $0xFFFFF000  }
0x38: {  	[spmem:s12] =	stream.linear.scatter [tilespmem:s1], [sflag:$0x1], $0x1000, $0x38;
	[tilespmem:$0x7800] =	vst v63  }
0x39: {  	_ =	swait.ge [sflag:s29], $0x1000  }
0x3a: {  	[sflag:s29] =	ssyncset.done $0x0  }
0x3b: {  	[sflag:s29] =	ssyncadd.s32 $0xFFFFF000  }
0x3c: {  	[spmem:s13] =	stream.linear.scatter [tilespmem:s1], [sflag:$0x1], $0x1000, $0x38;
	[tilespmem:$0x7800] =	vst v63  }
0x3d: {  	_ =	swait.ge [sflag:s29], $0x1000  }
0x3e: {  	[sflag:s29] =	ssyncset.done $0x0  }
0x3f: {  	[sflag:s29] =	ssyncadd.s32 $0xFFFFF000  }
0x40: {  	[spmem:s14] =	stream.linear.scatter [tilespmem:s1], [sflag:$0x1], $0x1000, $0x38;
	[tilespmem:$0x7800] =	vst v63  }
0x41: {  	_ =	swait.ge [sflag:s29], $0x1000  }
0x42: {  	[sflag:s29] =	ssyncset.done $0x0  }
0x43: {  	[sflag:s29] =	ssyncadd.s32 $0xFFFFF000  }
0x44: {  	[spmem:s15] =	stream.linear.scatter [tilespmem:s1], [sflag:$0x1], $0x1000, $0x38;
	[tilespmem:$0x7800] =	vst v63  }
0x45: {  	_ =	swait.ge [sflag:s29], $0x1000  }
0x46: {  	[sflag:s29] =	ssyncset.done $0x0  }
0x47: {  	[sflag:s29] =	ssyncadd.s32 $0xFFFFF000  }
0x48: {  	[spmem:s16] =	stream.linear.scatter [tilespmem:s1], [sflag:$0x1], $0x1000, $0x38;
	[tilespmem:$0x7800] =	vst v63  }
0x49: {  	_ =	swait.ge [sflag:s29], $0x1000  }
0x4a: {  	[sflag:s29] =	ssyncset.done $0x0  }
0x4b: {  	[sflag:s29] =	ssyncadd.s32 $0xFFFFF000  }
0x4c: {  	[spmem:s17] =	stream.linear.scatter [tilespmem:s1], [sflag:$0x1], $0x1000, $0x38;
	[tilespmem:$0x7800] =	vst v63  }
0x4d: {  	_ =	swait.ge [sflag:s29], $0x1000  }
0x4e: {  	[sflag:s29] =	ssyncset.done $0x0  }
0x4f: {  	[sflag:s29] =	ssyncadd.s32 $0xFFFFF000  }
0x50: {  	[spmem:s18] =	stream.linear.scatter [tilespmem:s1], [sflag:$0x1], $0x1000, $0x38;
	[tilespmem:$0x7800] =	vst v63  }
0x51: {  	_ =	swait.ge [sflag:s29], $0x1000  }
0x52: {  	[sflag:s29] =	ssyncset.done $0x0  }
0x53: {  	[sflag:s29] =	ssyncadd.s32 $0xFFFFF000  }
0x54: {  	[spmem:s19] =	stream.linear.scatter [tilespmem:s1], [sflag:$0x1], $0x1000, $0x38;
	[tilespmem:$0x7800] =	vst v63  }
0x55: {  	_ =	swait.ge [sflag:s29], $0x1000  }
0x56: {  	[sflag:s29] =	ssyncset.done $0x0  }
0x57: {  	[sflag:s29] =	ssyncadd.s32 $0xFFFFF000  }
0x58: {  	[spmem:s20] =	stream.linear.scatter [tilespmem:s1], [sflag:$0x1], $0x1000, $0x38;
	[tilespmem:$0x7800] =	vst v63  }
0x59: {  	_ =	swait.ge [sflag:s29], $0x1000  }
0x5a: {  	[sflag:s29] =	ssyncset.done $0x0  }
0x5b: {  	[sflag:s29] =	ssyncadd.s32 $0xFFFFF000  }
0x5c: {  	[spmem:s21] =	stream.linear.scatter [tilespmem:s1], [sflag:$0x1], $0x1000, $0x38;
	[tilespmem:$0x7800] =	vst v63  }
0x5d: {  	_ =	swait.ge [sflag:s29], $0x1000  }
0x5e: {  	[sflag:s29] =	ssyncset.done $0x0  }
0x5f: {  	[sflag:s29] =	ssyncadd.s32 $0xFFFFF000  }
0x60: {  	[spmem:s22] =	stream.linear.scatter [tilespmem:s1], [sflag:$0x1], $0x1000, $0x38;
	[tilespmem:$0x7800] =	vst v63  }
0x61: {  	_ =	swait.ge [sflag:s29], $0x1000  }
0x62: {  	[sflag:s29] =	ssyncset.done $0x0  }
0x63: {  	[sflag:s29] =	ssyncadd.s32 $0xFFFFF000  }
0x64: {  	[spmem:s23] =	stream.linear.scatter [tilespmem:s1], [sflag:$0x1], $0x1000, $0x38;
	[tilespmem:$0x7800] =	vst v63  }
0x65: {  	_ =	swait.ge [sflag:s29], $0x1000  }
0x66: {  	[sflag:s29] =	ssyncset.done $0x0  }
0x67: {  	[sflag:s29] =	ssyncadd.s32 $0xFFFFF000  }
0x68: {  	[spmem:s26] =	stream.linear.scatter [tilespmem:s1], [sflag:$0x1], $0x1000, $0x38;
	[tilespmem:$0x7800] =	vst v63  }
0x69: {  	_ =	swait.ge [sflag:s29], $0x1000  }
0x6a: {  	[sflag:s29] =	ssyncset.done $0x0  }
0x6b: {  	s0 =	simm.s32 $0x0;
	s1 =	simm.s32 $0x200;
	[sflag:s29] =	ssyncadd.s32 $0xFFFFF000  }
.LBB2_4:
0x6c: {  	p0 =	sne.s32 s1, $0xC600;
	[tilespmem:s0+$0x0] =	vst v1;
	s0 =	smov.u32 s1;
	s1 =	sadd.s32 $0x200, s1  }
.Ltmp1:
0x6d: {  	(pc) =	sbr.rel @p0 .LBB2_4-.Ltmp1, $2  }
0x6e: {  	_ =	sdelay $0x2  }
0x6f: {  	s0 =	sshra.s32 s0, $0x2  }
0x70: {  	[tilespmem:s0+$0x0] =	vst v1  }
0x71: {  	s1 =	simm.s32 $0x3400;
	[bflag:$0x0] =	sbarrier.arrive $0xFFFF  }
0x72: {  	[spmem:s2] =	stream.indirect.scatter.add.f32 [tilespmem:s3], [sflag:$0x1], $0x10, s1, s30, $0xb8;
	[tilespmem:$0x7800] =	vst v63  }
0x73: {  	s1 =	simm.s32 $0x200;
	_ =	swait.ge [sflag:s29], $0x640  }
.LBB2_6:
0x74: {  	s0 =	sshra.s32 s1, $0x2;
	[sflag:s29] =	ssyncset.done $0x0;
	p0 =	sne.s32 s1, $0x6200  }
.Ltmp2:
0x75: {  	s0 =	sadd.s32 $0x3400, s0;
	[sflag:s29] =	ssyncadd.s32 $0xFFFFF9C0;
	(pc) =	sbr.rel @p0 .LBB2_6-.Ltmp2, $3  }
0x76: {  	[spmem:s2] =	stream.indirect.scatter.add.f32 [tilespmem:s3], [sflag:$0x1], $0x10, s0, s30, $0xb8;
	[tilespmem:$0x7800] =	vst v63  }
0x77: {  	s1 =	sadd.s32 $0x200, s1;
	_ =	sdelay $0x1  }
0x78: {  	_ =	swait.ge [sflag:s29], $0x640  }
0x79: {  	[sflag:s29] =	ssyncset.done $0x0  }
0x7a: {  	s0 =	stileid.u32;
	s1 =	sshrl.u32 s4, $0x3;
	s31 =	sadd.s32 $0x1, s31  }
0x7b: {  	[sflag:s29] =	ssyncadd.s32 $0xFFFFF9C0;
	s0 =	sshll.u32 s0, $0x6;
	p0 =	sne.s32 s31, s25  }
.Ltmp3:
0x7c: {  	[bflag:$0x0] =	sbarrier.arrive $0xFFFF;
	s0 =	sor.u32 $0x1C01, s0;
	(pc) =	sbr.rel @p0 .LBB2_1-.Ltmp3, $4  }
0x7d: {  	[hbm:s24], [sflag:s0] =	dma.local [spmem:s1], $0x2800  }
0x7e: {  	_ =	swait.ge [sflag:s29], $0x2800  }
0x7f: {  	[sflag:s29] =	ssyncset.done $0x0  }
0x80: {  	[sflag:s29] =	ssyncadd.s32 $0xFFFFD800  }
0x81: {  	_ =	sfence.sel $0x180000  }
0x82: {  	[bflag:$0x0] =	sbarrier.arrive $0xFFFF  }
0x83: {  	_ =	strace $0x90000047  }
0x84: {  	s0 =	stileid.u32;
	[bflag:$0x2] =	sbarrier.arrive $0xFFFF  }
0x85: {  	p0 =	sne.s32 s0, $0x0;
	s0 =	rddreg [dreg:$0x2]  }
0x86: {  	s0 =	sadd.s32 @!p0 $0x100000, s0  }
0x87: {  	[sflag:s0] =	ssyncadd.tile.s32 @!p0 $0x1;
	_ =	shalt  }
.Lfunc_end2:
_tile_overlayer_lowered:
.L_overlay_start_2:
0x88: {  	(tag) =	ssettag $0x2  }
0x89: {  	s0 =	rddreg [dreg:$0x0];
	s2 =	stileid.u32  }
0x8a: {  	s1 =	rddreg [dreg:$0x1];
	p0 =	sne.s32 s2, $0x0  }
0x8b: {  	s3 =	rddreg [dreg:$0x2];
	[bflag:$0x3] =	sbarrier.arrive $0xFFFF;
	s2 =	simm.s32 @!p0 $0x1C01  }
0x8c: {  	[timem:s3], [sflag:s2] =	dma.local @!p0 [hbm:s0], s1  }
0x8d: {  	s0 =	simm.s32 @!p0 $0x1  }
0x8e: {  	_ =	swait.ge @!p0 [sflag:s0], s1  }
0x8f: {  	s1 =	ssub.s32 @!p0 $0x0, s1;
	[sflag:s0] =	ssyncset.done @!p0 $0x0  }
0x90: {  	[sflag:s0] =	ssyncadd.s32 @!p0 s1  }
0x91: {  	[bflag:$0x3] =	sbarrier.arrive $0xFFFF  }
0x92: {  	_ =	shalt  }

// kernel: kernel.9.cloned.1.call-start
scs
__scs_entry_jumppad:
0x0: {  	(pc) =	sbr.rel $0x88, $3  }
0x1: {  	(tag) =	ssettag $0x0;
	lr =	simm.s32 $0x1  }
0x2: {  	[smem:$0x3F9A] =	sst lr;
	_ =	strace $0xD0000000  }
0x3: {  	_ = 	snop  }
0x4: {  	_ = 	snop  }
0x5: {  	_ = 	snop  }
0x6: {  	_ = 	snop  }
0x7: {  	_ = 	snop  }
__scs_overlays_trampoline_lowered:
0x8: {  	[smem:$0x3FA9] =	sst s0  }
0x9: {  	[smem:$0x3FAA] =	sst s1  }
0xa: {  	[smem:$0x3FAB] =	sst s2  }
0xb: {  	[smem:$0x3FAC] =	sst s3  }
0xc: {  	[smem:$0x3FAD] =	sst s4  }
0xd: {  	[smem:$0x3FAE] =	sst s5  }
0xe: {  	[smem:$0x3FAF] =	sst s6  }
0xf: {  	[smem:$0x3FB0] =	sst s7  }
0x10: {  	[smem:$0x3FB1] =	sst s8  }
0x11: {  	[smem:$0x3FB2] =	sst s9;
	s0 =	simm.s32 @!p0 $0x0  }
0x12: {  	s1 =	sld [smem:$0x3F98];
	s0 =	simm.s32 @p0 $0x1  }
0x13: {  	[smem:$0x3FB3] =	sst s0;
	s0 =	simm.s32 @!p1 $0x0  }
0x14: {  	s2 =	sld [smem:$0x3F97];
	s0 =	simm.s32 @p1 $0x1  }
0x15: {  	[smem:$0x3FB4] =	sst s0;
	s0 =	simm.s32 @!p2 $0x0  }
0x16: {  	s3 =	sld [smem:$0x3FDB];
	s0 =	simm.s32 @p2 $0x1  }
0x17: {  	s4 =	simm.s32 $0x1BF5;
	[smem:$0x3FB6] =	sst s0  }
0x18: {  	s0 =	sld [smem:$0x3F99];
	_ =	swait.ge [sflag:s4], $0x0  }
0x19: {  	s7 =	sld [smem:$0x3F9A]  }
0x1a: {  	s8 =	sadd.s32 $0xFFFFE003, lr  }
0x1b: {  	s9 =	sadd.s32 $0xFFFFFEF7, lr;
	s5 =	simm.s32 $0xFFFFFFFF;
	p2 =	slt.u32 s8, $0xFFFFF086  }
0x1c: {  	p1 =	slt.u32 s9, $0xF7A;
	s5 =	simm.s32 @!p2 $0x0  }
0x1d: {  	s5 =	simm.s32 @p1 $0x1;
	p0 =	seq.s32 s7, s2  }
0x1e: {  	s7 =	smul.u32 @!p0 $0xF7A, s2;
	p2 =	seq.s32 @!p0 s5, $0x0  }
0x1f: {  	s9 =	smul.u32 $0xF7A, s1;
	s8 =	simm.s32 @!p0 $0x1BF5;
	p2 =	por !p2, p0  }
0x20: {  	[sflag:s8] =	ssyncset.s32 @!p0 $0xFFFFF086;
	s6 =	sadd.s32 @!p0 s3, s7;
	s7 =	simm.s32 @!p0 $0x108  }
0x21: {  	s3 =	sadd.s32 s3, s9;
	s6 =	sadd.s32 @!p0 $0x88, s6;
	s7 =	simm.s32 @p2 $0x1082  }
0x22: {  	[simem:s7], [sflag:s8] =	dma.local @!p0 [hbm:s6], $0xF7A  }
0x23: {  	s9 =	sor.u32 $0xD0000000, s2;
	s6 =	simm.s32 $0x108;
	_ =	swait.ge @!p0 [sflag:s8], $0x0  }
0x24: {  	s3 =	sadd.s32 $0x88, s3;
	s6 =	simm.s32 @!p1 $0x1082;
	[sflag:s4] =	ssyncset.s32 $0xFFFFF086  }
0x25: {  	[simem:s6], [sflag:s4] =	dma.local [hbm:s3], $0xF7A  }
0x26: {  	[smem:$0x3F9A] =	sst s1;
	(tag) =	ssettag s2;
	_ =	strace s9  }
0x27: {  	s1 =	sld [smem:$0x3FAA]  }
0x28: {  	s2 =	sld [smem:$0x3FAB]  }
0x29: {  	s4 =	sld [smem:$0x3FAD]  }
0x2a: {  	p0 =	seq.s32 s5, $0x0;
	s5 =	sld [smem:$0x3FAE]  }
0x2b: {  	s6 =	sld [smem:$0x3FAF]  }
0x2c: {  	s7 =	sld [smem:$0x3FB0]  }
0x2d: {  	s3 =	simm.s32 $0x108;
	s8 =	sld [smem:$0x3FB1]  }
0x2e: {  	s3 =	simm.s32 @!p0 $0x1082;
	s9 =	sld [smem:$0x3FB2]  }
0x2f: {  	lr =	sadd.s32 s0, s3;
	s0 =	sld [smem:$0x3FA9]  }
0x30: {  	s3 =	sld [smem:$0x3FAC]  }
0x31: {  	[smem:$0x3FB5] =	sst s10  }
0x32: {  	s10 =	sld [smem:$0x3FB3];
	_ =	sdelay $0x3  }
0x33: {  	p0 =	seq.s32 s10, $0x1;
	s10 =	sld [smem:$0x3FB5];
	_ =	sdelay $0x3  }
0x34: {  	[smem:$0x3FB5] =	sst s10  }
0x35: {  	s10 =	sld [smem:$0x3FB4];
	_ =	sdelay $0x3  }
0x36: {  	p1 =	seq.s32 s10, $0x1;
	s10 =	sld [smem:$0x3FB5];
	_ =	sdelay $0x3  }
0x37: {  	[smem:$0x3FB5] =	sst s10  }
0x38: {  	s10 =	sld [smem:$0x3FB6]  }
0x39: {  	_ = 	snop;
	(pc) =	sbr.ind lr, $3  }
0x3a: {  	_ = 	snop  }
0x3b: {  	_ = 	snop  }
0x3c: {  	p2 =	seq.s32 s10, $0x1;
	s10 =	sld [smem:$0x3FB5]  }
0x3d: {  	_ =	shalt  }
0x3e: {  	_ =	shalt  }
0x3f: {  	_ =	shalt  }
0x40: {  	_ =	shalt  }
0x41: {  	_ =	shalt  }
0x42: {  	_ =	shalt  }
0x43: {  	_ =	shalt  }
0x44: {  	_ =	shalt  }
0x45: {  	_ =	shalt  }
0x46: {  	_ =	shalt  }
0x47: {  	_ =	shalt  }
0x48: {  	_ =	shalt  }
0x49: {  	_ =	shalt  }
0x4a: {  	_ =	shalt  }
0x4b: {  	_ =	shalt  }
0x4c: {  	_ =	shalt  }
0x4d: {  	_ =	shalt  }
0x4e: {  	_ =	shalt  }
0x4f: {  	_ =	shalt  }
0x50: {  	_ =	shalt  }
0x51: {  	_ =	shalt  }
0x52: {  	_ =	shalt  }
0x53: {  	_ =	shalt  }
0x54: {  	_ =	shalt  }
0x55: {  	_ =	shalt  }
0x56: {  	_ =	shalt  }
0x57: {  	_ =	shalt  }
0x58: {  	_ =	shalt  }
0x59: {  	_ =	shalt  }
0x5a: {  	_ =	shalt  }
0x5b: {  	_ =	shalt  }
0x5c: {  	_ =	shalt  }
0x5d: {  	_ =	shalt  }
0x5e: {  	_ =	shalt  }
0x5f: {  	_ =	shalt  }
0x60: {  	_ =	shalt  }
0x61: {  	_ =	shalt  }
0x62: {  	_ =	shalt  }
0x63: {  	_ =	shalt  }
0x64: {  	_ =	shalt  }
0x65: {  	_ =	shalt  }
0x66: {  	_ =	shalt  }
0x67: {  	_ =	shalt  }
0x68: {  	_ =	shalt  }
0x69: {  	_ =	shalt  }
0x6a: {  	_ =	shalt  }
0x6b: {  	_ =	shalt  }
0x6c: {  	_ =	shalt  }
0x6d: {  	_ =	shalt  }
0x6e: {  	_ =	shalt  }
0x6f: {  	_ =	shalt  }
0x70: {  	_ =	shalt  }
0x71: {  	_ =	shalt  }
0x72: {  	_ =	shalt  }
0x73: {  	_ =	shalt  }
0x74: {  	_ =	shalt  }
0x75: {  	_ =	shalt  }
0x76: {  	_ =	shalt  }
0x77: {  	_ =	shalt  }
0x78: {  	_ =	shalt  }
0x79: {  	_ =	shalt  }
0x7a: {  	_ =	shalt  }
0x7b: {  	_ =	shalt  }
0x7c: {  	_ =	shalt  }
0x7d: {  	_ =	shalt  }
0x7e: {  	_ =	shalt  }
0x7f: {  	_ =	shalt  }
0x80: {  	_ =	shalt  }
0x81: {  	_ =	shalt  }
0x82: {  	_ =	shalt  }
0x83: {  	_ =	shalt  }
0x84: {  	_ =	shalt  }
0x85: {  	_ =	shalt  }
0x86: {  	_ =	shalt  }
0x87: {  	_ =	shalt  }
.Lfunc_end0:
.L_simem_size_0:
called_computation.1_lowered:
.L_overlay_start_0:
0x88: {  	s2 =	sld [smem:$0x3FD9]  }
0x89: {  	s3 =	sld [smem:$0x3FFE];
	_ =	sdelay $0x1  }
0x8a: {  	s1 =	srdreg.scid  }
0x8b: {  	s0 =	sand.u32 $0x1, s1  }
0x8c: {  	s17 =	sshll.u32 s0, $0xA;
	s2 =	sadd.s32 s3, s2  }
0x8d: {  	s2 =	sadd.s32 s2, s17  }
0x8e: {  	[smem:$0x3FC1] =	sst s2  }
0x8f: {  	_ = 	snop  }
0x90: {  	s2 =	sld [smem:$0x3FD0];
	(tm) =	ssettm $0x1  }
0x91: {  	s18 =	sld [smem:$0x3FFB];
	_ =	sdelay $0x3  }
0x92: {  	_ =	strace s18  }
0x93: {  	s3 =	sld [smem:$0x3FFC];
	_ =	sdelay $0x3  }
0x94: {  	_ =	strace s3  }
0x95: {  	s3 =	sld [smem:$0x3FFD];
	_ =	sdelay $0x3  }
0x96: {  	_ =	strace s3  }
0x97: {  	_ =	strace $0x8FFFFFFF  }
0x98: {  	s19 =	sld [smem:$0x3FDB];
	_ =	sdelay $0x1  }
0x99: {  	s4 =	simm.s32 $_scs_section_size  }
0x9a: {  	s5 =	simm.s32 $_size__tile_overlayer_lowered;
	s6 =	simm.s32 $_tile_overlayer_lowered  }
0x9b: {  	s22 =	simm.s32 $0x1BFF;
	s21 =	sshll.u32 s6, $0x1;
	s3 =	sadd.s32 s4, s19  }
0x9c: {  	s7 =	simm.s32 $0x0;
	s20 =	sshll.u32 s5, $0x1;
	s5 =	sadd.s32 s21, s3  }
0x9d: {  	[timem:s7], [sflag:s22] =	dma.local [hbm:s5], s20  }
0x9e: {  	_ =	swait.ge [sflag:s22], s20  }
0x9f: {  	s4 =	ssub.s32 $0x0, s20;
	[sflag:s22] =	ssyncset.done $0x0  }
0xa0: {  	[sflag:s22] =	ssyncadd.s32 s4;
	_ =	sdelay $0x1  }
0xa1: {  	s23 =	simm.s32 $0x1B8B  }
0xa2: {  	_ =	swait.ge [sflag:s23], $0x1  }
0xa3: {  	[sflag:s23] =	ssyncset.done $0x0  }
0xa4: {  	s25 =	simm.s32 $0x1B8E;
	s24 =	sld [smem:$0x3FFE];
	[sflag:s23] =	ssyncadd.s32 $0xFFFFFFFF  }
0xa5: {  	s26 =	simm.s32 $execute0_lowered;
	[smem:$0x3FD2] =	sst s25  }
0xa6: {  	s5 =	sshll.u32 s26, $0x1;
	_ =	strace $0x80000049;
	[dreg:$0x1] =	wrdreg $0xFFFFFFFF  }
0xa7: {  	s28 =	simm.s32 $_size_execute0_lowered;
	s3 =	sadd.s32 s3, s5;
	[dreg:$0x0] =	wrdreg $0x0  }
0xa8: {  	s5 =	sshll.u32 s28, $0x1;
	[dreg:$0x2] =	wrdreg s3  }
0xa9: {  	[dreg:$0x3] =	wrdreg s5  }
0xaa: {  	[dreg:$0x4] =	wrdreg $0xC0  }
0xab: {  	_ =	task [dreg:s7], $0x5FFFF  }
0xac: {  	[dreg:$0x1] =	wrdreg $0xFFFFFFFF  }
0xad: {  	[dreg:$0x0] =	wrdreg $0x60  }
0xae: {  	[dreg:$0x2] =	wrdreg s2  }
0xaf: {  	[dreg:$0x3] =	wrdreg s24  }
0xb0: {  	[dreg:$0x4] =	wrdreg $0xA0000  }
0xb1: {  	[dreg:$0x5] =	wrdreg $0x9  }
0xb2: {  	_ =	task.clear_ibuf [dreg:s7], $0x6FFFF;
	_ =	strace $0x90000049  }
0xb3: {  	s29 =	simm.s32 $0x9;
	_ =	strace $0x8000004B  }
0xb4: {  	_ =	swait.ge [sflag:s29], $0x1  }
0xb5: {  	[sflag:s29] =	ssyncadd.s32 $0xFFFFFFFF  }
0xb6: {  	_ =	strace $0x9000004B  }
0xb7: {  	_ =	sfence  }
0xb8: {  	s30 =	sld [smem:$0x0];
	_ =	sdelay $0x2  }
0xb9: {  	s31 =	sshll.u32 s1, $0xD;
	s1 =	sshrl.u32 s1, $0x2  }
0xba: {  	s3 =	sand.u32 $0x4000, s31;
	s1 =	sadd.s32 s1, s30  }
0xbb: {  	s0 =	sor.u32 s3, s0;
	s1 =	sshll.u32 s1, $0x11  }
0xbc: {  	s0 =	sor.u32 s1, s0  }
0xbd: {  	s0 =	sadd.s32 $0x8F2B, s0  }
0xbe: {  	[sflag:s0] =	ssyncadd.remote.s32 $0x1  }
0xbf: {  	_ =	sfence.sel $0xFFFF  }
0xc0: {  	[dreg:$0x0] =	wrdreg $0xFFFFFFFF;
	(pc) =	sbr.abs _section_cstart, $3  }
0xc1: {  	[dreg:$0x1] =	wrdreg $0xFFFFFFFF  }
0xc2: {  	_ =	task.clear_ibuf [dreg:s7], $0x2FFFF;
	_ =	strace $0x9FFFFFFF  }
0xc3: {  	(tm) =	ssettm $0x7FFFFFFF  }
tec
execute0_lowered:
.L_overlay_start_1:
0x0: {  	(tag) =	ssettag $0x1  }
0x1: {  	s1 =	rddreg [dreg:$0x0]  }
0x2: {  	s9 =	stileid.u32;
	s0 =	srdreg.scid  }
0x3: {  	s2 =	rddreg [dreg:$0x1];
	s5 =	smul.u32 $0x3800, s9  }
0x4: {  	s3 =	rddreg [dreg:$0x2];
	s7 =	smul.u32 $0x14000, s9  }
0x5: {  	s4 =	simm.s32 $0x0;
	s0 =	sand.u32 $0x1, s0;
	s9 =	smul.u32 $0x50000, s9  }
0x6: {  	[smem:$0x7FF] =	sst s4;
	s6 =	smul.u32 $0x140000, s0  }
0x7: {  	s12 =	simm.s32 $0x2;
	s13 =	simm.s32 $0x1880;
	_ =	strace $0x8000004A  }
0x8: {  	s14 =	ssub.s32 $0x2, s0;
	s9 =	sshrl.u32 s9, $0x2;
	s6 =	sadd.s32 s7, s6  }
0x9: {  	p0 =	sne.s32 s0, $0x0;
	s10 =	sshrl.u32 s6, $0x3;
	s6 =	sadd.s32 s9, s3  }
0xa: {  	s0 =	simm.s32 $0x3800;
	s8 =	sshrl.u32 s5, $0x3;
	s9 =	sadd.s32 $0x1000, s6  }
0xb: {  	s5 =	sadd.s32 $0x60800, s2;
	s15 =	sadd.s32 $0x2000, s6;
	[dreg:$0x4] =	wrdreg s9  }
0xc: {  	s11 =	sshrl.u32 s14, $0x1;
	s16 =	sadd.s32 $0x3000, s6;
	[dreg:$0x5] =	wrdreg s15  }
0xd: {  	s8 =	sadd.s32 s8, s2;
	s17 =	sadd.s32 $0x4000, s6;
	[dreg:$0x6] =	wrdreg s16  }
0xe: {  	s7 =	ssub.s32 s14, s11;
	s18 =	sadd.s32 $0x5000, s6;
	[dreg:$0x7] =	wrdreg s17  }
0xf: {  	s11 =	simm.s32 $0x6C00;
	s19 =	sadd.s32 $0x6000, s6;
	[dreg:$0x8] =	wrdreg s18  }
0x10: {  	s14 =	simm.s32 $0x3400;
	s20 =	sadd.s32 $0x7000, s6;
	[dreg:$0x9] =	wrdreg s19  }
0x11: {  	s2 =	sadd.s32 s10, s2;
	s21 =	sadd.s32 $0x8000, s6;
	[dreg:$0xa] =	wrdreg s20  }
0x12: {  	s22 =	sadd.s32 $0x9000, s6;
	s23 =	sadd.s32 $0xA000, s6;
	[dreg:$0xb] =	wrdreg s21  }
0x13: {  	s24 =	sadd.s32 $0xB000, s6;
	s25 =	sadd.s32 $0xC000, s6;
	[dreg:$0xc] =	wrdreg s22  }
0x14: {  	s26 =	sadd.s32 $0xD000, s6;
	s28 =	sadd.s32 $0xF000, s6;
	[dreg:$0xd] =	wrdreg s23  }
0x15: {  	s29 =	sadd.s32 $0x10000, s6;
	s30 =	sadd.s32 $0x11000, s6;
	[dreg:$0xe] =	wrdreg s24  }
0x16: {  	s31 =	sadd.s32 $0x12000, s6;
	s10 =	simm.s32 $0x1;
	[dreg:$0xf] =	wrdreg s25  }
.Ltmp0:
0x17: {  	[dreg:$0x10] =	wrdreg s26;
	s20 =	sadd.s32 $0x2800, s8;
	(pc) =	sbr.rel .LBB2_1-.Ltmp0, $4  }
0x18: {  	s21 =	sadd.s32 $0x9800, s8;
	s22 =	sadd.s32 $0x2B80, s8;
	s23 =	sadd.s32 $0x9B80, s8  }
0x19: {  	s24 =	sadd.s32 $0x87A00, s2;
	s25 =	smax.u32 s7, $0x1;
	s26 =	sadd.s32 $0xE000, s6  }
0x1a: {  	s2 =	sadd.s32 $0x13000, s6;
	s7 =	simm.s32 $0x3;
	s8 =	simm.s32 $0x1C00  }
0x1b: {  	v0 =	vimm.f32 $0.0e+00;
	s9 =	simm.s32 $0x64;
	s15 =	simm.s32 $0x3480;
	s16 =	simm.s32 $0x0  }
.LBB2_16:
0x1c: {  	[sflag:s7] =	ssyncadd.s32 $0xFFFFCE00  }
0x1d: {  	_ =	swait.ge [sflag:s10], $0x3200  }
0x1e: {  	[sflag:s10] =	ssyncset.done $0x0  }
0x1f: {  	[sflag:s10] =	ssyncadd.s32 $0xFFFFCE00  }
0x20: {  	[tilespmem:s11], [sflag:$0x2] =	stream.indirect.gather [hbm4b:s5+s9], $0x80, s13, s9, $0xb8;
	[tilespmem:$0x1E000] =	vst v63  }
.LBB2_17:
0x21: {  	[spmem:s3] =	stream.indirect.scatter.add.f32 [tilespmem:s0], [sflag:$0x3], $0x80, s14, s9, $0xb8;
	[tilespmem:$0x1E000] =	vst v63  }
0x22: {  	_ =	swait.ge [sflag:s7], $0x3200  }
0x23: {  	[sflag:s7] =	ssyncset.done $0x0  }
0x24: {  	[sflag:s7] =	ssyncadd.s32 $0xFFFFCE00  }
0x25: {  	_ =	swait.ge [sflag:s12], $0x3200  }
0x26: {  	[sflag:s12] =	ssyncset.done $0x0  }
0x27: {  	[sflag:s12] =	ssyncadd.s32 $0xFFFFCE00  }
0x28: {  	[spmem:s3] =	stream.indirect.scatter.add.f32 [tilespmem:s11], [sflag:$0x3], $0x80, s15, s9, $0xb8;
	[tilespmem:$0x1E000] =	vst v63  }
0x29: {  	s17 =	stileid.u32;
	_ =	swait.ge [sflag:s7], $0x3200  }
0x2a: {  	s18 =	sshrl.u32 s6, $0x3;
	s16 =	sadd.s32 $0x1, s16;
	[sflag:s7] =	ssyncset.done $0x0  }
0x2b: {  	s17 =	sshll.u32 s17, $0x6;
	p1 =	sne.s32 s16, s25;
	[sflag:s7] =	ssyncadd.s32 $0xFFFFCE00  }
.Ltmp1:
0x2c: {  	s17 =	sor.u32 $0x1C03, s17;
	[bflag:$0x0] =	sbarrier.arrive $0xFFFF;
	(pc) =	sbr.rel @!p1 .LBB2_18-.Ltmp1, $4  }
0x2d: {  	[hbm:s24], [sflag:s17] =	dma.local [spmem:s18], $0x2800  }
0x2e: {  	_ =	swait.ge [sflag:s7], $0x2800  }
0x2f: {  	[sflag:s7] =	ssyncset.done $0x0  }
0x30: {  	[sflag:s7] =	ssyncadd.s32 $0xFFFFD800  }
.LBB2_1:
0x31: {  	s17 =	simm.s32 $0x0;
	s18 =	simm.s32 $0x200  }
.LBB2_2:
0x32: {  	p1 =	sne.s32 s18, $0xC600;
	[tilespmem:s17+$0x3870] =	vst v0  }
0x33: {  	[tilespmem:s17+$0x3800] =	vst v0  }
0x34: {  	[tilespmem:s17+$0x3810] =	vst v0  }
.Ltmp2:
0x35: {  	[tilespmem:s17+$0x3820] =	vst v0;
	(pc) =	sbr.rel @p1 .LBB2_2-.Ltmp2, $4  }
0x36: {  	[tilespmem:s17+$0x3830] =	vst v0  }
0x37: {  	[tilespmem:s17+$0x3840] =	vst v0  }
0x38: {  	[tilespmem:s17+$0x3850] =	vst v0  }
0x39: {  	[tilespmem:s17+$0x3860] =	vst v0;
	s17 =	sshra.s32 s18, $0x2;
	s18 =	sadd.s32 $0x200, s18  }
0x3a: {  	[tilespmem:s17+$0x3870] =	vst v0  }
0x3b: {  	[tilespmem:s17+$0x3800] =	vst v0  }
0x3c: {  	[tilespmem:s17+$0x3810] =	vst v0  }
0x3d: {  	[tilespmem:s17+$0x3820] =	vst v0  }
0x3e: {  	[tilespmem:s17+$0x3830] =	vst v0  }
0x3f: {  	[tilespmem:s17+$0x3840] =	vst v0  }
0x40: {  	[tilespmem:s17+$0x3850] =	vst v0  }
0x41: {  	[tilespmem:s17+$0x3860] =	vst v0  }
0x42: {  	[spmem:s6] =	stream.linear.scatter [tilespmem:s0], [sflag:$0x3], $0x1000, $0x38;
	[tilespmem:$0x1E000] =	vst v63  }
0x43: {  	_ =	swait.ge [sflag:s7], $0x1000  }
0x44: {  	[sflag:s7] =	ssyncset.done $0x0  }
0x45: {  	s19 =	rddreg [dreg:$0x4];
	[sflag:s7] =	ssyncadd.s32 $0xFFFFF000  }
0x46: {  	[spmem:s19] =	stream.linear.scatter [tilespmem:s0], [sflag:$0x3], $0x1000, $0x38;
	[tilespmem:$0x1E000] =	vst v63  }
0x47: {  	_ =	swait.ge [sflag:s7], $0x1000  }
0x48: {  	[sflag:s7] =	ssyncset.done $0x0  }
0x49: {  	s18 =	rddreg [dreg:$0x5];
	[sflag:s7] =	ssyncadd.s32 $0xFFFFF000  }
0x4a: {  	[spmem:s18] =	stream.linear.scatter [tilespmem:s0], [sflag:$0x3], $0x1000, $0x38;
	[tilespmem:$0x1E000] =	vst v63  }
0x4b: {  	_ =	swait.ge [sflag:s7], $0x1000  }
0x4c: {  	[sflag:s7] =	ssyncset.done $0x0  }
0x4d: {  	s19 =	rddreg [dreg:$0x6];
	[sflag:s7] =	ssyncadd.s32 $0xFFFFF000  }
0x4e: {  	[spmem:s19] =	stream.linear.scatter [tilespmem:s0], [sflag:$0x3], $0x1000, $0x38;
	[tilespmem:$0x1E000] =	vst v63  }
0x4f: {  	_ =	swait.ge [sflag:s7], $0x1000  }
0x50: {  	[sflag:s7] =	ssyncset.done $0x0  }
0x51: {  	s18 =	rddreg [dreg:$0x7];
	[sflag:s7] =	ssyncadd.s32 $0xFFFFF000  }
0x52: {  	[spmem:s18] =	stream.linear.scatter [tilespmem:s0], [sflag:$0x3], $0x1000, $0x38;
	[tilespmem:$0x1E000] =	vst v63  }
0x53: {  	_ =	swait.ge [sflag:s7], $0x1000  }
0x54: {  	[sflag:s7] =	ssyncset.done $0x0  }
0x55: {  	s19 =	rddreg [dreg:$0x8];
	[sflag:s7] =	ssyncadd.s32 $0xFFFFF000  }
0x56: {  	[spmem:s19] =	stream.linear.scatter [tilespmem:s0], [sflag:$0x3], $0x1000, $0x38;
	[tilespmem:$0x1E000] =	vst v63  }
0x57: {  	_ =	swait.ge [sflag:s7], $0x1000  }
0x58: {  	[sflag:s7] =	ssyncset.done $0x0  }
0x59: {  	s18 =	rddreg [dreg:$0x9];
	[sflag:s7] =	ssyncadd.s32 $0xFFFFF000  }
0x5a: {  	[spmem:s18] =	stream.linear.scatter [tilespmem:s0], [sflag:$0x3], $0x1000, $0x38;
	[tilespmem:$0x1E000] =	vst v63  }
0x5b: {  	_ =	swait.ge [sflag:s7], $0x1000  }
0x5c: {  	[sflag:s7] =	ssyncset.done $0x0  }
0x5d: {  	s19 =	rddreg [dreg:$0xa];
	[sflag:s7] =	ssyncadd.s32 $0xFFFFF000  }
0x5e: {  	[spmem:s19] =	stream.linear.scatter [tilespmem:s0], [sflag:$0x3], $0x1000, $0x38;
	[tilespmem:$0x1E000] =	vst v63  }
0x5f: {  	_ =	swait.ge [sflag:s7], $0x1000  }
0x60: {  	[sflag:s7] =	ssyncset.done $0x0  }
0x61: {  	s18 =	rddreg [dreg:$0xb];
	[sflag:s7] =	ssyncadd.s32 $0xFFFFF000  }
0x62: {  	[spmem:s18] =	stream.linear.scatter [tilespmem:s0], [sflag:$0x3], $0x1000, $0x38;
	[tilespmem:$0x1E000] =	vst v63  }
0x63: {  	_ =	swait.ge [sflag:s7], $0x1000  }
0x64: {  	[sflag:s7] =	ssyncset.done $0x0  }
0x65: {  	s19 =	rddreg [dreg:$0xc];
	[sflag:s7] =	ssyncadd.s32 $0xFFFFF000  }
0x66: {  	[spmem:s19] =	stream.linear.scatter [tilespmem:s0], [sflag:$0x3], $0x1000, $0x38;
	[tilespmem:$0x1E000] =	vst v63  }
0x67: {  	_ =	swait.ge [sflag:s7], $0x1000  }
0x68: {  	[sflag:s7] =	ssyncset.done $0x0  }
0x69: {  	s18 =	rddreg [dreg:$0xd];
	[sflag:s7] =	ssyncadd.s32 $0xFFFFF000  }
0x6a: {  	[spmem:s18] =	stream.linear.scatter [tilespmem:s0], [sflag:$0x3], $0x1000, $0x38;
	[tilespmem:$0x1E000] =	vst v63  }
0x6b: {  	_ =	swait.ge [sflag:s7], $0x1000  }
0x6c: {  	[sflag:s7] =	ssyncset.done $0x0  }
0x6d: {  	s19 =	rddreg [dreg:$0xe];
	[sflag:s7] =	ssyncadd.s32 $0xFFFFF000  }
0x6e: {  	[spmem:s19] =	stream.linear.scatter [tilespmem:s0], [sflag:$0x3], $0x1000, $0x38;
	[tilespmem:$0x1E000] =	vst v63  }
0x6f: {  	_ =	swait.ge [sflag:s7], $0x1000  }
0x70: {  	[sflag:s7] =	ssyncset.done $0x0  }
0x71: {  	s18 =	rddreg [dreg:$0xf];
	[sflag:s7] =	ssyncadd.s32 $0xFFFFF000  }
0x72: {  	[spmem:s18] =	stream.linear.scatter [tilespmem:s0], [sflag:$0x3], $0x1000, $0x38;
	[tilespmem:$0x1E000] =	vst v63  }
0x73: {  	_ =	swait.ge [sflag:s7], $0x1000  }
0x74: {  	[sflag:s7] =	ssyncset.done $0x0  }
0x75: {  	s19 =	rddreg [dreg:$0x10];
	[sflag:s7] =	ssyncadd.s32 $0xFFFFF000  }
0x76: {  	[spmem:s19] =	stream.linear.scatter [tilespmem:s0], [sflag:$0x3], $0x1000, $0x38;
	[tilespmem:$0x1E000] =	vst v63  }
0x77: {  	_ =	swait.ge [sflag:s7], $0x1000  }
0x78: {  	[sflag:s7] =	ssyncset.done $0x0  }
0x79: {  	[sflag:s7] =	ssyncadd.s32 $0xFFFFF000  }
0x7a: {  	[spmem:s26] =	stream.linear.scatter [tilespmem:s0], [sflag:$0x3], $0x1000, $0x38;
	[tilespmem:$0x1E000] =	vst v63  }
0x7b: {  	_ =	swait.ge [sflag:s7], $0x1000  }
0x7c: {  	[sflag:s7] =	ssyncset.done $0x0  }
0x7d: {  	[sflag:s7] =	ssyncadd.s32 $0xFFFFF000  }
0x7e: {  	[spmem:s28] =	stream.linear.scatter [tilespmem:s0], [sflag:$0x3], $0x1000, $0x38;
	[tilespmem:$0x1E000] =	vst v63  }
0x7f: {  	_ =	swait.ge [sflag:s7], $0x1000  }
0x80: {  	[sflag:s7] =	ssyncset.done $0x0  }
0x81: {  	[sflag:s7] =	ssyncadd.s32 $0xFFFFF000  }
0x82: {  	[spmem:s29] =	stream.linear.scatter [tilespmem:s0], [sflag:$0x3], $0x1000, $0x38;
	[tilespmem:$0x1E000] =	vst v63  }
0x83: {  	_ =	swait.ge [sflag:s7], $0x1000  }
0x84: {  	[sflag:s7] =	ssyncset.done $0x0  }
0x85: {  	[sflag:s7] =	ssyncadd.s32 $0xFFFFF000  }
0x86: {  	[spmem:s30] =	stream.linear.scatter [tilespmem:s0], [sflag:$0x3], $0x1000, $0x38;
	[tilespmem:$0x1E000] =	vst v63  }
0x87: {  	_ =	swait.ge [sflag:s7], $0x1000  }
0x88: {  	[sflag:s7] =	ssyncset.done $0x0  }
0x89: {  	[sflag:s7] =	ssyncadd.s32 $0xFFFFF000  }
0x8a: {  	[spmem:s31] =	stream.linear.scatter [tilespmem:s0], [sflag:$0x3], $0x1000, $0x38;
	[tilespmem:$0x1E000] =	vst v63  }
0x8b: {  	_ =	swait.ge [sflag:s7], $0x1000  }
0x8c: {  	[sflag:s7] =	ssyncset.done $0x0  }
0x8d: {  	[sflag:s7] =	ssyncadd.s32 $0xFFFFF000  }
0x8e: {  	[spmem:s2] =	stream.linear.scatter [tilespmem:s0], [sflag:$0x3], $0x1000, $0x38;
	[tilespmem:$0x1E000] =	vst v63  }
0x8f: {  	_ =	swait.ge [sflag:s7], $0x1000  }
0x90: {  	[sflag:s7] =	ssyncset.done $0x0  }
0x91: {  	[sflag:s7] =	ssyncadd.s32 $0xFFFFF000  }
0x92: {  	[bflag:$0x0] =	sbarrier.arrive $0xFFFF  }
0x93: {  	[tilespmem:s4], [sflag:$0x3] =	stream.linear.gather [hbm4b:s20+s4], $0x1900, $0x38;
	[tilespmem:$0x1E000] =	vst v63  }
0x94: {  	_ =	swait.ge [sflag:s7], $0x1900  }
0x95: {  	[sflag:s7] =	ssyncset.done $0x0  }
.Ltmp3:
0x96: {  	[sflag:s7] =	ssyncadd.s32 $0xFFFFE700;
	(pc) =	sbr.rel @p0 .LBB2_7-.Ltmp3, $4  }
0x97: {  	[tilespmem:s8], [sflag:$0x3] =	stream.linear.gather [hbm4b:s21+s4], $0x1900, $0x38;
	[tilespmem:$0x1E000] =	vst v63  }
0x98: {  	_ =	swait.ge [sflag:s7], $0x1900  }
0x99: {  	[sflag:s7] =	ssyncset.done $0x0  }
0x9a: {  	s17 =	simm.s32 $0x0;
	[sflag:s7] =	ssyncadd.s32 $0xFFFFE700  }
0x9b: {  	[tilespmem:s0], [sflag:$0x1] =	stream.indirect.gather [hbm4b:s1+s9], $0x80, s17, s9, $0xb8;
	[tilespmem:$0x1E000] =	vst v63  }
0x9c: {  	_ =	swait.ge [sflag:s10], $0x3200  }
0x9d: {  	[sflag:s10] =	ssyncset.done $0x0  }
0x9e: {  	s18 =	simm.s32 $0x80;
	[sflag:s10] =	ssyncadd.s32 $0xFFFFCE00  }
0x9f: {  	[tilespmem:s11], [sflag:$0x2] =	stream.indirect.gather [hbm4b:s1+s9], $0x80, s18, s9, $0xb8;
	[tilespmem:$0x1E000] =	vst v63  }
0xa0: {  	s19 =	simm.s32 $0x1C00  }
0xa1: {  	[spmem:s3] =	stream.indirect.scatter.add.f32 [tilespmem:s0], [sflag:$0x3], $0x80, s19, s9, $0xb8;
	[tilespmem:$0x1E000] =	vst v63  }
0xa2: {  	_ =	swait.ge [sflag:s7], $0x3200  }
0xa3: {  	[sflag:s7] =	ssyncset.done $0x0  }
0xa4: {  	[sflag:s7] =	ssyncadd.s32 $0xFFFFCE00  }
0xa5: {  	_ =	swait.ge [sflag:s12], $0x3200  }
0xa6: {  	[sflag:s12] =	ssyncset.done $0x0  }
0xa7: {  	s18 =	simm.s32 $0x100;
	[sflag:s12] =	ssyncadd.s32 $0xFFFFCE00  }
0xa8: {  	[tilespmem:s0], [sflag:$0x1] =	stream.indirect.gather [hbm4b:s1+s9], $0x80, s18, s9, $0xb8;
	[tilespmem:$0x1E000] =	vst v63  }
0xa9: {  	s19 =	simm.s32 $0x1C80  }
0xaa: {  	[spmem:s3] =	stream.indirect.scatter.add.f32 [tilespmem:s11], [sflag:$0x3], $0x80, s19, s9, $0xb8;
	[tilespmem:$0x1E000] =	vst v63  }
0xab: {  	_ =	swait.ge [sflag:s7], $0x3200  }
0xac: {  	s17 =	simm.s32 $0x400;
	[sflag:s7] =	ssyncset.done $0x0  }
.LBB2_5:
0xad: {  	p1 =	seq.s32 s17, $0x5C00  }
0xae: {  	[sflag:s7] =	ssyncadd.s32 $0xFFFFCE00;
	s18 =	smov.u32 s17;
	s17 =	sadd.s32 $0x400, s17  }
0xaf: {  	_ = 	snop  }
0xb0: {  	_ =	swait.ge [sflag:s10], $0x3200  }
0xb1: {  	s18 =	sshra.s32 s18, $0x2;
	[sflag:s10] =	ssyncset.done $0x0  }
0xb2: {  	s19 =	sadd.s32 $0x80, s18;
	[sflag:s10] =	ssyncadd.s32 $0xFFFFCE00  }
0xb3: {  	[tilespmem:s11], [sflag:$0x2] =	stream.indirect.gather [hbm4b:s1+s9], $0x80, s19, s9, $0xb8;
	[tilespmem:$0x1E000] =	vst v63  }
0xb4: {  	s19 =	sadd.s32 $0x1C00, s18  }
0xb5: {  	[spmem:s3] =	stream.indirect.scatter.add.f32 [tilespmem:s0], [sflag:$0x3], $0x80, s19, s9, $0xb8;
	[tilespmem:$0x1E000] =	vst v63  }
0xb6: {  	_ =	swait.ge [sflag:s7], $0x3200  }
0xb7: {  	[sflag:s7] =	ssyncset.done $0x0  }
0xb8: {  	[sflag:s7] =	ssyncadd.s32 $0xFFFFCE00  }
0xb9: {  	_ =	swait.ge [sflag:s12], $0x3200  }
0xba: {  	[sflag:s12] =	ssyncset.done $0x0  }
0xbb: {  	s19 =	sadd.s32 $0x100, s18;
	[sflag:s12] =	ssyncadd.s32 $0xFFFFCE00  }
0xbc: {  	[tilespmem:s0], [sflag:$0x1] =	stream.indirect.gather [hbm4b:s1+s9], $0x80, s19, s9, $0xb8;
	[tilespmem:$0x1E000] =	vst v63  }
.Ltmp4:
0xbd: {  	_ = 	snop;
	(pc) =	sbr.rel @!p1 .LBB2_5-.Ltmp4, $4  }
0xbe: {  	s18 =	sadd.s32 $0x1C80, s18  }
0xbf: {  	[spmem:s3] =	stream.indirect.scatter.add.f32 [tilespmem:s11], [sflag:$0x3], $0x80, s18, s9, $0xb8;
	[tilespmem:$0x1E000] =	vst v63  }
0xc0: {  	_ =	swait.ge [sflag:s7], $0x3200  }
0xc1: {  	[sflag:s7] =	ssyncset.done $0x0  }
.Ltmp5:
0xc2: {  	[sflag:s7] =	ssyncadd.s32 $0xFFFFCE00;
	(pc) =	sbr.rel .LBB2_10-.Ltmp5, $4  }
0xc3: {  	_ =	swait.ge [sflag:s10], $0x3200  }
0xc4: {  	[sflag:s10] =	ssyncset.done $0x0  }
0xc5: {  	[sflag:s10] =	ssyncadd.s32 $0xFFFFCE00  }
0xc6: {  	[tilespmem:s11], [sflag:$0x2] =	stream.indirect.gather [hbm4b:s1+s9], $0x80, s13, s9, $0xb8;
	[tilespmem:$0x1E000] =	vst v63  }
.LBB2_7:
0xc7: {  	[tilespmem:s0], [sflag:$0x1] =	stream.indirect.gather [hbm4b:s5+s9], $0x80, s17, s9, $0xb8;
	[tilespmem:$0x1E000] =	vst v63  }
0xc8: {  	_ =	swait.ge [sflag:s10], $0x3200  }
0xc9: {  	[sflag:s10] =	ssyncset.done $0x0  }
0xca: {  	s18 =	simm.s32 $0x80;
	[sflag:s10] =	ssyncadd.s32 $0xFFFFCE00  }
0xcb: {  	[tilespmem:s11], [sflag:$0x2] =	stream.indirect.gather [hbm4b:s5+s9], $0x80, s18, s9, $0xb8;
	[tilespmem:$0x1E000] =	vst v63  }
0xcc: {  	s19 =	simm.s32 $0x1C00  }
0xcd: {  	[spmem:s3] =	stream.indirect.scatter.add.f32 [tilespmem:s0], [sflag:$0x3], $0x80, s19, s9, $0xb8;
	[tilespmem:$0x1E000] =	vst v63  }
0xce: {  	_ =	swait.ge [sflag:s7], $0x3200  }
0xcf: {  	[sflag:s7] =	ssyncset.done $0x0  }
0xd0: {  	[sflag:s7] =	ssyncadd.s32 $0xFFFFCE00  }
0xd1: {  	_ =	swait.ge [sflag:s12], $0x3200  }
0xd2: {  	[sflag:s12] =	ssyncset.done $0x0  }
0xd3: {  	s18 =	simm.s32 $0x100;
	[sflag:s12] =	ssyncadd.s32 $0xFFFFCE00  }
0xd4: {  	[tilespmem:s0], [sflag:$0x1] =	stream.indirect.gather [hbm4b:s5+s9], $0x80, s18, s9, $0xb8;
	[tilespmem:$0x1E000] =	vst v63  }
0xd5: {  	s19 =	simm.s32 $0x1C80  }
0xd6: {  	[spmem:s3] =	stream.indirect.scatter.add.f32 [tilespmem:s11], [sflag:$0x3], $0x80, s19, s9, $0xb8;
	[tilespmem:$0x1E000] =	vst v63  }
0xd7: {  	_ =	swait.ge [sflag:s7], $0x3200  }
0xd8: {  	s17 =	simm.s32 $0x400;
	[sflag:s7] =	ssyncset.done $0x0  }
.LBB2_8:
0xd9: {  	p1 =	seq.s32 s17, $0x5C00  }
0xda: {  	[sflag:s7] =	ssyncadd.s32 $0xFFFFCE00;
	s18 =	smov.u32 s17;
	s17 =	sadd.s32 $0x400, s17  }
0xdb: {  	_ = 	snop  }
0xdc: {  	_ =	swait.ge [sflag:s10], $0x3200  }
0xdd: {  	s18 =	sshra.s32 s18, $0x2;
	[sflag:s10] =	ssyncset.done $0x0  }
0xde: {  	s19 =	sadd.s32 $0x80, s18;
	[sflag:s10] =	ssyncadd.s32 $0xFFFFCE00  }
0xdf: {  	[tilespmem:s11], [sflag:$0x2] =	stream.indirect.gather [hbm4b:s5+s9], $0x80, s19, s9, $0xb8;
	[tilespmem:$0x1E000] =	vst v63  }
0xe0: {  	s19 =	sadd.s32 $0x1C00, s18  }
0xe1: {  	[spmem:s3] =	stream.indirect.scatter.add.f32 [tilespmem:s0], [sflag:$0x3], $0x80, s19, s9, $0xb8;
	[tilespmem:$0x1E000] =	vst v63  }
0xe2: {  	_ =	swait.ge [sflag:s7], $0x3200  }
0xe3: {  	[sflag:s7] =	ssyncset.done $0x0  }
0xe4: {  	[sflag:s7] =	ssyncadd.s32 $0xFFFFCE00  }
0xe5: {  	_ =	swait.ge [sflag:s12], $0x3200  }
0xe6: {  	[sflag:s12] =	ssyncset.done $0x0  }
0xe7: {  	s19 =	sadd.s32 $0x100, s18;
	[sflag:s12] =	ssyncadd.s32 $0xFFFFCE00  }
0xe8: {  	[tilespmem:s0], [sflag:$0x1] =	stream.indirect.gather [hbm4b:s5+s9], $0x80, s19, s9, $0xb8;
	[tilespmem:$0x1E000] =	vst v63  }
.Ltmp6:
0xe9: {  	_ = 	snop;
	(pc) =	sbr.rel @!p1 .LBB2_8-.Ltmp6, $4  }
0xea: {  	s18 =	sadd.s32 $0x1C80, s18  }
0xeb: {  	[spmem:s3] =	stream.indirect.scatter.add.f32 [tilespmem:s11], [sflag:$0x3], $0x80, s18, s9, $0xb8;
	[tilespmem:$0x1E000] =	vst v63  }
0xec: {  	_ =	swait.ge [sflag:s7], $0x3200  }
0xed: {  	[sflag:s7] =	ssyncset.done $0x0  }
0xee: {  	[sflag:s7] =	ssyncadd.s32 $0xFFFFCE00  }
0xef: {  	_ =	swait.ge [sflag:s10], $0x3200  }
0xf0: {  	[sflag:s10] =	ssyncset.done $0x0  }
0xf1: {  	[sflag:s10] =	ssyncadd.s32 $0xFFFFCE00  }
0xf2: {  	[tilespmem:s11], [sflag:$0x2] =	stream.indirect.gather [hbm4b:s5+s9], $0x80, s13, s9, $0xb8;
	[tilespmem:$0x1E000] =	vst v63  }
.LBB2_10:
0xf3: {  	[spmem:s3] =	stream.indirect.scatter.add.f32 [tilespmem:s0], [sflag:$0x3], $0x80, s14, s9, $0xb8;
	[tilespmem:$0x1E000] =	vst v63  }
0xf4: {  	_ =	swait.ge [sflag:s7], $0x3200  }
0xf5: {  	[sflag:s7] =	ssyncset.done $0x0  }
0xf6: {  	[sflag:s7] =	ssyncadd.s32 $0xFFFFCE00  }
0xf7: {  	_ =	swait.ge [sflag:s12], $0x3200  }
0xf8: {  	[sflag:s12] =	ssyncset.done $0x0  }
0xf9: {  	[sflag:s12] =	ssyncadd.s32 $0xFFFFCE00  }
0xfa: {  	[spmem:s3] =	stream.indirect.scatter.add.f32 [tilespmem:s11], [sflag:$0x3], $0x80, s15, s9, $0xb8;
	[tilespmem:$0x1E000] =	vst v63  }
0xfb: {  	_ =	swait.ge [sflag:s7], $0x3200  }
0xfc: {  	[sflag:s7] =	ssyncset.done $0x0  }
0xfd: {  	[sflag:s7] =	ssyncadd.s32 $0xFFFFCE00  }
0xfe: {  	[tilespmem:s4], [sflag:$0x3] =	stream.linear.gather [hbm4b:s22+s4], $0x1900, $0x38;
	[tilespmem:$0x1E000] =	vst v63  }
0xff: {  	_ =	swait.ge [sflag:s7], $0x1900  }
0x100: {  	[sflag:s7] =	ssyncset.done $0x0  }
.Ltmp7:
0x101: {  	[sflag:s7] =	ssyncadd.s32 $0xFFFFE700;
	(pc) =	sbr.rel @p0 .LBB2_14-.Ltmp7, $4  }
0x102: {  	[tilespmem:s8], [sflag:$0x3] =	stream.linear.gather [hbm4b:s23+s4], $0x1900, $0x38;
	[tilespmem:$0x1E000] =	vst v63  }
0x103: {  	_ =	swait.ge [sflag:s7], $0x1900  }
0x104: {  	[sflag:s7] =	ssyncset.done $0x0  }
0x105: {  	s17 =	simm.s32 $0x0;
	[sflag:s7] =	ssyncadd.s32 $0xFFFFE700  }
0x106: {  	[tilespmem:s0], [sflag:$0x1] =	stream.indirect.gather [hbm4b:s1+s9], $0x80, s17, s9, $0xb8;
	[tilespmem:$0x1E000] =	vst v63  }
0x107: {  	_ =	swait.ge [sflag:s10], $0x3200  }
0x108: {  	[sflag:s10] =	ssyncset.done $0x0  }
0x109: {  	s18 =	simm.s32 $0x80;
	[sflag:s10] =	ssyncadd.s32 $0xFFFFCE00  }
0x10a: {  	[tilespmem:s11], [sflag:$0x2] =	stream.indirect.gather [hbm4b:s1+s9], $0x80, s18, s9, $0xb8;
	[tilespmem:$0x1E000] =	vst v63  }
0x10b: {  	s19 =	simm.s32 $0x1C00  }
0x10c: {  	[spmem:s3] =	stream.indirect.scatter.add.f32 [tilespmem:s0], [sflag:$0x3], $0x80, s19, s9, $0xb8;
	[tilespmem:$0x1E000] =	vst v63  }
0x10d: {  	_ =	swait.ge [sflag:s7], $0x3200  }
0x10e: {  	[sflag:s7] =	ssyncset.done $0x0  }
0x10f: {  	[sflag:s7] =	ssyncadd.s32 $0xFFFFCE00  }
0x110: {  	_ =	swait.ge [sflag:s12], $0x3200  }
0x111: {  	[sflag:s12] =	ssyncset.done $0x0  }
0x112: {  	s18 =	simm.s32 $0x100;
	[sflag:s12] =	ssyncadd.s32 $0xFFFFCE00  }
0x113: {  	[tilespmem:s0], [sflag:$0x1] =	stream.indirect.gather [hbm4b:s1+s9], $0x80, s18, s9, $0xb8;
	[tilespmem:$0x1E000] =	vst v63  }
0x114: {  	s19 =	simm.s32 $0x1C80  }
0x115: {  	[spmem:s3] =	stream.indirect.scatter.add.f32 [tilespmem:s11], [sflag:$0x3], $0x80, s19, s9, $0xb8;
	[tilespmem:$0x1E000] =	vst v63  }
0x116: {  	_ =	swait.ge [sflag:s7], $0x3200  }
0x117: {  	s17 =	simm.s32 $0x400;
	[sflag:s7] =	ssyncset.done $0x0  }
.LBB2_12:
0x118: {  	p1 =	seq.s32 s17, $0x5C00  }
0x119: {  	[sflag:s7] =	ssyncadd.s32 $0xFFFFCE00;
	s18 =	smov.u32 s17;
	s17 =	sadd.s32 $0x400, s17  }
0x11a: {  	_ = 	snop  }
0x11b: {  	_ =	swait.ge [sflag:s10], $0x3200  }
0x11c: {  	s18 =	sshra.s32 s18, $0x2;
	[sflag:s10] =	ssyncset.done $0x0  }
0x11d: {  	s19 =	sadd.s32 $0x80, s18;
	[sflag:s10] =	ssyncadd.s32 $0xFFFFCE00  }
0x11e: {  	[tilespmem:s11], [sflag:$0x2] =	stream.indirect.gather [hbm4b:s1+s9], $0x80, s19, s9, $0xb8;
	[tilespmem:$0x1E000] =	vst v63  }
0x11f: {  	s19 =	sadd.s32 $0x1C00, s18  }
0x120: {  	[spmem:s3] =	stream.indirect.scatter.add.f32 [tilespmem:s0], [sflag:$0x3], $0x80, s19, s9, $0xb8;
	[tilespmem:$0x1E000] =	vst v63  }
0x121: {  	_ =	swait.ge [sflag:s7], $0x3200  }
0x122: {  	[sflag:s7] =	ssyncset.done $0x0  }
0x123: {  	[sflag:s7] =	ssyncadd.s32 $0xFFFFCE00  }
0x124: {  	_ =	swait.ge [sflag:s12], $0x3200  }
0x125: {  	[sflag:s12] =	ssyncset.done $0x0  }
0x126: {  	s19 =	sadd.s32 $0x100, s18;
	[sflag:s12] =	ssyncadd.s32 $0xFFFFCE00  }
0x127: {  	[tilespmem:s0], [sflag:$0x1] =	stream.indirect.gather [hbm4b:s1+s9], $0x80, s19, s9, $0xb8;
	[tilespmem:$0x1E000] =	vst v63  }
.Ltmp8:
0x128: {  	_ = 	snop;
	(pc) =	sbr.rel @!p1 .LBB2_12-.Ltmp8, $4  }
0x129: {  	s18 =	sadd.s32 $0x1C80, s18  }
0x12a: {  	[spmem:s3] =	stream.indirect.scatter.add.f32 [tilespmem:s11], [sflag:$0x3], $0x80, s18, s9, $0xb8;
	[tilespmem:$0x1E000] =	vst v63  }
0x12b: {  	_ =	swait.ge [sflag:s7], $0x3200  }
0x12c: {  	[sflag:s7] =	ssyncset.done $0x0  }
.Ltmp9:
0x12d: {  	[sflag:s7] =	ssyncadd.s32 $0xFFFFCE00;
	(pc) =	sbr.rel .LBB2_17-.Ltmp9, $4  }
0x12e: {  	_ =	swait.ge [sflag:s10], $0x3200  }
0x12f: {  	[sflag:s10] =	ssyncset.done $0x0  }
0x130: {  	[sflag:s10] =	ssyncadd.s32 $0xFFFFCE00  }
0x131: {  	[tilespmem:s11], [sflag:$0x2] =	stream.indirect.gather [hbm4b:s1+s9], $0x80, s13, s9, $0xb8;
	[tilespmem:$0x1E000] =	vst v63  }
.LBB2_14:
0x132: {  	[tilespmem:s0], [sflag:$0x1] =	stream.indirect.gather [hbm4b:s5+s9], $0x80, s17, s9, $0xb8;
	[tilespmem:$0x1E000] =	vst v63  }
0x133: {  	_ =	swait.ge [sflag:s10], $0x3200  }
0x134: {  	[sflag:s10] =	ssyncset.done $0x0  }
0x135: {  	s18 =	simm.s32 $0x80;
	[sflag:s10] =	ssyncadd.s32 $0xFFFFCE00  }
0x136: {  	[tilespmem:s11], [sflag:$0x2] =	stream.indirect.gather [hbm4b:s5+s9], $0x80, s18, s9, $0xb8;
	[tilespmem:$0x1E000] =	vst v63  }
0x137: {  	s19 =	simm.s32 $0x1C00  }
0x138: {  	[spmem:s3] =	stream.indirect.scatter.add.f32 [tilespmem:s0], [sflag:$0x3], $0x80, s19, s9, $0xb8;
	[tilespmem:$0x1E000] =	vst v63  }
0x139: {  	_ =	swait.ge [sflag:s7], $0x3200  }
0x13a: {  	[sflag:s7] =	ssyncset.done $0x0  }
0x13b: {  	[sflag:s7] =	ssyncadd.s32 $0xFFFFCE00  }
0x13c: {  	_ =	swait.ge [sflag:s12], $0x3200  }
0x13d: {  	[sflag:s12] =	ssyncset.done $0x0  }
0x13e: {  	s18 =	simm.s32 $0x100;
	[sflag:s12] =	ssyncadd.s32 $0xFFFFCE00  }
0x13f: {  	[tilespmem:s0], [sflag:$0x1] =	stream.indirect.gather [hbm4b:s5+s9], $0x80, s18, s9, $0xb8;
	[tilespmem:$0x1E000] =	vst v63  }
0x140: {  	s19 =	simm.s32 $0x1C80  }
0x141: {  	[spmem:s3] =	stream.indirect.scatter.add.f32 [tilespmem:s11], [sflag:$0x3], $0x80, s19, s9, $0xb8;
	[tilespmem:$0x1E000] =	vst v63  }
0x142: {  	_ =	swait.ge [sflag:s7], $0x3200  }
0x143: {  	s17 =	simm.s32 $0x400;
	[sflag:s7] =	ssyncset.done $0x0  }
.LBB2_15:
0x144: {  	p1 =	seq.s32 s17, $0x5C00  }
0x145: {  	[sflag:s7] =	ssyncadd.s32 $0xFFFFCE00;
	s18 =	smov.u32 s17;
	s17 =	sadd.s32 $0x400, s17  }
0x146: {  	_ = 	snop  }
0x147: {  	_ =	swait.ge [sflag:s10], $0x3200  }
0x148: {  	s18 =	sshra.s32 s18, $0x2;
	[sflag:s10] =	ssyncset.done $0x0  }
0x149: {  	s19 =	sadd.s32 $0x80, s18;
	[sflag:s10] =	ssyncadd.s32 $0xFFFFCE00  }
0x14a: {  	[tilespmem:s11], [sflag:$0x2] =	stream.indirect.gather [hbm4b:s5+s9], $0x80, s19, s9, $0xb8;
	[tilespmem:$0x1E000] =	vst v63  }
0x14b: {  	s19 =	sadd.s32 $0x1C00, s18  }
0x14c: {  	[spmem:s3] =	stream.indirect.scatter.add.f32 [tilespmem:s0], [sflag:$0x3], $0x80, s19, s9, $0xb8;
	[tilespmem:$0x1E000] =	vst v63  }
0x14d: {  	_ =	swait.ge [sflag:s7], $0x3200  }
0x14e: {  	[sflag:s7] =	ssyncset.done $0x0  }
0x14f: {  	[sflag:s7] =	ssyncadd.s32 $0xFFFFCE00  }
0x150: {  	_ =	swait.ge [sflag:s12], $0x3200  }
0x151: {  	[sflag:s12] =	ssyncset.done $0x0  }
0x152: {  	s19 =	sadd.s32 $0x100, s18;
	[sflag:s12] =	ssyncadd.s32 $0xFFFFCE00  }
0x153: {  	[tilespmem:s0], [sflag:$0x1] =	stream.indirect.gather [hbm4b:s5+s9], $0x80, s19, s9, $0xb8;
	[tilespmem:$0x1E000] =	vst v63  }
.Ltmp10:
0x154: {  	_ = 	snop;
	(pc) =	sbr.rel @!p1 .LBB2_15-.Ltmp10, $4  }
0x155: {  	s18 =	sadd.s32 $0x1C80, s18  }
0x156: {  	[spmem:s3] =	stream.indirect.scatter.add.f32 [tilespmem:s11], [sflag:$0x3], $0x80, s18, s9, $0xb8;
	[tilespmem:$0x1E000] =	vst v63  }
0x157: {  	_ =	swait.ge [sflag:s7], $0x3200  }
0x158: {  	[sflag:s7] =	ssyncset.done $0x0  }
.Ltmp11:
0x159: {  	_ = 	snop;
	(pc) =	sbr.rel .LBB2_16-.Ltmp11, $1  }
0x15a: {  	_ =	sdelay $0x3  }
.LBB2_18:
0x15b: {  	_ =	sfence.sel $0x180000  }
0x15c: {  	[bflag:$0x0] =	sbarrier.arrive $0xFFFF  }
0x15d: {  	_ =	strace $0x9000004A  }
0x15e: {  	s0 =	stileid.u32;
	[bflag:$0x2] =	sbarrier.arrive $0xFFFF  }
0x15f: {  	p0 =	sne.s32 s0, $0x0;
	s0 =	rddreg [dreg:$0x3]  }
0x160: {  	s0 =	sadd.s32 @!p0 $0x100000, s0  }
0x161: {  	[sflag:s0] =	ssyncadd.tile.s32 @!p0 $0x1;
	_ =	shalt  }
.Lfunc_end2:
_tile_overlayer_lowered:
.L_overlay_start_2:
0x162: {  	(tag) =	ssettag $0x2  }
0x163: {  	s0 =	rddreg [dreg:$0x0];
	s2 =	stileid.u32  }
0x164: {  	s1 =	rddreg [dreg:$0x1];
	p0 =	sne.s32 s2, $0x0  }
0x165: {  	s3 =	rddreg [dreg:$0x2];
	[bflag:$0x3] =	sbarrier.arrive $0xFFFF;
	s2 =	simm.s32 @!p0 $0x1C03  }
0x166: {  	[timem:s3], [sflag:s2] =	dma.local @!p0 [hbm:s0], s1  }
0x167: {  	s0 =	simm.s32 @!p0 $0x3  }
0x168: {  	_ =	swait.ge @!p0 [sflag:s0], s1  }
0x169: {  	s1 =	ssub.s32 @!p0 $0x0, s1;
	[sflag:s0] =	ssyncset.done @!p0 $0x0  }
0x16a: {  	[sflag:s0] =	ssyncadd.s32 @!p0 s1  }
0x16b: {  	[bflag:$0x3] =	sbarrier.arrive $0xFFFF  }
0x16c: {  	_ =	shalt  }

</sc_bundles>
